<compile_context>
chip_gen: v7x
topology: tpu7x:2x2x1
jax: 0.10.2.dev20260603
libtpu: 0.0.44.dev20260713+nightly
codegen_flags: <defaults>
</compile_context>

<pallas_src>
import functools

import jax
import jax.numpy as jnp
from jax import lax
from jax.experimental import pallas as pl
from jax.experimental.pallas import tpu as pltpu
from jax.experimental.pallas import tpu_sc as plsc

_B, _T, _L, _V = 1024, 200, 32, 100000
_NST, _NKC, _NKR, _NO = 4, 2, 4, 3
_BT = _B * _T
_NC, _NSUB = 2, 16
_NW = _NC * _NSUB
_CH = 128
_SROWS = (_B * _NST) // _NW
_KROWS = (_NKC * _BT) // _NW
_KCHUNKS = _KROWS // _CH
_NBUF = 4

_MESH = dict(core_axis_name="c", subcore_axis_name="s",
             num_cores=_NC, num_subcores=_NSUB)


def _sc_gather_known(kflat, kidx):

    @functools.partial(
        pl.kernel,
        out_type=jax.ShapeDtypeStruct((_T, _NKC, _L, _B), jnp.float32),
        mesh=plsc.VectorSubcoreMesh(**_MESH),
        scratch_types=(
            pltpu.VMEM((_NBUF, _CH), jnp.int32),
            pltpu.VMEM((_NBUF, _CH, _L), jnp.float32),
            pltpu.VMEM((2, _L, _CH), jnp.float32),
            pltpu.SemaphoreType.DMA,
            pltpu.SemaphoreType.DMA,
            pltpu.SemaphoreType.DMA,
            pltpu.SemaphoreType.DMA,
            pltpu.SemaphoreType.DMA,
            pltpu.SemaphoreType.DMA,
        ),
        compiler_params=pltpu.CompilerParams(use_tc_tiling_on_sc=False,
                                             needs_layout_passes=False,
                                             disable_bounds_checks=True),
    )
    def gk(kflat_h, kidx_h, cout_h, kidx_v, rows_v, tr_v,
           sem0, sem1, sem2, sem3, osem0, osem1):
        sems = (sem0, sem1, sem2, sem3)
        osems = (osem0, osem1)
        w = lax.axis_index("s") * _NC + lax.axis_index("c")
        kbase = w * _KROWS
        cbase = w * _KCHUNKS
        iota = lax.iota(jnp.int32, 16)
        halves = (iota, iota + 16)

        def start(j, b):
            pltpu.sync_copy(kidx_h.at[pl.ds(kbase + j * _CH, _CH)],
                            kidx_v.at[b])
            return pltpu.async_copy(kflat_h.at[kidx_v.at[b]], rows_v.at[b],
                                    sems[b])

        for b in range(_NBUF - 1):
            start(b, b)

        def body(p, carry):
            for b in range(_NBUF):
                j = p * _NBUF + b
                nxt = j + (_NBUF - 1)
                bn = (b + _NBUF - 1) % _NBUF

                @pl.when(nxt < _KCHUNKS)
                def _():
                    start(nxt, bn)

                pltpu.make_async_copy(kflat_h.at[kidx_v.at[b]],
                                      rows_v.at[b], sems[b]).wait()
                tb = b % 2

                @pl.when(j >= 2)
                def _():
                    pltpu.make_async_copy(
                        tr_v.at[tb], cout_h.at[0, 0, :, pl.ds(0, _CH)],
                        osems[tb]).wait()

                def tr(g, c2):
                    for q in range(8):
                        r = g * 8 + q
                        rv = jnp.zeros((16,), jnp.int32) + r
                        for half in range(2):
                            val = rows_v[b, r, pl.ds(half * 16, 16)]
                            plsc.store_scatter(
                                tr_v.at[tb], [halves[half], rv], val)
                    return c2

                lax.fori_loop(0, _CH // 8, tr, 0)

                c = cbase + j
                t = c // 16
                rem = c % 16
                f = rem // 8
                b0 = (rem % 8) * _CH
                pltpu.async_copy(
                    tr_v.at[tb], cout_h.at[t, f, :, pl.ds(b0, _CH)],
                    osems[tb])
            return carry

        lax.fori_loop(0, _KCHUNKS // _NBUF, body, 0)
        for tb in range(2):
            pltpu.make_async_copy(
                tr_v.at[tb], cout_h.at[0, 0, :, pl.ds(0, _CH)],
                osems[tb]).wait()

    return gk(kflat, kidx)


def _sc_gather_static(sflat, sidx):

    @functools.partial(
        pl.kernel,
        out_type=jax.ShapeDtypeStruct((_B * _NST, _L), jnp.float32),
        mesh=plsc.VectorSubcoreMesh(**_MESH),
        scratch_types=(
            pltpu.VMEM((_CH,), jnp.int32),
            pltpu.VMEM((_CH, _L), jnp.float32),
            pltpu.SemaphoreType.DMA,
        ),
        compiler_params=pltpu.CompilerParams(use_tc_tiling_on_sc=False),
    )
    def gs(sflat_h, sidx_h, sout_h, sidx_v, srows_v, sem):
        w = lax.axis_index("s") * _NC + lax.axis_index("c")
        sbase = w * _SROWS
        pltpu.sync_copy(sidx_h.at[pl.ds(sbase, _CH)], sidx_v)
        pltpu.async_copy(sflat_h.at[sidx_v], srows_v, sem).wait()
        pltpu.sync_copy(srows_v, sout_h.at[pl.ds(sbase, _CH)])

    return gs(sflat, sidx)


def _tc_assemble(krT, obsT, cat3, wkT, bkT, woT, boT):

    def body(kr_ref, obs_ref, cat_ref, wk_ref, bk_ref, wo_ref, bo_ref,
             kout_ref, oout_ref):
        for j in range(_NKR):
            kout_ref[0, j] = wk_ref[j] * kr_ref[0, j][None, :] + bk_ref[j]
        for i in range(_NO):
            oout_ref[0, i] = wo_ref[i] * obs_ref[0, i][None, :] + bo_ref[i]
        for f in range(_NKC):
            kout_ref[0, _NKR + f] = cat_ref[0, f]

    return pl.pallas_call(
        body,
        grid=(_T,),
        in_specs=[
            pl.BlockSpec((1, _NKR, _B), lambda t: (t, 0, 0)),
            pl.BlockSpec((1, _NO, _B), lambda t: (t, 0, 0)),
            pl.BlockSpec((1, _NKC, _L, _B), lambda t: (t, 0, 0, 0)),
            pl.BlockSpec((_NKR, _L, 1), lambda t: (0, 0, 0)),
            pl.BlockSpec((_NKR, _L, 1), lambda t: (0, 0, 0)),
            pl.BlockSpec((_NO, _L, 1), lambda t: (0, 0, 0)),
            pl.BlockSpec((_NO, _L, 1), lambda t: (0, 0, 0)),
        ],
        out_specs=[
            pl.BlockSpec((1, 6, _L, _B), lambda t: (t, 0, 0, 0)),
            pl.BlockSpec((1, _NO, _L, _B), lambda t: (t, 0, 0, 0)),
        ],
        out_shape=[
            jax.ShapeDtypeStruct((_T, 6, _L, _B), jnp.float32),
            jax.ShapeDtypeStruct((_T, _NO, _L, _B), jnp.float32),
        ],
        compiler_params=pltpu.CompilerParams(
            dimension_semantics=("parallel",)),
    )(krT, obsT, cat3, wkT, bkT, woT, boT)


def kernel(static, known_real, known_categorical, observed, static_tables,
           known_tables, known_dense_w, known_dense_b, observed_dense_w,
           observed_dense_b):
    sflat = static_tables.reshape(_NST * _V, _L)
    kflat = known_tables.reshape(_NKC * _V, _L)

    krT = jnp.transpose(known_real, (1, 2, 0))
    obsT = jnp.transpose(observed, (1, 2, 0))
    kcT = jnp.transpose(known_categorical, (1, 2, 0))
    staticT = jnp.transpose(static, (1, 2, 0))

    offs_s = (jnp.arange(_NST, dtype=jnp.int32) * _V)[:, None]
    sidx = (staticT[0].astype(jnp.int32) + offs_s).reshape(-1)
    offs_k = (jnp.arange(_NKC, dtype=jnp.int32) * _V)[None, :, None]
    kidx = (kcT.astype(jnp.int32) + offs_k).reshape(-1)

    cat_rows = _sc_gather_known(kflat, kidx)
    static_rows = _sc_gather_static(sflat, sidx)

    wkT = jnp.transpose(known_dense_w, (0, 2, 1))
    bkT = known_dense_b[..., None]
    woT = jnp.transpose(observed_dense_w, (0, 2, 1))
    boT = observed_dense_b[..., None]

    known_t, obs_t = _tc_assemble(
        krT, obsT, cat_rows, wkT, bkT, woT, boT)

    return (static_rows.reshape(_NST, _B, _L).transpose(1, 0, 2),
            known_t.transpose(3, 0, 2, 1),
            obs_t.transpose(3, 0, 2, 1))

# --- scband reference (transcript-rebuilt; emitter-appended) ---
"""Pipeline reference for scband-input-embedding-12034498363627 (READ-ONLY COPY).

The authoritative reference and input builder live on the scoring server;
editing this copy changes nothing except your own understanding.
"""

import jax, jax.numpy as jnp
import numpy as np

B, T, L, V = 1024, 200, 32, 100000
N_STATIC, N_KNOWN_CAT, N_KNOWN_REAL, N_OBS = 4, 2, 4, 3

def setup_inputs(seed: int = 0) -> dict:
    key = jax.random.key(seed)
    ks = jax.random.split(key, 10)
    static = jax.random.randint(ks[0], (B, T, N_STATIC), 0, V, dtype=jnp.int64 if jax.config.jax_enable_x64 else jnp.int32)
    known_real = jax.random.normal(ks[1], (B, T, N_KNOWN_REAL), dtype=jnp.float32)
    known_categorical = jax.random.randint(ks[2], (B, T, N_KNOWN_CAT), 0, V, dtype=jnp.int64 if jax.config.jax_enable_x64 else jnp.int32)
    observed = jax.random.normal(ks[3], (B, T, N_OBS), dtype=jnp.float32)
    static_tables = jax.random.normal(ks[4], (N_STATIC, V, L), dtype=jnp.float32) * 0.02
    known_tables = jax.random.normal(ks[5], (N_KNOWN_CAT, V, L), dtype=jnp.float32) * 0.02
    known_dense_w = jax.random.normal(ks[6], (N_KNOWN_REAL, 1, L), dtype=jnp.float32) * 0.1
    known_dense_b = jnp.zeros((N_KNOWN_REAL, L), dtype=jnp.float32)
    observed_dense_w = jax.random.normal(ks[7], (N_OBS, 1, L), dtype=jnp.float32) * 0.1
    observed_dense_b = jnp.zeros((N_OBS, L), dtype=jnp.float32)
    return {
        "static": static,
        "known_real": known_real,
        "known_categorical": known_categorical,
        "observed": observed,
        "static_tables": static_tables,
        "known_tables": known_tables,
        "known_dense_w": known_dense_w,
        "known_dense_b": known_dense_b,
        "observed_dense_w": observed_dense_w,
        "observed_dense_b": observed_dense_b,
    }

def reference(static, known_real, known_categorical, observed, static_tables, known_tables, known_dense_w, known_dense_b, observed_dense_w, observed_dense_b):
    # static embeddings: only first time step is used, stacked on axis=1 -> [B, N_STATIC, L]
    static_embeds = jnp.stack(
        [jnp.take(static_tables[i], static[:, 0, i], axis=0) for i in range(N_STATIC)], axis=1
    )
    # known real inputs: per-feature 1->L dense, stacked on last axis -> [B, T, L, N_KNOWN_REAL]
    known_real_embeds = jnp.stack(
        [known_real[..., i, jnp.newaxis] @ known_dense_w[i] + known_dense_b[i] for i in range(N_KNOWN_REAL)],
        axis=-1,
    )
    # known categorical: embedding lookup per category, stacked -> [B, T, L, N_KNOWN_CAT]
    known_cat_embeds = jnp.stack(
        [jnp.take(known_tables[i], known_categorical[..., i], axis=0) for i in range(N_KNOWN_CAT)],
        axis=-1,
    )
    known = jnp.concatenate([known_real_embeds, known_cat_embeds], axis=-1)
    # observed: per-feature 1->L dense -> [B, T, L, N_OBS]
    observed_embeds = jnp.stack(
        [observed[..., i, jnp.newaxis] @ observed_dense_w[i] + observed_dense_b[i] for i in range(N_OBS)],
        axis=-1,
    )
    return (static_embeds, known, observed_embeds)

if __name__ == "__main__":
    import jax
    _d = setup_inputs()
    print(jax.jit(kernel)(*tuple(_d.values())))

</pallas_src>

<mosaic_0001>
#map = affine_map<(d0, d1) -> (0, 0)>
#map1 = affine_map<(d0, d1) -> (0)>
module attributes {stable_mosaic.version = 14 : i64} {
  func.func @gs(%arg0: i32, %arg1: i32, %arg2: memref<400000x32xf32, #tpu.memory_space<hbm>>, %arg3: memref<4096xi32, #tpu.memory_space<hbm>>, %arg4: memref<4096x32xf32, #tpu.memory_space<hbm>>, %arg5: memref<128xi32, #tpu.memory_space<vmem>>, %arg6: memref<128x32xf32, #tpu.memory_space<vmem>>, %arg7: memref<!tpu.dma_semaphore, #tpu.memory_space<semaphore_mem>>) attributes {dimension_semantics = [#tpu.dimension_semantics<core_parallel>, #tpu.dimension_semantics<subcore_parallel>], iteration_bounds = array<i64: 2, 16>, scalar_prefetch = 0 : i64, scratch_operands = 3 : i64, tpu.core_type = #tpu.core_type<sc_vector_subcore>, window_params = [{transform_indices = #map}, {transform_indices = #map1}, {transform_indices = #map}]} {
    %mul3A = arith.constant 2 : i32
    %mul3A_0 = arith.muli %arg1, %mul3A : i32
    %add3A = arith.addi %mul3A_0, %arg0 : i32
    %mul3A_1 = arith.constant 128 : i32
    %mul3A_2 = arith.muli %add3A, %mul3A_1 : i32
    "tpu.region"() ({
      %run_scoped3A = tpu.sem_alloc : memref<!tpu.dma_semaphore, #tpu.memory_space<semaphore_mem>>
      %dma_start3A_7 = tpu.memref_slice %arg3[%mul3A_2] : memref<4096xi32, #tpu.memory_space<hbm>> -> memref<128xi32, #tpu.memory_space<hbm>>
      %dma_start3A_8 = tpu.memref_slice %arg3[%mul3A_2] : memref<4096xi32, #tpu.memory_space<hbm>> -> memref<128xi32, #tpu.memory_space<hbm>>
      tpu.enqueue_dma source(%dma_start3A_8 : memref<128xi32, #tpu.memory_space<hbm>>) target(%arg5 : memref<128xi32, #tpu.memory_space<vmem>>) target_semaphore(%run_scoped3A : memref<!tpu.dma_semaphore, #tpu.memory_space<semaphore_mem>>)
      %dma_wait3A_9 = tpu.memref_slice %arg3[%mul3A_2] : memref<4096xi32, #tpu.memory_space<hbm>> -> memref<128xi32, #tpu.memory_space<hbm>>
      %dma_wait3A_10 = tpu.memref_slice %arg3[%mul3A_2] : memref<4096xi32, #tpu.memory_space<hbm>> -> memref<128xi32, #tpu.memory_space<hbm>>
      tpu.wait_dma2 semaphore(%run_scoped3A : memref<!tpu.dma_semaphore, #tpu.memory_space<semaphore_mem>>) src(%dma_wait3A_10 : memref<128xi32, #tpu.memory_space<hbm>>) dst(%arg5 : memref<128xi32, #tpu.memory_space<vmem>>)
      tpu.yield
    }) : () -> ()
    %dma_start3A = arith.constant 0 : i32
    %dma_start3A_3 = arith.constant 0 : i32
    %dma_start3A_4 = tpu.memref_slice %arg2[%dma_start3A, %dma_start3A_3] : memref<400000x32xf32, #tpu.memory_space<hbm>> -> memref<400000x32xf32, #tpu.memory_space<hbm>>
    tpu.enqueue_indirect_dma source(%dma_start3A_4 : memref<400000x32xf32, #tpu.memory_space<hbm>>) target(%arg6 : memref<128x32xf32, #tpu.memory_space<vmem>>) offsets(%arg5 : memref<128xi32, #tpu.memory_space<vmem>>) semaphore(%arg7 : memref<!tpu.dma_semaphore, #tpu.memory_space<semaphore_mem>>)
    %dma_wait3A = arith.constant 0 : i32
    %dma_wait3A_5 = arith.constant 0 : i32
    %dma_wait3A_6 = tpu.memref_slice %arg2[%dma_wait3A, %dma_wait3A_5] : memref<400000x32xf32, #tpu.memory_space<hbm>> -> memref<400000x32xf32, #tpu.memory_space<hbm>>
    tpu.wait_indirect_dma semaphore(%arg7 : memref<!tpu.dma_semaphore, #tpu.memory_space<semaphore_mem>>) src(%dma_wait3A_6 : memref<400000x32xf32, #tpu.memory_space<hbm>>) dst(%arg6 : memref<128x32xf32, #tpu.memory_space<vmem>>)
    "tpu.region"() ({
      %run_scoped3A = tpu.sem_alloc : memref<!tpu.dma_semaphore, #tpu.memory_space<semaphore_mem>>
      %dma_start3A_7 = arith.constant 0 : i32
      %dma_start3A_8 = tpu.memref_slice %arg4[%mul3A_2, %dma_start3A_7] : memref<4096x32xf32, #tpu.memory_space<hbm>> -> memref<128x32xf32, #tpu.memory_space<hbm>>
      %dma_start3A_9 = arith.constant 0 : i32
      %dma_start3A_10 = tpu.memref_slice %arg4[%mul3A_2, %dma_start3A_9] : memref<4096x32xf32, #tpu.memory_space<hbm>> -> memref<128x32xf32, #tpu.memory_space<hbm>>
      tpu.enqueue_dma source(%arg6 : memref<128x32xf32, #tpu.memory_space<vmem>>) target(%dma_start3A_10 : memref<128x32xf32, #tpu.memory_space<hbm>>) target_semaphore(%run_scoped3A : memref<!tpu.dma_semaphore, #tpu.memory_space<semaphore_mem>>)
      %dma_wait3A_11 = arith.constant 0 : i32
      %dma_wait3A_12 = tpu.memref_slice %arg4[%mul3A_2, %dma_wait3A_11] : memref<4096x32xf32, #tpu.memory_space<hbm>> -> memref<128x32xf32, #tpu.memory_space<hbm>>
      %dma_wait3A_13 = arith.constant 0 : i32
      %dma_wait3A_14 = tpu.memref_slice %arg4[%mul3A_2, %dma_wait3A_13] : memref<4096x32xf32, #tpu.memory_space<hbm>> -> memref<128x32xf32, #tpu.memory_space<hbm>>
      tpu.wait_dma2 semaphore(%run_scoped3A : memref<!tpu.dma_semaphore, #tpu.memory_space<semaphore_mem>>) src(%arg6 : memref<128x32xf32, #tpu.memory_space<vmem>>) dst(%dma_wait3A_14 : memref<128x32xf32, #tpu.memory_space<hbm>>)
      tpu.yield
    }) : () -> ()
    return
  }
}

#map = affine_map<(d0, d1) -> (0, 0)>
#map1 = affine_map<(d0, d1) -> (0)>
#map2 = affine_map<(d0, d1) -> (0, 0, 0, 0)>
module attributes {stable_mosaic.version = 14 : i64} {
  func.func @gk(%arg0: i32, %arg1: i32, %arg2: memref<200000x32xf32, #tpu.memory_space<hbm>>, %arg3: memref<409600xi32, #tpu.memory_space<hbm>>, %arg4: memref<200x2x32x1024xf32, #tpu.memory_space<hbm>>, %arg5: memref<4x128xi32, #tpu.memory_space<vmem>>, %arg6: memref<4x128x32xf32, #tpu.memory_space<vmem>>, %arg7: memref<2x32x128xf32, #tpu.memory_space<vmem>>, %arg8: memref<!tpu.dma_semaphore, #tpu.memory_space<semaphore_mem>>, %arg9: memref<!tpu.dma_semaphore, #tpu.memory_space<semaphore_mem>>, %arg10: memref<!tpu.dma_semaphore, #tpu.memory_space<semaphore_mem>>, %arg11: memref<!tpu.dma_semaphore, #tpu.memory_space<semaphore_mem>>, %arg12: memref<!tpu.dma_semaphore, #tpu.memory_space<semaphore_mem>>, %arg13: memref<!tpu.dma_semaphore, #tpu.memory_space<semaphore_mem>>) attributes {dimension_semantics = [#tpu.dimension_semantics<core_parallel>, #tpu.dimension_semantics<subcore_parallel>], iteration_bounds = array<i64: 2, 16>, scalar_prefetch = 0 : i64, scratch_operands = 9 : i64, tpu.core_type = #tpu.core_type<sc_vector_subcore>, window_params = [{transform_indices = #map}, {transform_indices = #map1}, {transform_indices = #map2}]} {
    %mul3A = arith.constant 2 : i32
    %mul3A_0 = arith.muli %arg1, %mul3A : i32
    %add3A = arith.addi %mul3A_0, %arg0 : i32
    %mul3A_1 = arith.constant 12800 : i32
    %mul3A_2 = arith.muli %add3A, %mul3A_1 : i32
    %mul3A_3 = arith.constant 100 : i32
    %mul3A_4 = arith.muli %add3A, %mul3A_3 : i32
    %iota3A = tpu.iota {dimensions = array<i32: 0>} : vector<16xi32>
    %add3A_5 = arith.constant 16 : i32
    %add3A_6 = vector.broadcast %add3A_5 : i32 to vector<16xi32>
    %add3A_7 = arith.addi %iota3A, %add3A_6 : vector<16xi32>
    %add3A_8 = arith.constant 0 : i32
    %add3A_9 = arith.addi %mul3A_2, %add3A_8 : i32
    %run_scoped3A = arith.constant 0 : i32
    "tpu.region"() ({
      %run_scoped3A_93 = tpu.sem_alloc : memref<!tpu.dma_semaphore, #tpu.memory_space<semaphore_mem>>
      %dma_start3A_94 = arith.constant 0 : i32
      %dma_start3A_95 = tpu.memref_slice %arg5[%run_scoped3A, %dma_start3A_94] : memref<4x128xi32, #tpu.memory_space<vmem>> -> memref<1x128xi32, #tpu.memory_space<vmem>>
      %dma_start3A_96 = tpu.memref_squeeze %dma_start3A_95 : memref<1x128xi32, #tpu.memory_space<vmem>> -> memref<128xi32, #tpu.memory_space<vmem>>
      %dma_start3A_97 = tpu.memref_slice %arg3[%add3A_9] : memref<409600xi32, #tpu.memory_space<hbm>> -> memref<128xi32, #tpu.memory_space<hbm>>
      %dma_start3A_98 = arith.constant 0 : i32
      %dma_start3A_99 = tpu.memref_slice %arg5[%run_scoped3A, %dma_start3A_98] : memref<4x128xi32, #tpu.memory_space<vmem>> -> memref<1x128xi32, #tpu.memory_space<vmem>>
      %dma_start3A_100 = tpu.memref_squeeze %dma_start3A_99 : memref<1x128xi32, #tpu.memory_space<vmem>> -> memref<128xi32, #tpu.memory_space<vmem>>
      %dma_start3A_101 = tpu.memref_slice %arg3[%add3A_9] : memref<409600xi32, #tpu.memory_space<hbm>> -> memref<128xi32, #tpu.memory_space<hbm>>
      tpu.enqueue_dma source(%dma_start3A_101 : memref<128xi32, #tpu.memory_space<hbm>>) target(%dma_start3A_100 : memref<128xi32, #tpu.memory_space<vmem>>) target_semaphore(%run_scoped3A_93 : memref<!tpu.dma_semaphore, #tpu.memory_space<semaphore_mem>>)
      %dma_wait3A_102 = arith.constant 0 : i32
      %dma_wait3A_103 = tpu.memref_slice %arg5[%run_scoped3A, %dma_wait3A_102] : memref<4x128xi32, #tpu.memory_space<vmem>> -> memref<1x128xi32, #tpu.memory_space<vmem>>
      %dma_wait3A_104 = tpu.memref_squeeze %dma_wait3A_103 : memref<1x128xi32, #tpu.memory_space<vmem>> -> memref<128xi32, #tpu.memory_space<vmem>>
      %dma_wait3A_105 = tpu.memref_slice %arg3[%add3A_9] : memref<409600xi32, #tpu.memory_space<hbm>> -> memref<128xi32, #tpu.memory_space<hbm>>
      %dma_wait3A_106 = arith.constant 0 : i32
      %dma_wait3A_107 = tpu.memref_slice %arg5[%run_scoped3A, %dma_wait3A_106] : memref<4x128xi32, #tpu.memory_space<vmem>> -> memref<1x128xi32, #tpu.memory_space<vmem>>
      %dma_wait3A_108 = tpu.memref_squeeze %dma_wait3A_107 : memref<1x128xi32, #tpu.memory_space<vmem>> -> memref<128xi32, #tpu.memory_space<vmem>>
      %dma_wait3A_109 = tpu.memref_slice %arg3[%add3A_9] : memref<409600xi32, #tpu.memory_space<hbm>> -> memref<128xi32, #tpu.memory_space<hbm>>
      tpu.wait_dma2 semaphore(%run_scoped3A_93 : memref<!tpu.dma_semaphore, #tpu.memory_space<semaphore_mem>>) src(%dma_wait3A_109 : memref<128xi32, #tpu.memory_space<hbm>>) dst(%dma_wait3A_108 : memref<128xi32, #tpu.memory_space<vmem>>)
      tpu.yield
    }) : () -> ()
    %dma_start3A = arith.constant 0 : i32
    %dma_start3A_10 = arith.constant 0 : i32
    %dma_start3A_11 = arith.constant 0 : i32
    %dma_start3A_12 = arith.constant 0 : i32
    %dma_start3A_13 = tpu.memref_slice %arg6[%dma_start3A_10, %dma_start3A_11, %dma_start3A_12] : memref<4x128x32xf32, #tpu.memory_space<vmem>> -> memref<1x128x32xf32, #tpu.memory_space<vmem>>
    %dma_start3A_14 = tpu.memref_squeeze %dma_start3A_13 : memref<1x128x32xf32, #tpu.memory_space<vmem>> -> memref<128x32xf32, #tpu.memory_space<vmem>>
    %dma_start3A_15 = arith.constant 0 : i32
    %dma_start3A_16 = tpu.memref_slice %arg5[%dma_start3A, %dma_start3A_15] : memref<4x128xi32, #tpu.memory_space<vmem>> -> memref<1x128xi32, #tpu.memory_space<vmem>>
    %dma_start3A_17 = tpu.memref_squeeze %dma_start3A_16 : memref<1x128xi32, #tpu.memory_space<vmem>> -> memref<128xi32, #tpu.memory_space<vmem>>
    %dma_start3A_18 = arith.constant 0 : i32
    %dma_start3A_19 = arith.constant 0 : i32
    %dma_start3A_20 = tpu.memref_slice %arg2[%dma_start3A_18, %dma_start3A_19] : memref<200000x32xf32, #tpu.memory_space<hbm>> -> memref<200000x32xf32, #tpu.memory_space<hbm>>
    tpu.enqueue_indirect_dma source(%dma_start3A_20 : memref<200000x32xf32, #tpu.memory_space<hbm>>) target(%dma_start3A_14 : memref<128x32xf32, #tpu.memory_space<vmem>>) offsets(%dma_start3A_17 : memref<128xi32, #tpu.memory_space<vmem>>) semaphore(%arg8 : memref<!tpu.dma_semaphore, #tpu.memory_space<semaphore_mem>>)
    %add3A_21 = arith.constant 128 : i32
    %add3A_22 = arith.addi %mul3A_2, %add3A_21 : i32
    %run_scoped3A_23 = arith.constant 1 : i32
    "tpu.region"() ({
      %run_scoped3A_93 = tpu.sem_alloc : memref<!tpu.dma_semaphore, #tpu.memory_space<semaphore_mem>>
      %dma_start3A_94 = arith.constant 0 : i32
      %dma_start3A_95 = tpu.memref_slice %arg5[%run_scoped3A_23, %dma_start3A_94] : memref<4x128xi32, #tpu.memory_space<vmem>> -> memref<1x128xi32, #tpu.memory_space<vmem>>
      %dma_start3A_96 = tpu.memref_squeeze %dma_start3A_95 : memref<1x128xi32, #tpu.memory_space<vmem>> -> memref<128xi32, #tpu.memory_space<vmem>>
      %dma_start3A_97 = tpu.memref_slice %arg3[%add3A_22] : memref<409600xi32, #tpu.memory_space<hbm>> -> memref<128xi32, #tpu.memory_space<hbm>>
      %dma_start3A_98 = arith.constant 0 : i32
      %dma_start3A_99 = tpu.memref_slice %arg5[%run_scoped3A_23, %dma_start3A_98] : memref<4x128xi32, #tpu.memory_space<vmem>> -> memref<1x128xi32, #tpu.memory_space<vmem>>
      %dma_start3A_100 = tpu.memref_squeeze %dma_start3A_99 : memref<1x128xi32, #tpu.memory_space<vmem>> -> memref<128xi32, #tpu.memory_space<vmem>>
      %dma_start3A_101 = tpu.memref_slice %arg3[%add3A_22] : memref<409600xi32, #tpu.memory_space<hbm>> -> memref<128xi32, #tpu.memory_space<hbm>>
      tpu.enqueue_dma source(%dma_start3A_101 : memref<128xi32, #tpu.memory_space<hbm>>) target(%dma_start3A_100 : memref<128xi32, #tpu.memory_space<vmem>>) target_semaphore(%run_scoped3A_93 : memref<!tpu.dma_semaphore, #tpu.memory_space<semaphore_mem>>)
      %dma_wait3A_102 = arith.constant 0 : i32
      %dma_wait3A_103 = tpu.memref_slice %arg5[%run_scoped3A_23, %dma_wait3A_102] : memref<4x128xi32, #tpu.memory_space<vmem>> -> memref<1x128xi32, #tpu.memory_space<vmem>>
      %dma_wait3A_104 = tpu.memref_squeeze %dma_wait3A_103 : memref<1x128xi32, #tpu.memory_space<vmem>> -> memref<128xi32, #tpu.memory_space<vmem>>
      %dma_wait3A_105 = tpu.memref_slice %arg3[%add3A_22] : memref<409600xi32, #tpu.memory_space<hbm>> -> memref<128xi32, #tpu.memory_space<hbm>>
      %dma_wait3A_106 = arith.constant 0 : i32
      %dma_wait3A_107 = tpu.memref_slice %arg5[%run_scoped3A_23, %dma_wait3A_106] : memref<4x128xi32, #tpu.memory_space<vmem>> -> memref<1x128xi32, #tpu.memory_space<vmem>>
      %dma_wait3A_108 = tpu.memref_squeeze %dma_wait3A_107 : memref<1x128xi32, #tpu.memory_space<vmem>> -> memref<128xi32, #tpu.memory_space<vmem>>
      %dma_wait3A_109 = tpu.memref_slice %arg3[%add3A_22] : memref<409600xi32, #tpu.memory_space<hbm>> -> memref<128xi32, #tpu.memory_space<hbm>>
      tpu.wait_dma2 semaphore(%run_scoped3A_93 : memref<!tpu.dma_semaphore, #tpu.memory_space<semaphore_mem>>) src(%dma_wait3A_109 : memref<128xi32, #tpu.memory_space<hbm>>) dst(%dma_wait3A_108 : memref<128xi32, #tpu.memory_space<vmem>>)
      tpu.yield
    }) : () -> ()
    %dma_start3A_24 = arith.constant 1 : i32
    %dma_start3A_25 = arith.constant 1 : i32
    %dma_start3A_26 = arith.constant 0 : i32
    %dma_start3A_27 = arith.constant 0 : i32
    %dma_start3A_28 = tpu.memref_slice %arg6[%dma_start3A_25, %dma_start3A_26, %dma_start3A_27] : memref<4x128x32xf32, #tpu.memory_space<vmem>> -> memref<1x128x32xf32, #tpu.memory_space<vmem>>
    %dma_start3A_29 = tpu.memref_squeeze %dma_start3A_28 : memref<1x128x32xf32, #tpu.memory_space<vmem>> -> memref<128x32xf32, #tpu.memory_space<vmem>>
    %dma_start3A_30 = arith.constant 0 : i32
    %dma_start3A_31 = tpu.memref_slice %arg5[%dma_start3A_24, %dma_start3A_30] : memref<4x128xi32, #tpu.memory_space<vmem>> -> memref<1x128xi32, #tpu.memory_space<vmem>>
    %dma_start3A_32 = tpu.memref_squeeze %dma_start3A_31 : memref<1x128xi32, #tpu.memory_space<vmem>> -> memref<128xi32, #tpu.memory_space<vmem>>
    %dma_start3A_33 = arith.constant 0 : i32
    %dma_start3A_34 = arith.constant 0 : i32
    %dma_start3A_35 = tpu.memref_slice %arg2[%dma_start3A_33, %dma_start3A_34] : memref<200000x32xf32, #tpu.memory_space<hbm>> -> memref<200000x32xf32, #tpu.memory_space<hbm>>
    tpu.enqueue_indirect_dma source(%dma_start3A_35 : memref<200000x32xf32, #tpu.memory_space<hbm>>) target(%dma_start3A_29 : memref<128x32xf32, #tpu.memory_space<vmem>>) offsets(%dma_start3A_32 : memref<128xi32, #tpu.memory_space<vmem>>) semaphore(%arg9 : memref<!tpu.dma_semaphore, #tpu.memory_space<semaphore_mem>>)
    %add3A_36 = arith.constant 256 : i32
    %add3A_37 = arith.addi %mul3A_2, %add3A_36 : i32
    %run_scoped3A_38 = arith.constant 2 : i32
    "tpu.region"() ({
      %run_scoped3A_93 = tpu.sem_alloc : memref<!tpu.dma_semaphore, #tpu.memory_space<semaphore_mem>>
      %dma_start3A_94 = arith.constant 0 : i32
      %dma_start3A_95 = tpu.memref_slice %arg5[%run_scoped3A_38, %dma_start3A_94] : memref<4x128xi32, #tpu.memory_space<vmem>> -> memref<1x128xi32, #tpu.memory_space<vmem>>
      %dma_start3A_96 = tpu.memref_squeeze %dma_start3A_95 : memref<1x128xi32, #tpu.memory_space<vmem>> -> memref<128xi32, #tpu.memory_space<vmem>>
      %dma_start3A_97 = tpu.memref_slice %arg3[%add3A_37] : memref<409600xi32, #tpu.memory_space<hbm>> -> memref<128xi32, #tpu.memory_space<hbm>>
      %dma_start3A_98 = arith.constant 0 : i32
      %dma_start3A_99 = tpu.memref_slice %arg5[%run_scoped3A_38, %dma_start3A_98] : memref<4x128xi32, #tpu.memory_space<vmem>> -> memref<1x128xi32, #tpu.memory_space<vmem>>
      %dma_start3A_100 = tpu.memref_squeeze %dma_start3A_99 : memref<1x128xi32, #tpu.memory_space<vmem>> -> memref<128xi32, #tpu.memory_space<vmem>>
      %dma_start3A_101 = tpu.memref_slice %arg3[%add3A_37] : memref<409600xi32, #tpu.memory_space<hbm>> -> memref<128xi32, #tpu.memory_space<hbm>>
      tpu.enqueue_dma source(%dma_start3A_101 : memref<128xi32, #tpu.memory_space<hbm>>) target(%dma_start3A_100 : memref<128xi32, #tpu.memory_space<vmem>>) target_semaphore(%run_scoped3A_93 : memref<!tpu.dma_semaphore, #tpu.memory_space<semaphore_mem>>)
      %dma_wait3A_102 = arith.constant 0 : i32
      %dma_wait3A_103 = tpu.memref_slice %arg5[%run_scoped3A_38, %dma_wait3A_102] : memref<4x128xi32, #tpu.memory_space<vmem>> -> memref<1x128xi32, #tpu.memory_space<vmem>>
      %dma_wait3A_104 = tpu.memref_squeeze %dma_wait3A_103 : memref<1x128xi32, #tpu.memory_space<vmem>> -> memref<128xi32, #tpu.memory_space<vmem>>
      %dma_wait3A_105 = tpu.memref_slice %arg3[%add3A_37] : memref<409600xi32, #tpu.memory_space<hbm>> -> memref<128xi32, #tpu.memory_space<hbm>>
      %dma_wait3A_106 = arith.constant 0 : i32
      %dma_wait3A_107 = tpu.memref_slice %arg5[%run_scoped3A_38, %dma_wait3A_106] : memref<4x128xi32, #tpu.memory_space<vmem>> -> memref<1x128xi32, #tpu.memory_space<vmem>>
      %dma_wait3A_108 = tpu.memref_squeeze %dma_wait3A_107 : memref<1x128xi32, #tpu.memory_space<vmem>> -> memref<128xi32, #tpu.memory_space<vmem>>
      %dma_wait3A_109 = tpu.memref_slice %arg3[%add3A_37] : memref<409600xi32, #tpu.memory_space<hbm>> -> memref<128xi32, #tpu.memory_space<hbm>>
      tpu.wait_dma2 semaphore(%run_scoped3A_93 : memref<!tpu.dma_semaphore, #tpu.memory_space<semaphore_mem>>) src(%dma_wait3A_109 : memref<128xi32, #tpu.memory_space<hbm>>) dst(%dma_wait3A_108 : memref<128xi32, #tpu.memory_space<vmem>>)
      tpu.yield
    }) : () -> ()
    %dma_start3A_39 = arith.constant 2 : i32
    %dma_start3A_40 = arith.constant 2 : i32
    %dma_start3A_41 = arith.constant 0 : i32
    %dma_start3A_42 = arith.constant 0 : i32
    %dma_start3A_43 = tpu.memref_slice %arg6[%dma_start3A_40, %dma_start3A_41, %dma_start3A_42] : memref<4x128x32xf32, #tpu.memory_space<vmem>> -> memref<1x128x32xf32, #tpu.memory_space<vmem>>
    %dma_start3A_44 = tpu.memref_squeeze %dma_start3A_43 : memref<1x128x32xf32, #tpu.memory_space<vmem>> -> memref<128x32xf32, #tpu.memory_space<vmem>>
    %dma_start3A_45 = arith.constant 0 : i32
    %dma_start3A_46 = tpu.memref_slice %arg5[%dma_start3A_39, %dma_start3A_45] : memref<4x128xi32, #tpu.memory_space<vmem>> -> memref<1x128xi32, #tpu.memory_space<vmem>>
    %dma_start3A_47 = tpu.memref_squeeze %dma_start3A_46 : memref<1x128xi32, #tpu.memory_space<vmem>> -> memref<128xi32, #tpu.memory_space<vmem>>
    %dma_start3A_48 = arith.constant 0 : i32
    %dma_start3A_49 = arith.constant 0 : i32
    %dma_start3A_50 = tpu.memref_slice %arg2[%dma_start3A_48, %dma_start3A_49] : memref<200000x32xf32, #tpu.memory_space<hbm>> -> memref<200000x32xf32, #tpu.memory_space<hbm>>
    tpu.enqueue_indirect_dma source(%dma_start3A_50 : memref<200000x32xf32, #tpu.memory_space<hbm>>) target(%dma_start3A_44 : memref<128x32xf32, #tpu.memory_space<vmem>>) offsets(%dma_start3A_47 : memref<128xi32, #tpu.memory_space<vmem>>) semaphore(%arg10 : memref<!tpu.dma_semaphore, #tpu.memory_space<semaphore_mem>>)
    %scan3A = arith.constant 0 : i32
    %scan3A_51 = arith.constant 0 : i32
    %scan3A_52 = arith.constant 25 : i32
    %scan3A_53 = arith.addi %scan3A_51, %scan3A_52 : i32
    %scan3A_54 = arith.constant 1 : i32
    scf.for %scan3A_93 = %scan3A_51 to %scan3A_53 step %scan3A_54  : i32 {
      %mul3A_94 = arith.constant 4 : i32
      %mul3A_95 = arith.muli %scan3A_93, %mul3A_94 : i32
      %add3A_96 = arith.constant 0 : i32
      %add3A_97 = arith.addi %mul3A_95, %add3A_96 : i32
      %add3A_98 = arith.constant 3 : i32
      %add3A_99 = arith.addi %add3A_97, %add3A_98 : i32
      %lt3A = arith.constant 100 : i32
      %lt3A_100 = arith.cmpi slt, %add3A_99, %lt3A : i32
      %convert_element_type3A = arith.extui %lt3A_100 : i1 to i32
      %cond3A = arith.constant 0 : i32
      %cond3A_101 = arith.cmpi ne, %convert_element_type3A, %cond3A : i32
      scf.if %cond3A_101 {
        %mul3A_609 = arith.constant 128 : i32
        %mul3A_610 = arith.muli %add3A_99, %mul3A_609 : i32
        %add3A_611 = arith.addi %mul3A_2, %mul3A_610 : i32
        %run_scoped3A_612 = arith.constant 3 : i32
        "tpu.region"() ({
          %run_scoped3A_625 = tpu.sem_alloc : memref<!tpu.dma_semaphore, #tpu.memory_space<semaphore_mem>>
          %dma_start3A_626 = arith.constant 0 : i32
          %dma_start3A_627 = tpu.memref_slice %arg5[%run_scoped3A_612, %dma_start3A_626] : memref<4x128xi32, #tpu.memory_space<vmem>> -> memref<1x128xi32, #tpu.memory_space<vmem>>
          %dma_start3A_628 = tpu.memref_squeeze %dma_start3A_627 : memref<1x128xi32, #tpu.memory_space<vmem>> -> memref<128xi32, #tpu.memory_space<vmem>>
          %dma_start3A_629 = tpu.memref_slice %arg3[%add3A_611] : memref<409600xi32, #tpu.memory_space<hbm>> -> memref<128xi32, #tpu.memory_space<hbm>>
          %dma_start3A_630 = arith.constant 0 : i32
          %dma_start3A_631 = tpu.memref_slice %arg5[%run_scoped3A_612, %dma_start3A_630] : memref<4x128xi32, #tpu.memory_space<vmem>> -> memref<1x128xi32, #tpu.memory_space<vmem>>
          %dma_start3A_632 = tpu.memref_squeeze %dma_start3A_631 : memref<1x128xi32, #tpu.memory_space<vmem>> -> memref<128xi32, #tpu.memory_space<vmem>>
          %dma_start3A_633 = tpu.memref_slice %arg3[%add3A_611] : memref<409600xi32, #tpu.memory_space<hbm>> -> memref<128xi32, #tpu.memory_space<hbm>>
          tpu.enqueue_dma source(%dma_start3A_633 : memref<128xi32, #tpu.memory_space<hbm>>) target(%dma_start3A_632 : memref<128xi32, #tpu.memory_space<vmem>>) target_semaphore(%run_scoped3A_625 : memref<!tpu.dma_semaphore, #tpu.memory_space<semaphore_mem>>)
          %dma_wait3A_634 = arith.constant 0 : i32
          %dma_wait3A_635 = tpu.memref_slice %arg5[%run_scoped3A_612, %dma_wait3A_634] : memref<4x128xi32, #tpu.memory_space<vmem>> -> memref<1x128xi32, #tpu.memory_space<vmem>>
          %dma_wait3A_636 = tpu.memref_squeeze %dma_wait3A_635 : memref<1x128xi32, #tpu.memory_space<vmem>> -> memref<128xi32, #tpu.memory_space<vmem>>
          %dma_wait3A_637 = tpu.memref_slice %arg3[%add3A_611] : memref<409600xi32, #tpu.memory_space<hbm>> -> memref<128xi32, #tpu.memory_space<hbm>>
          %dma_wait3A_638 = arith.constant 0 : i32
          %dma_wait3A_639 = tpu.memref_slice %arg5[%run_scoped3A_612, %dma_wait3A_638] : memref<4x128xi32, #tpu.memory_space<vmem>> -> memref<1x128xi32, #tpu.memory_space<vmem>>
          %dma_wait3A_640 = tpu.memref_squeeze %dma_wait3A_639 : memref<1x128xi32, #tpu.memory_space<vmem>> -> memref<128xi32, #tpu.memory_space<vmem>>
          %dma_wait3A_641 = tpu.memref_slice %arg3[%add3A_611] : memref<409600xi32, #tpu.memory_space<hbm>> -> memref<128xi32, #tpu.memory_space<hbm>>
          tpu.wait_dma2 semaphore(%run_scoped3A_625 : memref<!tpu.dma_semaphore, #tpu.memory_space<semaphore_mem>>) src(%dma_wait3A_641 : memref<128xi32, #tpu.memory_space<hbm>>) dst(%dma_wait3A_640 : memref<128xi32, #tpu.memory_space<vmem>>)
          tpu.yield
        }) : () -> ()
        %dma_start3A_613 = arith.constant 3 : i32
        %dma_start3A_614 = arith.constant 3 : i32
        %dma_start3A_615 = arith.constant 0 : i32
        %dma_start3A_616 = arith.constant 0 : i32
        %dma_start3A_617 = tpu.memref_slice %arg6[%dma_start3A_614, %dma_start3A_615, %dma_start3A_616] : memref<4x128x32xf32, #tpu.memory_space<vmem>> -> memref<1x128x32xf32, #tpu.memory_space<vmem>>
        %dma_start3A_618 = tpu.memref_squeeze %dma_start3A_617 : memref<1x128x32xf32, #tpu.memory_space<vmem>> -> memref<128x32xf32, #tpu.memory_space<vmem>>
        %dma_start3A_619 = arith.constant 0 : i32
        %dma_start3A_620 = tpu.memref_slice %arg5[%dma_start3A_613, %dma_start3A_619] : memref<4x128xi32, #tpu.memory_space<vmem>> -> memref<1x128xi32, #tpu.memory_space<vmem>>
        %dma_start3A_621 = tpu.memref_squeeze %dma_start3A_620 : memref<1x128xi32, #tpu.memory_space<vmem>> -> memref<128xi32, #tpu.memory_space<vmem>>
        %dma_start3A_622 = arith.constant 0 : i32
        %dma_start3A_623 = arith.constant 0 : i32
        %dma_start3A_624 = tpu.memref_slice %arg2[%dma_start3A_622, %dma_start3A_623] : memref<200000x32xf32, #tpu.memory_space<hbm>> -> memref<200000x32xf32, #tpu.memory_space<hbm>>
        tpu.enqueue_indirect_dma source(%dma_start3A_624 : memref<200000x32xf32, #tpu.memory_space<hbm>>) target(%dma_start3A_618 : memref<128x32xf32, #tpu.memory_space<vmem>>) offsets(%dma_start3A_621 : memref<128xi32, #tpu.memory_space<vmem>>) semaphore(%arg11 : memref<!tpu.dma_semaphore, #tpu.memory_space<semaphore_mem>>)
      } else {
      }
      %dma_wait3A_102 = arith.constant 0 : i32
      %dma_wait3A_103 = arith.constant 0 : i32
      %dma_wait3A_104 = arith.constant 0 : i32
      %dma_wait3A_105 = arith.constant 0 : i32
      %dma_wait3A_106 = tpu.memref_slice %arg6[%dma_wait3A_103, %dma_wait3A_104, %dma_wait3A_105] : memref<4x128x32xf32, #tpu.memory_space<vmem>> -> memref<1x128x32xf32, #tpu.memory_space<vmem>>
      %dma_wait3A_107 = tpu.memref_squeeze %dma_wait3A_106 : memref<1x128x32xf32, #tpu.memory_space<vmem>> -> memref<128x32xf32, #tpu.memory_space<vmem>>
      %dma_wait3A_108 = arith.constant 0 : i32
      %dma_wait3A_109 = tpu.memref_slice %arg5[%dma_wait3A_102, %dma_wait3A_108] : memref<4x128xi32, #tpu.memory_space<vmem>> -> memref<1x128xi32, #tpu.memory_space<vmem>>
      %dma_wait3A_110 = tpu.memref_squeeze %dma_wait3A_109 : memref<1x128xi32, #tpu.memory_space<vmem>> -> memref<128xi32, #tpu.memory_space<vmem>>
      %dma_wait3A_111 = arith.constant 0 : i32
      %dma_wait3A_112 = arith.constant 0 : i32
      %dma_wait3A_113 = tpu.memref_slice %arg2[%dma_wait3A_111, %dma_wait3A_112] : memref<200000x32xf32, #tpu.memory_space<hbm>> -> memref<200000x32xf32, #tpu.memory_space<hbm>>
      tpu.wait_indirect_dma semaphore(%arg8 : memref<!tpu.dma_semaphore, #tpu.memory_space<semaphore_mem>>) src(%dma_wait3A_113 : memref<200000x32xf32, #tpu.memory_space<hbm>>) dst(%dma_wait3A_107 : memref<128x32xf32, #tpu.memory_space<vmem>>)
      %ge3A = arith.constant 2 : i32
      %ge3A_114 = arith.cmpi sge, %add3A_97, %ge3A : i32
      %convert_element_type3A_115 = arith.extui %ge3A_114 : i1 to i32
      %cond3A_116 = arith.constant 0 : i32
      %cond3A_117 = arith.cmpi ne, %convert_element_type3A_115, %cond3A_116 : i32
      scf.if %cond3A_117 {
        %dma_wait3A_609 = arith.constant 0 : i32
        %dma_wait3A_610 = arith.constant 0 : i32
        %dma_wait3A_611 = arith.constant 0 : i32
        %dma_wait3A_612 = arith.constant 0 : i32
        %dma_wait3A_613 = arith.constant 0 : i32
        %dma_wait3A_614 = tpu.memref_slice %arg7[%dma_wait3A_609, %dma_wait3A_612, %dma_wait3A_613] : memref<2x32x128xf32, #tpu.memory_space<vmem>> -> memref<1x32x128xf32, #tpu.memory_space<vmem>>
        %dma_wait3A_615 = tpu.memref_squeeze %dma_wait3A_614 : memref<1x32x128xf32, #tpu.memory_space<vmem>> -> memref<32x128xf32, #tpu.memory_space<vmem>>
        %dma_wait3A_616 = arith.constant 0 : i32
        %dma_wait3A_617 = arith.constant 0 : i32
        %dma_wait3A_618 = tpu.memref_slice %arg4[%dma_wait3A_610, %dma_wait3A_611, %dma_wait3A_616, %dma_wait3A_617] : memref<200x2x32x1024xf32, #tpu.memory_space<hbm>> -> memref<1x1x32x128xf32, #tpu.memory_space<hbm>>
        %dma_wait3A_619 = tpu.memref_squeeze %dma_wait3A_618 : memref<1x1x32x128xf32, #tpu.memory_space<hbm>> -> memref<32x128xf32, #tpu.memory_space<hbm>>
        %dma_wait3A_620 = arith.constant 0 : i32
        %dma_wait3A_621 = arith.constant 0 : i32
        %dma_wait3A_622 = tpu.memref_slice %arg4[%dma_wait3A_610, %dma_wait3A_611, %dma_wait3A_620, %dma_wait3A_621] : memref<200x2x32x1024xf32, #tpu.memory_space<hbm>> -> memref<1x1x32x128xf32, #tpu.memory_space<hbm>>
        %dma_wait3A_623 = tpu.memref_squeeze %dma_wait3A_622 : memref<1x1x32x128xf32, #tpu.memory_space<hbm>> -> memref<32x128xf32, #tpu.memory_space<hbm>>
        %dma_wait3A_624 = arith.constant 0 : i32
        %dma_wait3A_625 = arith.constant 0 : i32
        %dma_wait3A_626 = tpu.memref_slice %arg7[%dma_wait3A_609, %dma_wait3A_624, %dma_wait3A_625] : memref<2x32x128xf32, #tpu.memory_space<vmem>> -> memref<1x32x128xf32, #tpu.memory_space<vmem>>
        %dma_wait3A_627 = tpu.memref_squeeze %dma_wait3A_626 : memref<1x32x128xf32, #tpu.memory_space<vmem>> -> memref<32x128xf32, #tpu.memory_space<vmem>>
        tpu.wait_dma2 semaphore(%arg12 : memref<!tpu.dma_semaphore, #tpu.memory_space<semaphore_mem>>) src(%dma_wait3A_627 : memref<32x128xf32, #tpu.memory_space<vmem>>) dst(%dma_wait3A_623 : memref<32x128xf32, #tpu.memory_space<hbm>>)
      } else {
      }
      %scan3A_118 = arith.constant 0 : i32
      %scan3A_119 = arith.constant 0 : i32
      %scan3A_120 = arith.constant 16 : i32
      %scan3A_121 = arith.addi %scan3A_119, %scan3A_120 : i32
      %scan3A_122 = arith.constant 1 : i32
      scf.for %scan3A_609 = %scan3A_119 to %scan3A_121 step %scan3A_122  : i32 {
        %mul3A_610 = arith.constant 8 : i32
        %mul3A_611 = arith.muli %scan3A_609, %mul3A_610 : i32
        %add3A_612 = arith.constant 0 : i32
        %add3A_613 = arith.addi %mul3A_611, %add3A_612 : i32
        %broadcast_in_dim3A = arith.constant 0 : i32
        %broadcast_in_dim3A_614 = vector.broadcast %broadcast_in_dim3A : i32 to vector<16xi32>
        %add3A_615 = vector.broadcast %add3A_613 : i32 to vector<16xi32>
        %add3A_616 = arith.addi %broadcast_in_dim3A_614, %add3A_615 : vector<16xi32>
        %get3A = arith.constant 0 : i32
        %get3A_617 = arith.index_cast %get3A : i32 to index
        %get3A_618 = arith.index_cast %add3A_613 : i32 to index
        %get3A_619 = arith.constant 0 : index
        %get3A_620 = tpu.vector_load %arg6[%get3A_617, %get3A_618, %get3A_619] {strides = array<i32>} : memref<4x128x32xf32, #tpu.memory_space<vmem>>, vector<16xf32>,
        %scatter3A = arith.constant 0 : i32
        %scatter3A_621 = arith.constant 0 : i32
        %scatter3A_622 = arith.constant 0 : i32
        %scatter3A_623 = tpu.memref_slice %arg7[%scatter3A, %scatter3A_621, %scatter3A_622] : memref<2x32x128xf32, #tpu.memory_space<vmem>> -> memref<1x32x128xf32, #tpu.memory_space<vmem>>
        %scatter3A_624 = tpu.memref_squeeze %scatter3A_623 : memref<1x32x128xf32, #tpu.memory_space<vmem>> -> memref<32x128xf32, #tpu.memory_space<vmem>>
        tpu.vector_store_idx %scatter3A_624[%iota3A, %add3A_616], %get3A_620 : memref<32x128xf32, #tpu.memory_space<vmem>>[vector<16xi32>, vector<16xi32>], vector<16xf32>,
        %get3A_625 = arith.constant 0 : i32
        %get3A_626 = arith.index_cast %get3A_625 : i32 to index
        %get3A_627 = arith.index_cast %add3A_613 : i32 to index
        %get3A_628 = arith.constant 16 : index
        %get3A_629 = tpu.vector_load %arg6[%get3A_626, %get3A_627, %get3A_628] {strides = array<i32>} : memref<4x128x32xf32, #tpu.memory_space<vmem>>, vector<16xf32>,
        %scatter3A_630 = arith.constant 0 : i32
        %scatter3A_631 = arith.constant 0 : i32
        %scatter3A_632 = arith.constant 0 : i32
        %scatter3A_633 = tpu.memref_slice %arg7[%scatter3A_630, %scatter3A_631, %scatter3A_632] : memref<2x32x128xf32, #tpu.memory_space<vmem>> -> memref<1x32x128xf32, #tpu.memory_space<vmem>>
        %scatter3A_634 = tpu.memref_squeeze %scatter3A_633 : memref<1x32x128xf32, #tpu.memory_space<vmem>> -> memref<32x128xf32, #tpu.memory_space<vmem>>
        tpu.vector_store_idx %scatter3A_634[%add3A_7, %add3A_616], %get3A_629 : memref<32x128xf32, #tpu.memory_space<vmem>>[vector<16xi32>, vector<16xi32>], vector<16xf32>,
        %mul3A_635 = arith.constant 8 : i32
        %mul3A_636 = arith.muli %scan3A_609, %mul3A_635 : i32
        %add3A_637 = arith.constant 1 : i32
        %add3A_638 = arith.addi %mul3A_636, %add3A_637 : i32
        %broadcast_in_dim3A_639 = arith.constant 0 : i32
        %broadcast_in_dim3A_640 = vector.broadcast %broadcast_in_dim3A_639 : i32 to vector<16xi32>
        %add3A_641 = vector.broadcast %add3A_638 : i32 to vector<16xi32>
        %add3A_642 = arith.addi %broadcast_in_dim3A_640, %add3A_641 : vector<16xi32>
        %get3A_643 = arith.constant 0 : i32
        %get3A_644 = arith.index_cast %get3A_643 : i32 to index
        %get3A_645 = arith.index_cast %add3A_638 : i32 to index
        %get3A_646 = arith.constant 0 : index
        %get3A_647 = tpu.vector_load %arg6[%get3A_644, %get3A_645, %get3A_646] {strides = array<i32>} : memref<4x128x32xf32, #tpu.memory_space<vmem>>, vector<16xf32>,
        %scatter3A_648 = arith.constant 0 : i32
        %scatter3A_649 = arith.constant 0 : i32
        %scatter3A_650 = arith.constant 0 : i32
        %scatter3A_651 = tpu.memref_slice %arg7[%scatter3A_648, %scatter3A_649, %scatter3A_650] : memref<2x32x128xf32, #tpu.memory_space<vmem>> -> memref<1x32x128xf32, #tpu.memory_space<vmem>>
        %scatter3A_652 = tpu.memref_squeeze %scatter3A_651 : memref<1x32x128xf32, #tpu.memory_space<vmem>> -> memref<32x128xf32, #tpu.memory_space<vmem>>
        tpu.vector_store_idx %scatter3A_652[%iota3A, %add3A_642], %get3A_647 : memref<32x128xf32, #tpu.memory_space<vmem>>[vector<16xi32>, vector<16xi32>], vector<16xf32>,
        %get3A_653 = arith.constant 0 : i32
        %get3A_654 = arith.index_cast %get3A_653 : i32 to index
        %get3A_655 = arith.index_cast %add3A_638 : i32 to index
        %get3A_656 = arith.constant 16 : index
        %get3A_657 = tpu.vector_load %arg6[%get3A_654, %get3A_655, %get3A_656] {strides = array<i32>} : memref<4x128x32xf32, #tpu.memory_space<vmem>>, vector<16xf32>,
        %scatter3A_658 = arith.constant 0 : i32
        %scatter3A_659 = arith.constant 0 : i32
        %scatter3A_660 = arith.constant 0 : i32
        %scatter3A_661 = tpu.memref_slice %arg7[%scatter3A_658, %scatter3A_659, %scatter3A_660] : memref<2x32x128xf32, #tpu.memory_space<vmem>> -> memref<1x32x128xf32, #tpu.memory_space<vmem>>
        %scatter3A_662 = tpu.memref_squeeze %scatter3A_661 : memref<1x32x128xf32, #tpu.memory_space<vmem>> -> memref<32x128xf32, #tpu.memory_space<vmem>>
        tpu.vector_store_idx %scatter3A_662[%add3A_7, %add3A_642], %get3A_657 : memref<32x128xf32, #tpu.memory_space<vmem>>[vector<16xi32>, vector<16xi32>], vector<16xf32>,
        %mul3A_663 = arith.constant 8 : i32
        %mul3A_664 = arith.muli %scan3A_609, %mul3A_663 : i32
        %add3A_665 = arith.constant 2 : i32
        %add3A_666 = arith.addi %mul3A_664, %add3A_665 : i32
        %broadcast_in_dim3A_667 = arith.constant 0 : i32
        %broadcast_in_dim3A_668 = vector.broadcast %broadcast_in_dim3A_667 : i32 to vector<16xi32>
        %add3A_669 = vector.broadcast %add3A_666 : i32 to vector<16xi32>
        %add3A_670 = arith.addi %broadcast_in_dim3A_668, %add3A_669 : vector<16xi32>
        %get3A_671 = arith.constant 0 : i32
        %get3A_672 = arith.index_cast %get3A_671 : i32 to index
        %get3A_673 = arith.index_cast %add3A_666 : i32 to index
        %get3A_674 = arith.constant 0 : index
        %get3A_675 = tpu.vector_load %arg6[%get3A_672, %get3A_673, %get3A_674] {strides = array<i32>} : memref<4x128x32xf32, #tpu.memory_space<vmem>>, vector<16xf32>,
        %scatter3A_676 = arith.constant 0 : i32
        %scatter3A_677 = arith.constant 0 : i32
        %scatter3A_678 = arith.constant 0 : i32
        %scatter3A_679 = tpu.memref_slice %arg7[%scatter3A_676, %scatter3A_677, %scatter3A_678] : memref<2x32x128xf32, #tpu.memory_space<vmem>> -> memref<1x32x128xf32, #tpu.memory_space<vmem>>
        %scatter3A_680 = tpu.memref_squeeze %scatter3A_679 : memref<1x32x128xf32, #tpu.memory_space<vmem>> -> memref<32x128xf32, #tpu.memory_space<vmem>>
        tpu.vector_store_idx %scatter3A_680[%iota3A, %add3A_670], %get3A_675 : memref<32x128xf32, #tpu.memory_space<vmem>>[vector<16xi32>, vector<16xi32>], vector<16xf32>,
        %get3A_681 = arith.constant 0 : i32
        %get3A_682 = arith.index_cast %get3A_681 : i32 to index
        %get3A_683 = arith.index_cast %add3A_666 : i32 to index
        %get3A_684 = arith.constant 16 : index
        %get3A_685 = tpu.vector_load %arg6[%get3A_682, %get3A_683, %get3A_684] {strides = array<i32>} : memref<4x128x32xf32, #tpu.memory_space<vmem>>, vector<16xf32>,
        %scatter3A_686 = arith.constant 0 : i32
        %scatter3A_687 = arith.constant 0 : i32
        %scatter3A_688 = arith.constant 0 : i32
        %scatter3A_689 = tpu.memref_slice %arg7[%scatter3A_686, %scatter3A_687, %scatter3A_688] : memref<2x32x128xf32, #tpu.memory_space<vmem>> -> memref<1x32x128xf32, #tpu.memory_space<vmem>>
        %scatter3A_690 = tpu.memref_squeeze %scatter3A_689 : memref<1x32x128xf32, #tpu.memory_space<vmem>> -> memref<32x128xf32, #tpu.memory_space<vmem>>
        tpu.vector_store_idx %scatter3A_690[%add3A_7, %add3A_670], %get3A_685 : memref<32x128xf32, #tpu.memory_space<vmem>>[vector<16xi32>, vector<16xi32>], vector<16xf32>,
        %mul3A_691 = arith.constant 8 : i32
        %mul3A_692 = arith.muli %scan3A_609, %mul3A_691 : i32
        %add3A_693 = arith.constant 3 : i32
        %add3A_694 = arith.addi %mul3A_692, %add3A_693 : i32
        %broadcast_in_dim3A_695 = arith.constant 0 : i32
        %broadcast_in_dim3A_696 = vector.broadcast %broadcast_in_dim3A_695 : i32 to vector<16xi32>
        %add3A_697 = vector.broadcast %add3A_694 : i32 to vector<16xi32>
        %add3A_698 = arith.addi %broadcast_in_dim3A_696, %add3A_697 : vector<16xi32>
        %get3A_699 = arith.constant 0 : i32
        %get3A_700 = arith.index_cast %get3A_699 : i32 to index
        %get3A_701 = arith.index_cast %add3A_694 : i32 to index
        %get3A_702 = arith.constant 0 : index
        %get3A_703 = tpu.vector_load %arg6[%get3A_700, %get3A_701, %get3A_702] {strides = array<i32>} : memref<4x128x32xf32, #tpu.memory_space<vmem>>, vector<16xf32>,
        %scatter3A_704 = arith.constant 0 : i32
        %scatter3A_705 = arith.constant 0 : i32
        %scatter3A_706 = arith.constant 0 : i32
        %scatter3A_707 = tpu.memref_slice %arg7[%scatter3A_704, %scatter3A_705, %scatter3A_706] : memref<2x32x128xf32, #tpu.memory_space<vmem>> -> memref<1x32x128xf32, #tpu.memory_space<vmem>>
        %scatter3A_708 = tpu.memref_squeeze %scatter3A_707 : memref<1x32x128xf32, #tpu.memory_space<vmem>> -> memref<32x128xf32, #tpu.memory_space<vmem>>
        tpu.vector_store_idx %scatter3A_708[%iota3A, %add3A_698], %get3A_703 : memref<32x128xf32, #tpu.memory_space<vmem>>[vector<16xi32>, vector<16xi32>], vector<16xf32>,
        %get3A_709 = arith.constant 0 : i32
        %get3A_710 = arith.index_cast %get3A_709 : i32 to index
        %get3A_711 = arith.index_cast %add3A_694 : i32 to index
        %get3A_712 = arith.constant 16 : index
        %get3A_713 = tpu.vector_load %arg6[%get3A_710, %get3A_711, %get3A_712] {strides = array<i32>} : memref<4x128x32xf32, #tpu.memory_space<vmem>>, vector<16xf32>,
        %scatter3A_714 = arith.constant 0 : i32
        %scatter3A_715 = arith.constant 0 : i32
        %scatter3A_716 = arith.constant 0 : i32
        %scatter3A_717 = tpu.memref_slice %arg7[%scatter3A_714, %scatter3A_715, %scatter3A_716] : memref<2x32x128xf32, #tpu.memory_space<vmem>> -> memref<1x32x128xf32, #tpu.memory_space<vmem>>
        %scatter3A_718 = tpu.memref_squeeze %scatter3A_717 : memref<1x32x128xf32, #tpu.memory_space<vmem>> -> memref<32x128xf32, #tpu.memory_space<vmem>>
        tpu.vector_store_idx %scatter3A_718[%add3A_7, %add3A_698], %get3A_713 : memref<32x128xf32, #tpu.memory_space<vmem>>[vector<16xi32>, vector<16xi32>], vector<16xf32>,
        %mul3A_719 = arith.constant 8 : i32
        %mul3A_720 = arith.muli %scan3A_609, %mul3A_719 : i32
        %add3A_721 = arith.constant 4 : i32
        %add3A_722 = arith.addi %mul3A_720, %add3A_721 : i32
        %broadcast_in_dim3A_723 = arith.constant 0 : i32
        %broadcast_in_dim3A_724 = vector.broadcast %broadcast_in_dim3A_723 : i32 to vector<16xi32>
        %add3A_725 = vector.broadcast %add3A_722 : i32 to vector<16xi32>
        %add3A_726 = arith.addi %broadcast_in_dim3A_724, %add3A_725 : vector<16xi32>
        %get3A_727 = arith.constant 0 : i32
        %get3A_728 = arith.index_cast %get3A_727 : i32 to index
        %get3A_729 = arith.index_cast %add3A_722 : i32 to index
        %get3A_730 = arith.constant 0 : index
        %get3A_731 = tpu.vector_load %arg6[%get3A_728, %get3A_729, %get3A_730] {strides = array<i32>} : memref<4x128x32xf32, #tpu.memory_space<vmem>>, vector<16xf32>,
        %scatter3A_732 = arith.constant 0 : i32
        %scatter3A_733 = arith.constant 0 : i32
        %scatter3A_734 = arith.constant 0 : i32
        %scatter3A_735 = tpu.memref_slice %arg7[%scatter3A_732, %scatter3A_733, %scatter3A_734] : memref<2x32x128xf32, #tpu.memory_space<vmem>> -> memref<1x32x128xf32, #tpu.memory_space<vmem>>
        %scatter3A_736 = tpu.memref_squeeze %scatter3A_735 : memref<1x32x128xf32, #tpu.memory_space<vmem>> -> memref<32x128xf32, #tpu.memory_space<vmem>>
        tpu.vector_store_idx %scatter3A_736[%iota3A, %add3A_726], %get3A_731 : memref<32x128xf32, #tpu.memory_space<vmem>>[vector<16xi32>, vector<16xi32>], vector<16xf32>,
        %get3A_737 = arith.constant 0 : i32
        %get3A_738 = arith.index_cast %get3A_737 : i32 to index
        %get3A_739 = arith.index_cast %add3A_722 : i32 to index
        %get3A_740 = arith.constant 16 : index
        %get3A_741 = tpu.vector_load %arg6[%get3A_738, %get3A_739, %get3A_740] {strides = array<i32>} : memref<4x128x32xf32, #tpu.memory_space<vmem>>, vector<16xf32>,
        %scatter3A_742 = arith.constant 0 : i32
        %scatter3A_743 = arith.constant 0 : i32
        %scatter3A_744 = arith.constant 0 : i32
        %scatter3A_745 = tpu.memref_slice %arg7[%scatter3A_742, %scatter3A_743, %scatter3A_744] : memref<2x32x128xf32, #tpu.memory_space<vmem>> -> memref<1x32x128xf32, #tpu.memory_space<vmem>>
        %scatter3A_746 = tpu.memref_squeeze %scatter3A_745 : memref<1x32x128xf32, #tpu.memory_space<vmem>> -> memref<32x128xf32, #tpu.memory_space<vmem>>
        tpu.vector_store_idx %scatter3A_746[%add3A_7, %add3A_726], %get3A_741 : memref<32x128xf32, #tpu.memory_space<vmem>>[vector<16xi32>, vector<16xi32>], vector<16xf32>,
        %mul3A_747 = arith.constant 8 : i32
        %mul3A_748 = arith.muli %scan3A_609, %mul3A_747 : i32
        %add3A_749 = arith.constant 5 : i32
        %add3A_750 = arith.addi %mul3A_748, %add3A_749 : i32
        %broadcast_in_dim3A_751 = arith.constant 0 : i32
        %broadcast_in_dim3A_752 = vector.broadcast %broadcast_in_dim3A_751 : i32 to vector<16xi32>
        %add3A_753 = vector.broadcast %add3A_750 : i32 to vector<16xi32>
        %add3A_754 = arith.addi %broadcast_in_dim3A_752, %add3A_753 : vector<16xi32>
        %get3A_755 = arith.constant 0 : i32
        %get3A_756 = arith.index_cast %get3A_755 : i32 to index
        %get3A_757 = arith.index_cast %add3A_750 : i32 to index
        %get3A_758 = arith.constant 0 : index
        %get3A_759 = tpu.vector_load %arg6[%get3A_756, %get3A_757, %get3A_758] {strides = array<i32>} : memref<4x128x32xf32, #tpu.memory_space<vmem>>, vector<16xf32>,
        %scatter3A_760 = arith.constant 0 : i32
        %scatter3A_761 = arith.constant 0 : i32
        %scatter3A_762 = arith.constant 0 : i32
        %scatter3A_763 = tpu.memref_slice %arg7[%scatter3A_760, %scatter3A_761, %scatter3A_762] : memref<2x32x128xf32, #tpu.memory_space<vmem>> -> memref<1x32x128xf32, #tpu.memory_space<vmem>>
        %scatter3A_764 = tpu.memref_squeeze %scatter3A_763 : memref<1x32x128xf32, #tpu.memory_space<vmem>> -> memref<32x128xf32, #tpu.memory_space<vmem>>
        tpu.vector_store_idx %scatter3A_764[%iota3A, %add3A_754], %get3A_759 : memref<32x128xf32, #tpu.memory_space<vmem>>[vector<16xi32>, vector<16xi32>], vector<16xf32>,
        %get3A_765 = arith.constant 0 : i32
        %get3A_766 = arith.index_cast %get3A_765 : i32 to index
        %get3A_767 = arith.index_cast %add3A_750 : i32 to index
        %get3A_768 = arith.constant 16 : index
        %get3A_769 = tpu.vector_load %arg6[%get3A_766, %get3A_767, %get3A_768] {strides = array<i32>} : memref<4x128x32xf32, #tpu.memory_space<vmem>>, vector<16xf32>,
        %scatter3A_770 = arith.constant 0 : i32
        %scatter3A_771 = arith.constant 0 : i32
        %scatter3A_772 = arith.constant 0 : i32
        %scatter3A_773 = tpu.memref_slice %arg7[%scatter3A_770, %scatter3A_771, %scatter3A_772] : memref<2x32x128xf32, #tpu.memory_space<vmem>> -> memref<1x32x128xf32, #tpu.memory_space<vmem>>
        %scatter3A_774 = tpu.memref_squeeze %scatter3A_773 : memref<1x32x128xf32, #tpu.memory_space<vmem>> -> memref<32x128xf32, #tpu.memory_space<vmem>>
        tpu.vector_store_idx %scatter3A_774[%add3A_7, %add3A_754], %get3A_769 : memref<32x128xf32, #tpu.memory_space<vmem>>[vector<16xi32>, vector<16xi32>], vector<16xf32>,
        %mul3A_775 = arith.constant 8 : i32
        %mul3A_776 = arith.muli %scan3A_609, %mul3A_775 : i32
        %add3A_777 = arith.constant 6 : i32
        %add3A_778 = arith.addi %mul3A_776, %add3A_777 : i32
        %broadcast_in_dim3A_779 = arith.constant 0 : i32
        %broadcast_in_dim3A_780 = vector.broadcast %broadcast_in_dim3A_779 : i32 to vector<16xi32>
        %add3A_781 = vector.broadcast %add3A_778 : i32 to vector<16xi32>
        %add3A_782 = arith.addi %broadcast_in_dim3A_780, %add3A_781 : vector<16xi32>
        %get3A_783 = arith.constant 0 : i32
        %get3A_784 = arith.index_cast %get3A_783 : i32 to index
        %get3A_785 = arith.index_cast %add3A_778 : i32 to index
        %get3A_786 = arith.constant 0 : index
        %get3A_787 = tpu.vector_load %arg6[%get3A_784, %get3A_785, %get3A_786] {strides = array<i32>} : memref<4x128x32xf32, #tpu.memory_space<vmem>>, vector<16xf32>,
        %scatter3A_788 = arith.constant 0 : i32
        %scatter3A_789 = arith.constant 0 : i32
        %scatter3A_790 = arith.constant 0 : i32
        %scatter3A_791 = tpu.memref_slice %arg7[%scatter3A_788, %scatter3A_789, %scatter3A_790] : memref<2x32x128xf32, #tpu.memory_space<vmem>> -> memref<1x32x128xf32, #tpu.memory_space<vmem>>
        %scatter3A_792 = tpu.memref_squeeze %scatter3A_791 : memref<1x32x128xf32, #tpu.memory_space<vmem>> -> memref<32x128xf32, #tpu.memory_space<vmem>>
        tpu.vector_store_idx %scatter3A_792[%iota3A, %add3A_782], %get3A_787 : memref<32x128xf32, #tpu.memory_space<vmem>>[vector<16xi32>, vector<16xi32>], vector<16xf32>,
        %get3A_793 = arith.constant 0 : i32
        %get3A_794 = arith.index_cast %get3A_793 : i32 to index
        %get3A_795 = arith.index_cast %add3A_778 : i32 to index
        %get3A_796 = arith.constant 16 : index
        %get3A_797 = tpu.vector_load %arg6[%get3A_794, %get3A_795, %get3A_796] {strides = array<i32>} : memref<4x128x32xf32, #tpu.memory_space<vmem>>, vector<16xf32>,
        %scatter3A_798 = arith.constant 0 : i32
        %scatter3A_799 = arith.constant 0 : i32
        %scatter3A_800 = arith.constant 0 : i32
        %scatter3A_801 = tpu.memref_slice %arg7[%scatter3A_798, %scatter3A_799, %scatter3A_800] : memref<2x32x128xf32, #tpu.memory_space<vmem>> -> memref<1x32x128xf32, #tpu.memory_space<vmem>>
        %scatter3A_802 = tpu.memref_squeeze %scatter3A_801 : memref<1x32x128xf32, #tpu.memory_space<vmem>> -> memref<32x128xf32, #tpu.memory_space<vmem>>
        tpu.vector_store_idx %scatter3A_802[%add3A_7, %add3A_782], %get3A_797 : memref<32x128xf32, #tpu.memory_space<vmem>>[vector<16xi32>, vector<16xi32>], vector<16xf32>,
        %mul3A_803 = arith.constant 8 : i32
        %mul3A_804 = arith.muli %scan3A_609, %mul3A_803 : i32
        %add3A_805 = arith.constant 7 : i32
        %add3A_806 = arith.addi %mul3A_804, %add3A_805 : i32
        %broadcast_in_dim3A_807 = arith.constant 0 : i32
        %broadcast_in_dim3A_808 = vector.broadcast %broadcast_in_dim3A_807 : i32 to vector<16xi32>
        %add3A_809 = vector.broadcast %add3A_806 : i32 to vector<16xi32>
        %add3A_810 = arith.addi %broadcast_in_dim3A_808, %add3A_809 : vector<16xi32>
        %get3A_811 = arith.constant 0 : i32
        %get3A_812 = arith.index_cast %get3A_811 : i32 to index
        %get3A_813 = arith.index_cast %add3A_806 : i32 to index
        %get3A_814 = arith.constant 0 : index
        %get3A_815 = tpu.vector_load %arg6[%get3A_812, %get3A_813, %get3A_814] {strides = array<i32>} : memref<4x128x32xf32, #tpu.memory_space<vmem>>, vector<16xf32>,
        %scatter3A_816 = arith.constant 0 : i32
        %scatter3A_817 = arith.constant 0 : i32
        %scatter3A_818 = arith.constant 0 : i32
        %scatter3A_819 = tpu.memref_slice %arg7[%scatter3A_816, %scatter3A_817, %scatter3A_818] : memref<2x32x128xf32, #tpu.memory_space<vmem>> -> memref<1x32x128xf32, #tpu.memory_space<vmem>>
        %scatter3A_820 = tpu.memref_squeeze %scatter3A_819 : memref<1x32x128xf32, #tpu.memory_space<vmem>> -> memref<32x128xf32, #tpu.memory_space<vmem>>
        tpu.vector_store_idx %scatter3A_820[%iota3A, %add3A_810], %get3A_815 : memref<32x128xf32, #tpu.memory_space<vmem>>[vector<16xi32>, vector<16xi32>], vector<16xf32>,
        %get3A_821 = arith.constant 0 : i32
        %get3A_822 = arith.index_cast %get3A_821 : i32 to index
        %get3A_823 = arith.index_cast %add3A_806 : i32 to index
        %get3A_824 = arith.constant 16 : index
        %get3A_825 = tpu.vector_load %arg6[%get3A_822, %get3A_823, %get3A_824] {strides = array<i32>} : memref<4x128x32xf32, #tpu.memory_space<vmem>>, vector<16xf32>,
        %scatter3A_826 = arith.constant 0 : i32
        %scatter3A_827 = arith.constant 0 : i32
        %scatter3A_828 = arith.constant 0 : i32
        %scatter3A_829 = tpu.memref_slice %arg7[%scatter3A_826, %scatter3A_827, %scatter3A_828] : memref<2x32x128xf32, #tpu.memory_space<vmem>> -> memref<1x32x128xf32, #tpu.memory_space<vmem>>
        %scatter3A_830 = tpu.memref_squeeze %scatter3A_829 : memref<1x32x128xf32, #tpu.memory_space<vmem>> -> memref<32x128xf32, #tpu.memory_space<vmem>>
        tpu.vector_store_idx %scatter3A_830[%add3A_7, %add3A_810], %get3A_825 : memref<32x128xf32, #tpu.memory_space<vmem>>[vector<16xi32>, vector<16xi32>], vector<16xf32>,
      }
      %scan3A_123 = arith.constant 16 : i32
      %add3A_124 = arith.addi %mul3A_4, %add3A_97 : i32
      %jit3A = arith.constant 16 : i32
      %div3A = arith.divsi %add3A_124, %jit3A : i32
      %sign3A = arith.constant 0 : i32
      %sign3A_125 = arith.cmpi sgt, %add3A_124, %sign3A : i32
      %sign3A_126 = arith.extui %sign3A_125 : i1 to i32
      %sign3A_127 = arith.constant 0 : i32
      %sign3A_128 = arith.cmpi slt, %add3A_124, %sign3A_127 : i32
      %sign3A_129 = arith.extui %sign3A_128 : i1 to i32
      %sign3A_130 = arith.subi %sign3A_126, %sign3A_129 : i32
      %sign3A_131 = arith.constant 0 : i32
      %sign3A_132 = arith.cmpi sgt, %jit3A, %sign3A_131 : i32
      %sign3A_133 = arith.extui %sign3A_132 : i1 to i32
      %sign3A_134 = arith.constant 0 : i32
      %sign3A_135 = arith.cmpi slt, %jit3A, %sign3A_134 : i32
      %sign3A_136 = arith.extui %sign3A_135 : i1 to i32
      %sign3A_137 = arith.subi %sign3A_133, %sign3A_136 : i32
      %ne3A = arith.cmpi ne, %sign3A_130, %sign3A_137 : i32
      %rem3A = arith.remsi %add3A_124, %jit3A : i32
      %ne3A_138 = arith.constant 0 : i32
      %ne3A_139 = arith.cmpi ne, %rem3A, %ne3A_138 : i32
      %and3A = arith.andi %ne3A, %ne3A_139 : i1
      %sub3A = arith.constant 1 : i32
      %sub3A_140 = arith.subi %div3A, %sub3A : i32
      %select_n3A = arith.select %and3A, %sub3A_140, %div3A : i32
      %jit3A_141 = arith.constant 16 : i32
      %eq3A = arith.constant 0 : i32
      %eq3A_142 = arith.cmpi eq, %jit3A_141, %eq3A : i32
      %jit3A_143 = arith.constant 1 : i32
      %select_n3A_144 = arith.select %eq3A_142, %jit3A_143, %jit3A_141 : i32
      %rem3A_145 = arith.remsi %add3A_124, %select_n3A_144 : i32
      %ne3A_146 = arith.constant 0 : i32
      %ne3A_147 = arith.cmpi ne, %rem3A_145, %ne3A_146 : i32
      %lt3A_148 = arith.constant 0 : i32
      %lt3A_149 = arith.cmpi slt, %rem3A_145, %lt3A_148 : i32
      %lt3A_150 = arith.constant 0 : i32
      %lt3A_151 = arith.cmpi slt, %select_n3A_144, %lt3A_150 : i32
      %ne3A_152 = arith.xori %lt3A_149, %lt3A_151 : i1
      %and3A_153 = arith.andi %ne3A_152, %ne3A_147 : i1
      %add3A_154 = arith.addi %rem3A_145, %select_n3A_144 : i32
      %select_n3A_155 = arith.select %and3A_153, %add3A_154, %rem3A_145 : i32
      %jit3A_156 = arith.constant 8 : i32
      %div3A_157 = arith.divsi %select_n3A_155, %jit3A_156 : i32
      %sign3A_158 = arith.constant 0 : i32
      %sign3A_159 = arith.cmpi sgt, %select_n3A_155, %sign3A_158 : i32
      %sign3A_160 = arith.extui %sign3A_159 : i1 to i32
      %sign3A_161 = arith.constant 0 : i32
      %sign3A_162 = arith.cmpi slt, %select_n3A_155, %sign3A_161 : i32
      %sign3A_163 = arith.extui %sign3A_162 : i1 to i32
      %sign3A_164 = arith.subi %sign3A_160, %sign3A_163 : i32
      %sign3A_165 = arith.constant 0 : i32
      %sign3A_166 = arith.cmpi sgt, %jit3A_156, %sign3A_165 : i32
      %sign3A_167 = arith.extui %sign3A_166 : i1 to i32
      %sign3A_168 = arith.constant 0 : i32
      %sign3A_169 = arith.cmpi slt, %jit3A_156, %sign3A_168 : i32
      %sign3A_170 = arith.extui %sign3A_169 : i1 to i32
      %sign3A_171 = arith.subi %sign3A_167, %sign3A_170 : i32
      %ne3A_172 = arith.cmpi ne, %sign3A_164, %sign3A_171 : i32
      %rem3A_173 = arith.remsi %select_n3A_155, %jit3A_156 : i32
      %ne3A_174 = arith.constant 0 : i32
      %ne3A_175 = arith.cmpi ne, %rem3A_173, %ne3A_174 : i32
      %and3A_176 = arith.andi %ne3A_172, %ne3A_175 : i1
      %sub3A_177 = arith.constant 1 : i32
      %sub3A_178 = arith.subi %div3A_157, %sub3A_177 : i32
      %select_n3A_179 = arith.select %and3A_176, %sub3A_178, %div3A_157 : i32
      %jit3A_180 = arith.constant 8 : i32
      %eq3A_181 = arith.constant 0 : i32
      %eq3A_182 = arith.cmpi eq, %jit3A_180, %eq3A_181 : i32
      %jit3A_183 = arith.constant 1 : i32
      %select_n3A_184 = arith.select %eq3A_182, %jit3A_183, %jit3A_180 : i32
      %rem3A_185 = arith.remsi %select_n3A_155, %select_n3A_184 : i32
      %ne3A_186 = arith.constant 0 : i32
      %ne3A_187 = arith.cmpi ne, %rem3A_185, %ne3A_186 : i32
      %lt3A_188 = arith.constant 0 : i32
      %lt3A_189 = arith.cmpi slt, %rem3A_185, %lt3A_188 : i32
      %lt3A_190 = arith.constant 0 : i32
      %lt3A_191 = arith.cmpi slt, %select_n3A_184, %lt3A_190 : i32
      %ne3A_192 = arith.xori %lt3A_189, %lt3A_191 : i1
      %and3A_193 = arith.andi %ne3A_192, %ne3A_187 : i1
      %add3A_194 = arith.addi %rem3A_185, %select_n3A_184 : i32
      %select_n3A_195 = arith.select %and3A_193, %add3A_194, %rem3A_185 : i32
      %mul3A_196 = arith.constant 128 : i32
      %mul3A_197 = arith.muli %select_n3A_195, %mul3A_196 : i32
      %dma_start3A_198 = arith.constant 0 : i32
      %dma_start3A_199 = arith.constant 0 : i32
      %dma_start3A_200 = arith.constant 0 : i32
      %dma_start3A_201 = tpu.memref_slice %arg7[%dma_start3A_198, %dma_start3A_199, %dma_start3A_200] : memref<2x32x128xf32, #tpu.memory_space<vmem>> -> memref<1x32x128xf32, #tpu.memory_space<vmem>>
      %dma_start3A_202 = tpu.memref_squeeze %dma_start3A_201 : memref<1x32x128xf32, #tpu.memory_space<vmem>> -> memref<32x128xf32, #tpu.memory_space<vmem>>
      %dma_start3A_203 = arith.constant 0 : i32
      %dma_start3A_204 = tpu.memref_slice %arg4[%select_n3A, %select_n3A_179, %dma_start3A_203, %mul3A_197] : memref<200x2x32x1024xf32, #tpu.memory_space<hbm>> -> memref<1x1x32x128xf32, #tpu.memory_space<hbm>>
      %dma_start3A_205 = tpu.memref_squeeze %dma_start3A_204 : memref<1x1x32x128xf32, #tpu.memory_space<hbm>> -> memref<32x128xf32, #tpu.memory_space<hbm>>
      %dma_start3A_206 = arith.constant 0 : i32
      %dma_start3A_207 = tpu.memref_slice %arg4[%select_n3A, %select_n3A_179, %dma_start3A_206, %mul3A_197] : memref<200x2x32x1024xf32, #tpu.memory_space<hbm>> -> memref<1x1x32x128xf32, #tpu.memory_space<hbm>>
      %dma_start3A_208 = tpu.memref_squeeze %dma_start3A_207 : memref<1x1x32x128xf32, #tpu.memory_space<hbm>> -> memref<32x128xf32, #tpu.memory_space<hbm>>
      %dma_start3A_209 = arith.constant 0 : i32
      %dma_start3A_210 = arith.constant 0 : i32
      %dma_start3A_211 = tpu.memref_slice %arg7[%dma_start3A_198, %dma_start3A_209, %dma_start3A_210] : memref<2x32x128xf32, #tpu.memory_space<vmem>> -> memref<1x32x128xf32, #tpu.memory_space<vmem>>
      %dma_start3A_212 = tpu.memref_squeeze %dma_start3A_211 : memref<1x32x128xf32, #tpu.memory_space<vmem>> -> memref<32x128xf32, #tpu.memory_space<vmem>>
      tpu.enqueue_dma source(%dma_start3A_212 : memref<32x128xf32, #tpu.memory_space<vmem>>) target(%dma_start3A_208 : memref<32x128xf32, #tpu.memory_space<hbm>>) target_semaphore(%arg12 : memref<!tpu.dma_semaphore, #tpu.memory_space<semaphore_mem>>)
      %mul3A_213 = arith.constant 4 : i32
      %mul3A_214 = arith.muli %scan3A_93, %mul3A_213 : i32
      %add3A_215 = arith.constant 1 : i32
      %add3A_216 = arith.addi %mul3A_214, %add3A_215 : i32
      %add3A_217 = arith.constant 3 : i32
      %add3A_218 = arith.addi %add3A_216, %add3A_217 : i32
      %lt3A_219 = arith.constant 100 : i32
      %lt3A_220 = arith.cmpi slt, %add3A_218, %lt3A_219 : i32
      %convert_element_type3A_221 = arith.extui %lt3A_220 : i1 to i32
      %cond3A_222 = arith.constant 0 : i32
      %cond3A_223 = arith.cmpi ne, %convert_element_type3A_221, %cond3A_222 : i32
      scf.if %cond3A_223 {
        %mul3A_609 = arith.constant 128 : i32
        %mul3A_610 = arith.muli %add3A_218, %mul3A_609 : i32
        %add3A_611 = arith.addi %mul3A_2, %mul3A_610 : i32
        %run_scoped3A_612 = arith.constant 0 : i32
        "tpu.region"() ({
          %run_scoped3A_625 = tpu.sem_alloc : memref<!tpu.dma_semaphore, #tpu.memory_space<semaphore_mem>>
          %dma_start3A_626 = arith.constant 0 : i32
          %dma_start3A_627 = tpu.memref_slice %arg5[%run_scoped3A_612, %dma_start3A_626] : memref<4x128xi32, #tpu.memory_space<vmem>> -> memref<1x128xi32, #tpu.memory_space<vmem>>
          %dma_start3A_628 = tpu.memref_squeeze %dma_start3A_627 : memref<1x128xi32, #tpu.memory_space<vmem>> -> memref<128xi32, #tpu.memory_space<vmem>>
          %dma_start3A_629 = tpu.memref_slice %arg3[%add3A_611] : memref<409600xi32, #tpu.memory_space<hbm>> -> memref<128xi32, #tpu.memory_space<hbm>>
          %dma_start3A_630 = arith.constant 0 : i32
          %dma_start3A_631 = tpu.memref_slice %arg5[%run_scoped3A_612, %dma_start3A_630] : memref<4x128xi32, #tpu.memory_space<vmem>> -> memref<1x128xi32, #tpu.memory_space<vmem>>
          %dma_start3A_632 = tpu.memref_squeeze %dma_start3A_631 : memref<1x128xi32, #tpu.memory_space<vmem>> -> memref<128xi32, #tpu.memory_space<vmem>>
          %dma_start3A_633 = tpu.memref_slice %arg3[%add3A_611] : memref<409600xi32, #tpu.memory_space<hbm>> -> memref<128xi32, #tpu.memory_space<hbm>>
          tpu.enqueue_dma source(%dma_start3A_633 : memref<128xi32, #tpu.memory_space<hbm>>) target(%dma_start3A_632 : memref<128xi32, #tpu.memory_space<vmem>>) target_semaphore(%run_scoped3A_625 : memref<!tpu.dma_semaphore, #tpu.memory_space<semaphore_mem>>)
          %dma_wait3A_634 = arith.constant 0 : i32
          %dma_wait3A_635 = tpu.memref_slice %arg5[%run_scoped3A_612, %dma_wait3A_634] : memref<4x128xi32, #tpu.memory_space<vmem>> -> memref<1x128xi32, #tpu.memory_space<vmem>>
          %dma_wait3A_636 = tpu.memref_squeeze %dma_wait3A_635 : memref<1x128xi32, #tpu.memory_space<vmem>> -> memref<128xi32, #tpu.memory_space<vmem>>
          %dma_wait3A_637 = tpu.memref_slice %arg3[%add3A_611] : memref<409600xi32, #tpu.memory_space<hbm>> -> memref<128xi32, #tpu.memory_space<hbm>>
          %dma_wait3A_638 = arith.constant 0 : i32
          %dma_wait3A_639 = tpu.memref_slice %arg5[%run_scoped3A_612, %dma_wait3A_638] : memref<4x128xi32, #tpu.memory_space<vmem>> -> memref<1x128xi32, #tpu.memory_space<vmem>>
          %dma_wait3A_640 = tpu.memref_squeeze %dma_wait3A_639 : memref<1x128xi32, #tpu.memory_space<vmem>> -> memref<128xi32, #tpu.memory_space<vmem>>
          %dma_wait3A_641 = tpu.memref_slice %arg3[%add3A_611] : memref<409600xi32, #tpu.memory_space<hbm>> -> memref<128xi32, #tpu.memory_space<hbm>>
          tpu.wait_dma2 semaphore(%run_scoped3A_625 : memref<!tpu.dma_semaphore, #tpu.memory_space<semaphore_mem>>) src(%dma_wait3A_641 : memref<128xi32, #tpu.memory_space<hbm>>) dst(%dma_wait3A_640 : memref<128xi32, #tpu.memory_space<vmem>>)
          tpu.yield
        }) : () -> ()
        %dma_start3A_613 = arith.constant 0 : i32
        %dma_start3A_614 = arith.constant 0 : i32
        %dma_start3A_615 = arith.constant 0 : i32
        %dma_start3A_616 = arith.constant 0 : i32
        %dma_start3A_617 = tpu.memref_slice %arg6[%dma_start3A_614, %dma_start3A_615, %dma_start3A_616] : memref<4x128x32xf32, #tpu.memory_space<vmem>> -> memref<1x128x32xf32, #tpu.memory_space<vmem>>
        %dma_start3A_618 = tpu.memref_squeeze %dma_start3A_617 : memref<1x128x32xf32, #tpu.memory_space<vmem>> -> memref<128x32xf32, #tpu.memory_space<vmem>>
        %dma_start3A_619 = arith.constant 0 : i32
        %dma_start3A_620 = tpu.memref_slice %arg5[%dma_start3A_613, %dma_start3A_619] : memref<4x128xi32, #tpu.memory_space<vmem>> -> memref<1x128xi32, #tpu.memory_space<vmem>>
        %dma_start3A_621 = tpu.memref_squeeze %dma_start3A_620 : memref<1x128xi32, #tpu.memory_space<vmem>> -> memref<128xi32, #tpu.memory_space<vmem>>
        %dma_start3A_622 = arith.constant 0 : i32
        %dma_start3A_623 = arith.constant 0 : i32
        %dma_start3A_624 = tpu.memref_slice %arg2[%dma_start3A_622, %dma_start3A_623] : memref<200000x32xf32, #tpu.memory_space<hbm>> -> memref<200000x32xf32, #tpu.memory_space<hbm>>
        tpu.enqueue_indirect_dma source(%dma_start3A_624 : memref<200000x32xf32, #tpu.memory_space<hbm>>) target(%dma_start3A_618 : memref<128x32xf32, #tpu.memory_space<vmem>>) offsets(%dma_start3A_621 : memref<128xi32, #tpu.memory_space<vmem>>) semaphore(%arg8 : memref<!tpu.dma_semaphore, #tpu.memory_space<semaphore_mem>>)
      } else {
      }
      %dma_wait3A_224 = arith.constant 1 : i32
      %dma_wait3A_225 = arith.constant 1 : i32
      %dma_wait3A_226 = arith.constant 0 : i32
      %dma_wait3A_227 = arith.constant 0 : i32
      %dma_wait3A_228 = tpu.memref_slice %arg6[%dma_wait3A_225, %dma_wait3A_226, %dma_wait3A_227] : memref<4x128x32xf32, #tpu.memory_space<vmem>> -> memref<1x128x32xf32, #tpu.memory_space<vmem>>
      %dma_wait3A_229 = tpu.memref_squeeze %dma_wait3A_228 : memref<1x128x32xf32, #tpu.memory_space<vmem>> -> memref<128x32xf32, #tpu.memory_space<vmem>>
      %dma_wait3A_230 = arith.constant 0 : i32
      %dma_wait3A_231 = tpu.memref_slice %arg5[%dma_wait3A_224, %dma_wait3A_230] : memref<4x128xi32, #tpu.memory_space<vmem>> -> memref<1x128xi32, #tpu.memory_space<vmem>>
      %dma_wait3A_232 = tpu.memref_squeeze %dma_wait3A_231 : memref<1x128xi32, #tpu.memory_space<vmem>> -> memref<128xi32, #tpu.memory_space<vmem>>
      %dma_wait3A_233 = arith.constant 0 : i32
      %dma_wait3A_234 = arith.constant 0 : i32
      %dma_wait3A_235 = tpu.memref_slice %arg2[%dma_wait3A_233, %dma_wait3A_234] : memref<200000x32xf32, #tpu.memory_space<hbm>> -> memref<200000x32xf32, #tpu.memory_space<hbm>>
      tpu.wait_indirect_dma semaphore(%arg9 : memref<!tpu.dma_semaphore, #tpu.memory_space<semaphore_mem>>) src(%dma_wait3A_235 : memref<200000x32xf32, #tpu.memory_space<hbm>>) dst(%dma_wait3A_229 : memref<128x32xf32, #tpu.memory_space<vmem>>)
      %ge3A_236 = arith.constant 2 : i32
      %ge3A_237 = arith.cmpi sge, %add3A_216, %ge3A_236 : i32
      %convert_element_type3A_238 = arith.extui %ge3A_237 : i1 to i32
      %cond3A_239 = arith.constant 0 : i32
      %cond3A_240 = arith.cmpi ne, %convert_element_type3A_238, %cond3A_239 : i32
      scf.if %cond3A_240 {
        %dma_wait3A_609 = arith.constant 1 : i32
        %dma_wait3A_610 = arith.constant 0 : i32
        %dma_wait3A_611 = arith.constant 0 : i32
        %dma_wait3A_612 = arith.constant 0 : i32
        %dma_wait3A_613 = arith.constant 0 : i32
        %dma_wait3A_614 = tpu.memref_slice %arg7[%dma_wait3A_609, %dma_wait3A_612, %dma_wait3A_613] : memref<2x32x128xf32, #tpu.memory_space<vmem>> -> memref<1x32x128xf32, #tpu.memory_space<vmem>>
        %dma_wait3A_615 = tpu.memref_squeeze %dma_wait3A_614 : memref<1x32x128xf32, #tpu.memory_space<vmem>> -> memref<32x128xf32, #tpu.memory_space<vmem>>
        %dma_wait3A_616 = arith.constant 0 : i32
        %dma_wait3A_617 = arith.constant 0 : i32
        %dma_wait3A_618 = tpu.memref_slice %arg4[%dma_wait3A_610, %dma_wait3A_611, %dma_wait3A_616, %dma_wait3A_617] : memref<200x2x32x1024xf32, #tpu.memory_space<hbm>> -> memref<1x1x32x128xf32, #tpu.memory_space<hbm>>
        %dma_wait3A_619 = tpu.memref_squeeze %dma_wait3A_618 : memref<1x1x32x128xf32, #tpu.memory_space<hbm>> -> memref<32x128xf32, #tpu.memory_space<hbm>>
        %dma_wait3A_620 = arith.constant 0 : i32
        %dma_wait3A_621 = arith.constant 0 : i32
        %dma_wait3A_622 = tpu.memref_slice %arg4[%dma_wait3A_610, %dma_wait3A_611, %dma_wait3A_620, %dma_wait3A_621] : memref<200x2x32x1024xf32, #tpu.memory_space<hbm>> -> memref<1x1x32x128xf32, #tpu.memory_space<hbm>>
        %dma_wait3A_623 = tpu.memref_squeeze %dma_wait3A_622 : memref<1x1x32x128xf32, #tpu.memory_space<hbm>> -> memref<32x128xf32, #tpu.memory_space<hbm>>
        %dma_wait3A_624 = arith.constant 0 : i32
        %dma_wait3A_625 = arith.constant 0 : i32
        %dma_wait3A_626 = tpu.memref_slice %arg7[%dma_wait3A_609, %dma_wait3A_624, %dma_wait3A_625] : memref<2x32x128xf32, #tpu.memory_space<vmem>> -> memref<1x32x128xf32, #tpu.memory_space<vmem>>
        %dma_wait3A_627 = tpu.memref_squeeze %dma_wait3A_626 : memref<1x32x128xf32, #tpu.memory_space<vmem>> -> memref<32x128xf32, #tpu.memory_space<vmem>>
        tpu.wait_dma2 semaphore(%arg13 : memref<!tpu.dma_semaphore, #tpu.memory_space<semaphore_mem>>) src(%dma_wait3A_627 : memref<32x128xf32, #tpu.memory_space<vmem>>) dst(%dma_wait3A_623 : memref<32x128xf32, #tpu.memory_space<hbm>>)
      } else {
      }
      %scan3A_241 = arith.constant 0 : i32
      %scan3A_242 = arith.constant 0 : i32
      %scan3A_243 = arith.constant 16 : i32
      %scan3A_244 = arith.addi %scan3A_242, %scan3A_243 : i32
      %scan3A_245 = arith.constant 1 : i32
      scf.for %scan3A_609 = %scan3A_242 to %scan3A_244 step %scan3A_245  : i32 {
        %mul3A_610 = arith.constant 8 : i32
        %mul3A_611 = arith.muli %scan3A_609, %mul3A_610 : i32
        %add3A_612 = arith.constant 0 : i32
        %add3A_613 = arith.addi %mul3A_611, %add3A_612 : i32
        %broadcast_in_dim3A = arith.constant 0 : i32
        %broadcast_in_dim3A_614 = vector.broadcast %broadcast_in_dim3A : i32 to vector<16xi32>
        %add3A_615 = vector.broadcast %add3A_613 : i32 to vector<16xi32>
        %add3A_616 = arith.addi %broadcast_in_dim3A_614, %add3A_615 : vector<16xi32>
        %get3A = arith.constant 1 : i32
        %get3A_617 = arith.index_cast %get3A : i32 to index
        %get3A_618 = arith.index_cast %add3A_613 : i32 to index
        %get3A_619 = arith.constant 0 : index
        %get3A_620 = tpu.vector_load %arg6[%get3A_617, %get3A_618, %get3A_619] {strides = array<i32>} : memref<4x128x32xf32, #tpu.memory_space<vmem>>, vector<16xf32>,
        %scatter3A = arith.constant 1 : i32
        %scatter3A_621 = arith.constant 0 : i32
        %scatter3A_622 = arith.constant 0 : i32
        %scatter3A_623 = tpu.memref_slice %arg7[%scatter3A, %scatter3A_621, %scatter3A_622] : memref<2x32x128xf32, #tpu.memory_space<vmem>> -> memref<1x32x128xf32, #tpu.memory_space<vmem>>
        %scatter3A_624 = tpu.memref_squeeze %scatter3A_623 : memref<1x32x128xf32, #tpu.memory_space<vmem>> -> memref<32x128xf32, #tpu.memory_space<vmem>>
        tpu.vector_store_idx %scatter3A_624[%iota3A, %add3A_616], %get3A_620 : memref<32x128xf32, #tpu.memory_space<vmem>>[vector<16xi32>, vector<16xi32>], vector<16xf32>,
        %get3A_625 = arith.constant 1 : i32
        %get3A_626 = arith.index_cast %get3A_625 : i32 to index
        %get3A_627 = arith.index_cast %add3A_613 : i32 to index
        %get3A_628 = arith.constant 16 : index
        %get3A_629 = tpu.vector_load %arg6[%get3A_626, %get3A_627, %get3A_628] {strides = array<i32>} : memref<4x128x32xf32, #tpu.memory_space<vmem>>, vector<16xf32>,
        %scatter3A_630 = arith.constant 1 : i32
        %scatter3A_631 = arith.constant 0 : i32
        %scatter3A_632 = arith.constant 0 : i32
        %scatter3A_633 = tpu.memref_slice %arg7[%scatter3A_630, %scatter3A_631, %scatter3A_632] : memref<2x32x128xf32, #tpu.memory_space<vmem>> -> memref<1x32x128xf32, #tpu.memory_space<vmem>>
        %scatter3A_634 = tpu.memref_squeeze %scatter3A_633 : memref<1x32x128xf32, #tpu.memory_space<vmem>> -> memref<32x128xf32, #tpu.memory_space<vmem>>
        tpu.vector_store_idx %scatter3A_634[%add3A_7, %add3A_616], %get3A_629 : memref<32x128xf32, #tpu.memory_space<vmem>>[vector<16xi32>, vector<16xi32>], vector<16xf32>,
        %mul3A_635 = arith.constant 8 : i32
        %mul3A_636 = arith.muli %scan3A_609, %mul3A_635 : i32
        %add3A_637 = arith.constant 1 : i32
        %add3A_638 = arith.addi %mul3A_636, %add3A_637 : i32
        %broadcast_in_dim3A_639 = arith.constant 0 : i32
        %broadcast_in_dim3A_640 = vector.broadcast %broadcast_in_dim3A_639 : i32 to vector<16xi32>
        %add3A_641 = vector.broadcast %add3A_638 : i32 to vector<16xi32>
        %add3A_642 = arith.addi %broadcast_in_dim3A_640, %add3A_641 : vector<16xi32>
        %get3A_643 = arith.constant 1 : i32
        %get3A_644 = arith.index_cast %get3A_643 : i32 to index
        %get3A_645 = arith.index_cast %add3A_638 : i32 to index
        %get3A_646 = arith.constant 0 : index
        %get3A_647 = tpu.vector_load %arg6[%get3A_644, %get3A_645, %get3A_646] {strides = array<i32>} : memref<4x128x32xf32, #tpu.memory_space<vmem>>, vector<16xf32>,
        %scatter3A_648 = arith.constant 1 : i32
        %scatter3A_649 = arith.constant 0 : i32
        %scatter3A_650 = arith.constant 0 : i32
        %scatter3A_651 = tpu.memref_slice %arg7[%scatter3A_648, %scatter3A_649, %scatter3A_650] : memref<2x32x128xf32, #tpu.memory_space<vmem>> -> memref<1x32x128xf32, #tpu.memory_space<vmem>>
        %scatter3A_652 = tpu.memref_squeeze %scatter3A_651 : memref<1x32x128xf32, #tpu.memory_space<vmem>> -> memref<32x128xf32, #tpu.memory_space<vmem>>
        tpu.vector_store_idx %scatter3A_652[%iota3A, %add3A_642], %get3A_647 : memref<32x128xf32, #tpu.memory_space<vmem>>[vector<16xi32>, vector<16xi32>], vector<16xf32>,
        %get3A_653 = arith.constant 1 : i32
        %get3A_654 = arith.index_cast %get3A_653 : i32 to index
        %get3A_655 = arith.index_cast %add3A_638 : i32 to index
        %get3A_656 = arith.constant 16 : index
        %get3A_657 = tpu.vector_load %arg6[%get3A_654, %get3A_655, %get3A_656] {strides = array<i32>} : memref<4x128x32xf32, #tpu.memory_space<vmem>>, vector<16xf32>,
        %scatter3A_658 = arith.constant 1 : i32
        %scatter3A_659 = arith.constant 0 : i32
        %scatter3A_660 = arith.constant 0 : i32
        %scatter3A_661 = tpu.memref_slice %arg7[%scatter3A_658, %scatter3A_659, %scatter3A_660] : memref<2x32x128xf32, #tpu.memory_space<vmem>> -> memref<1x32x128xf32, #tpu.memory_space<vmem>>
        %scatter3A_662 = tpu.memref_squeeze %scatter3A_661 : memref<1x32x128xf32, #tpu.memory_space<vmem>> -> memref<32x128xf32, #tpu.memory_space<vmem>>
        tpu.vector_store_idx %scatter3A_662[%add3A_7, %add3A_642], %get3A_657 : memref<32x128xf32, #tpu.memory_space<vmem>>[vector<16xi32>, vector<16xi32>], vector<16xf32>,
        %mul3A_663 = arith.constant 8 : i32
        %mul3A_664 = arith.muli %scan3A_609, %mul3A_663 : i32
        %add3A_665 = arith.constant 2 : i32
        %add3A_666 = arith.addi %mul3A_664, %add3A_665 : i32
        %broadcast_in_dim3A_667 = arith.constant 0 : i32
        %broadcast_in_dim3A_668 = vector.broadcast %broadcast_in_dim3A_667 : i32 to vector<16xi32>
        %add3A_669 = vector.broadcast %add3A_666 : i32 to vector<16xi32>
        %add3A_670 = arith.addi %broadcast_in_dim3A_668, %add3A_669 : vector<16xi32>
        %get3A_671 = arith.constant 1 : i32
        %get3A_672 = arith.index_cast %get3A_671 : i32 to index
        %get3A_673 = arith.index_cast %add3A_666 : i32 to index
        %get3A_674 = arith.constant 0 : index
        %get3A_675 = tpu.vector_load %arg6[%get3A_672, %get3A_673, %get3A_674] {strides = array<i32>} : memref<4x128x32xf32, #tpu.memory_space<vmem>>, vector<16xf32>,
        %scatter3A_676 = arith.constant 1 : i32
        %scatter3A_677 = arith.constant 0 : i32
        %scatter3A_678 = arith.constant 0 : i32
        %scatter3A_679 = tpu.memref_slice %arg7[%scatter3A_676, %scatter3A_677, %scatter3A_678] : memref<2x32x128xf32, #tpu.memory_space<vmem>> -> memref<1x32x128xf32, #tpu.memory_space<vmem>>
        %scatter3A_680 = tpu.memref_squeeze %scatter3A_679 : memref<1x32x128xf32, #tpu.memory_space<vmem>> -> memref<32x128xf32, #tpu.memory_space<vmem>>
        tpu.vector_store_idx %scatter3A_680[%iota3A, %add3A_670], %get3A_675 : memref<32x128xf32, #tpu.memory_space<vmem>>[vector<16xi32>, vector<16xi32>], vector<16xf32>,
        %get3A_681 = arith.constant 1 : i32
        %get3A_682 = arith.index_cast %get3A_681 : i32 to index
        %get3A_683 = arith.index_cast %add3A_666 : i32 to index
        %get3A_684 = arith.constant 16 : index
        %get3A_685 = tpu.vector_load %arg6[%get3A_682, %get3A_683, %get3A_684] {strides = array<i32>} : memref<4x128x32xf32, #tpu.memory_space<vmem>>, vector<16xf32>,
        %scatter3A_686 = arith.constant 1 : i32
        %scatter3A_687 = arith.constant 0 : i32
        %scatter3A_688 = arith.constant 0 : i32
        %scatter3A_689 = tpu.memref_slice %arg7[%scatter3A_686, %scatter3A_687, %scatter3A_688] : memref<2x32x128xf32, #tpu.memory_space<vmem>> -> memref<1x32x128xf32, #tpu.memory_space<vmem>>
        %scatter3A_690 = tpu.memref_squeeze %scatter3A_689 : memref<1x32x128xf32, #tpu.memory_space<vmem>> -> memref<32x128xf32, #tpu.memory_space<vmem>>
        tpu.vector_store_idx %scatter3A_690[%add3A_7, %add3A_670], %get3A_685 : memref<32x128xf32, #tpu.memory_space<vmem>>[vector<16xi32>, vector<16xi32>], vector<16xf32>,
        %mul3A_691 = arith.constant 8 : i32
        %mul3A_692 = arith.muli %scan3A_609, %mul3A_691 : i32
        %add3A_693 = arith.constant 3 : i32
        %add3A_694 = arith.addi %mul3A_692, %add3A_693 : i32
        %broadcast_in_dim3A_695 = arith.constant 0 : i32
        %broadcast_in_dim3A_696 = vector.broadcast %broadcast_in_dim3A_695 : i32 to vector<16xi32>
        %add3A_697 = vector.broadcast %add3A_694 : i32 to vector<16xi32>
        %add3A_698 = arith.addi %broadcast_in_dim3A_696, %add3A_697 : vector<16xi32>
        %get3A_699 = arith.constant 1 : i32
        %get3A_700 = arith.index_cast %get3A_699 : i32 to index
        %get3A_701 = arith.index_cast %add3A_694 : i32 to index
        %get3A_702 = arith.constant 0 : index
        %get3A_703 = tpu.vector_load %arg6[%get3A_700, %get3A_701, %get3A_702] {strides = array<i32>} : memref<4x128x32xf32, #tpu.memory_space<vmem>>, vector<16xf32>,
        %scatter3A_704 = arith.constant 1 : i32
        %scatter3A_705 = arith.constant 0 : i32
        %scatter3A_706 = arith.constant 0 : i32
        %scatter3A_707 = tpu.memref_slice %arg7[%scatter3A_704, %scatter3A_705, %scatter3A_706] : memref<2x32x128xf32, #tpu.memory_space<vmem>> -> memref<1x32x128xf32, #tpu.memory_space<vmem>>
        %scatter3A_708 = tpu.memref_squeeze %scatter3A_707 : memref<1x32x128xf32, #tpu.memory_space<vmem>> -> memref<32x128xf32, #tpu.memory_space<vmem>>
        tpu.vector_store_idx %scatter3A_708[%iota3A, %add3A_698], %get3A_703 : memref<32x128xf32, #tpu.memory_space<vmem>>[vector<16xi32>, vector<16xi32>], vector<16xf32>,
        %get3A_709 = arith.constant 1 : i32
        %get3A_710 = arith.index_cast %get3A_709 : i32 to index
        %get3A_711 = arith.index_cast %add3A_694 : i32 to index
        %get3A_712 = arith.constant 16 : index
        %get3A_713 = tpu.vector_load %arg6[%get3A_710, %get3A_711, %get3A_712] {strides = array<i32>} : memref<4x128x32xf32, #tpu.memory_space<vmem>>, vector<16xf32>,
        %scatter3A_714 = arith.constant 1 : i32
        %scatter3A_715 = arith.constant 0 : i32
        %scatter3A_716 = arith.constant 0 : i32
        %scatter3A_717 = tpu.memref_slice %arg7[%scatter3A_714, %scatter3A_715, %scatter3A_716] : memref<2x32x128xf32, #tpu.memory_space<vmem>> -> memref<1x32x128xf32, #tpu.memory_space<vmem>>
        %scatter3A_718 = tpu.memref_squeeze %scatter3A_717 : memref<1x32x128xf32, #tpu.memory_space<vmem>> -> memref<32x128xf32, #tpu.memory_space<vmem>>
        tpu.vector_store_idx %scatter3A_718[%add3A_7, %add3A_698], %get3A_713 : memref<32x128xf32, #tpu.memory_space<vmem>>[vector<16xi32>, vector<16xi32>], vector<16xf32>,
        %mul3A_719 = arith.constant 8 : i32
        %mul3A_720 = arith.muli %scan3A_609, %mul3A_719 : i32
        %add3A_721 = arith.constant 4 : i32
        %add3A_722 = arith.addi %mul3A_720, %add3A_721 : i32
        %broadcast_in_dim3A_723 = arith.constant 0 : i32
        %broadcast_in_dim3A_724 = vector.broadcast %broadcast_in_dim3A_723 : i32 to vector<16xi32>
        %add3A_725 = vector.broadcast %add3A_722 : i32 to vector<16xi32>
        %add3A_726 = arith.addi %broadcast_in_dim3A_724, %add3A_725 : vector<16xi32>
        %get3A_727 = arith.constant 1 : i32
        %get3A_728 = arith.index_cast %get3A_727 : i32 to index
        %get3A_729 = arith.index_cast %add3A_722 : i32 to index
        %get3A_730 = arith.constant 0 : index
        %get3A_731 = tpu.vector_load %arg6[%get3A_728, %get3A_729, %get3A_730] {strides = array<i32>} : memref<4x128x32xf32, #tpu.memory_space<vmem>>, vector<16xf32>,
        %scatter3A_732 = arith.constant 1 : i32
        %scatter3A_733 = arith.constant 0 : i32
        %scatter3A_734 = arith.constant 0 : i32
        %scatter3A_735 = tpu.memref_slice %arg7[%scatter3A_732, %scatter3A_733, %scatter3A_734] : memref<2x32x128xf32, #tpu.memory_space<vmem>> -> memref<1x32x128xf32, #tpu.memory_space<vmem>>
        %scatter3A_736 = tpu.memref_squeeze %scatter3A_735 : memref<1x32x128xf32, #tpu.memory_space<vmem>> -> memref<32x128xf32, #tpu.memory_space<vmem>>
        tpu.vector_store_idx %scatter3A_736[%iota3A, %add3A_726], %get3A_731 : memref<32x128xf32, #tpu.memory_space<vmem>>[vector<16xi32>, vector<16xi32>], vector<16xf32>,
        %get3A_737 = arith.constant 1 : i32
        %get3A_738 = arith.index_cast %get3A_737 : i32 to index
        %get3A_739 = arith.index_cast %add3A_722 : i32 to index
        %get3A_740 = arith.constant 16 : index
        %get3A_741 = tpu.vector_load %arg6[%get3A_738, %get3A_739, %get3A_740] {strides = array<i32>} : memref<4x128x32xf32, #tpu.memory_space<vmem>>, vector<16xf32>,
        %scatter3A_742 = arith.constant 1 : i32
        %scatter3A_743 = arith.constant 0 : i32
        %scatter3A_744 = arith.constant 0 : i32
        %scatter3A_745 = tpu.memref_slice %arg7[%scatter3A_742, %scatter3A_743, %scatter3A_744] : memref<2x32x128xf32, #tpu.memory_space<vmem>> -> memref<1x32x128xf32, #tpu.memory_space<vmem>>
        %scatter3A_746 = tpu.memref_squeeze %scatter3A_745 : memref<1x32x128xf32, #tpu.memory_space<vmem>> -> memref<32x128xf32, #tpu.memory_space<vmem>>
        tpu.vector_store_idx %scatter3A_746[%add3A_7, %add3A_726], %get3A_741 : memref<32x128xf32, #tpu.memory_space<vmem>>[vector<16xi32>, vector<16xi32>], vector<16xf32>,
        %mul3A_747 = arith.constant 8 : i32
        %mul3A_748 = arith.muli %scan3A_609, %mul3A_747 : i32
        %add3A_749 = arith.constant 5 : i32
        %add3A_750 = arith.addi %mul3A_748, %add3A_749 : i32
        %broadcast_in_dim3A_751 = arith.constant 0 : i32
        %broadcast_in_dim3A_752 = vector.broadcast %broadcast_in_dim3A_751 : i32 to vector<16xi32>
        %add3A_753 = vector.broadcast %add3A_750 : i32 to vector<16xi32>
        %add3A_754 = arith.addi %broadcast_in_dim3A_752, %add3A_753 : vector<16xi32>
        %get3A_755 = arith.constant 1 : i32
        %get3A_756 = arith.index_cast %get3A_755 : i32 to index
        %get3A_757 = arith.index_cast %add3A_750 : i32 to index
        %get3A_758 = arith.constant 0 : index
        %get3A_759 = tpu.vector_load %arg6[%get3A_756, %get3A_757, %get3A_758] {strides = array<i32>} : memref<4x128x32xf32, #tpu.memory_space<vmem>>, vector<16xf32>,
        %scatter3A_760 = arith.constant 1 : i32
        %scatter3A_761 = arith.constant 0 : i32
        %scatter3A_762 = arith.constant 0 : i32
        %scatter3A_763 = tpu.memref_slice %arg7[%scatter3A_760, %scatter3A_761, %scatter3A_762] : memref<2x32x128xf32, #tpu.memory_space<vmem>> -> memref<1x32x128xf32, #tpu.memory_space<vmem>>
        %scatter3A_764 = tpu.memref_squeeze %scatter3A_763 : memref<1x32x128xf32, #tpu.memory_space<vmem>> -> memref<32x128xf32, #tpu.memory_space<vmem>>
        tpu.vector_store_idx %scatter3A_764[%iota3A, %add3A_754], %get3A_759 : memref<32x128xf32, #tpu.memory_space<vmem>>[vector<16xi32>, vector<16xi32>], vector<16xf32>,
        %get3A_765 = arith.constant 1 : i32
        %get3A_766 = arith.index_cast %get3A_765 : i32 to index
        %get3A_767 = arith.index_cast %add3A_750 : i32 to index
        %get3A_768 = arith.constant 16 : index
        %get3A_769 = tpu.vector_load %arg6[%get3A_766, %get3A_767, %get3A_768] {strides = array<i32>} : memref<4x128x32xf32, #tpu.memory_space<vmem>>, vector<16xf32>,
        %scatter3A_770 = arith.constant 1 : i32
        %scatter3A_771 = arith.constant 0 : i32
        %scatter3A_772 = arith.constant 0 : i32
        %scatter3A_773 = tpu.memref_slice %arg7[%scatter3A_770, %scatter3A_771, %scatter3A_772] : memref<2x32x128xf32, #tpu.memory_space<vmem>> -> memref<1x32x128xf32, #tpu.memory_space<vmem>>
        %scatter3A_774 = tpu.memref_squeeze %scatter3A_773 : memref<1x32x128xf32, #tpu.memory_space<vmem>> -> memref<32x128xf32, #tpu.memory_space<vmem>>
        tpu.vector_store_idx %scatter3A_774[%add3A_7, %add3A_754], %get3A_769 : memref<32x128xf32, #tpu.memory_space<vmem>>[vector<16xi32>, vector<16xi32>], vector<16xf32>,
        %mul3A_775 = arith.constant 8 : i32
        %mul3A_776 = arith.muli %scan3A_609, %mul3A_775 : i32
        %add3A_777 = arith.constant 6 : i32
        %add3A_778 = arith.addi %mul3A_776, %add3A_777 : i32
        %broadcast_in_dim3A_779 = arith.constant 0 : i32
        %broadcast_in_dim3A_780 = vector.broadcast %broadcast_in_dim3A_779 : i32 to vector<16xi32>
        %add3A_781 = vector.broadcast %add3A_778 : i32 to vector<16xi32>
        %add3A_782 = arith.addi %broadcast_in_dim3A_780, %add3A_781 : vector<16xi32>
        %get3A_783 = arith.constant 1 : i32
        %get3A_784 = arith.index_cast %get3A_783 : i32 to index
        %get3A_785 = arith.index_cast %add3A_778 : i32 to index
        %get3A_786 = arith.constant 0 : index
        %get3A_787 = tpu.vector_load %arg6[%get3A_784, %get3A_785, %get3A_786] {strides = array<i32>} : memref<4x128x32xf32, #tpu.memory_space<vmem>>, vector<16xf32>,
        %scatter3A_788 = arith.constant 1 : i32
        %scatter3A_789 = arith.constant 0 : i32
        %scatter3A_790 = arith.constant 0 : i32
        %scatter3A_791 = tpu.memref_slice %arg7[%scatter3A_788, %scatter3A_789, %scatter3A_790] : memref<2x32x128xf32, #tpu.memory_space<vmem>> -> memref<1x32x128xf32, #tpu.memory_space<vmem>>
        %scatter3A_792 = tpu.memref_squeeze %scatter3A_791 : memref<1x32x128xf32, #tpu.memory_space<vmem>> -> memref<32x128xf32, #tpu.memory_space<vmem>>
        tpu.vector_store_idx %scatter3A_792[%iota3A, %add3A_782], %get3A_787 : memref<32x128xf32, #tpu.memory_space<vmem>>[vector<16xi32>, vector<16xi32>], vector<16xf32>,
        %get3A_793 = arith.constant 1 : i32
        %get3A_794 = arith.index_cast %get3A_793 : i32 to index
        %get3A_795 = arith.index_cast %add3A_778 : i32 to index
        %get3A_796 = arith.constant 16 : index
        %get3A_797 = tpu.vector_load %arg6[%get3A_794, %get3A_795, %get3A_796] {strides = array<i32>} : memref<4x128x32xf32, #tpu.memory_space<vmem>>, vector<16xf32>,
        %scatter3A_798 = arith.constant 1 : i32
        %scatter3A_799 = arith.constant 0 : i32
        %scatter3A_800 = arith.constant 0 : i32
        %scatter3A_801 = tpu.memref_slice %arg7[%scatter3A_798, %scatter3A_799, %scatter3A_800] : memref<2x32x128xf32, #tpu.memory_space<vmem>> -> memref<1x32x128xf32, #tpu.memory_space<vmem>>
        %scatter3A_802 = tpu.memref_squeeze %scatter3A_801 : memref<1x32x128xf32, #tpu.memory_space<vmem>> -> memref<32x128xf32, #tpu.memory_space<vmem>>
        tpu.vector_store_idx %scatter3A_802[%add3A_7, %add3A_782], %get3A_797 : memref<32x128xf32, #tpu.memory_space<vmem>>[vector<16xi32>, vector<16xi32>], vector<16xf32>,
        %mul3A_803 = arith.constant 8 : i32
        %mul3A_804 = arith.muli %scan3A_609, %mul3A_803 : i32
        %add3A_805 = arith.constant 7 : i32
        %add3A_806 = arith.addi %mul3A_804, %add3A_805 : i32
        %broadcast_in_dim3A_807 = arith.constant 0 : i32
        %broadcast_in_dim3A_808 = vector.broadcast %broadcast_in_dim3A_807 : i32 to vector<16xi32>
        %add3A_809 = vector.broadcast %add3A_806 : i32 to vector<16xi32>
        %add3A_810 = arith.addi %broadcast_in_dim3A_808, %add3A_809 : vector<16xi32>
        %get3A_811 = arith.constant 1 : i32
        %get3A_812 = arith.index_cast %get3A_811 : i32 to index
        %get3A_813 = arith.index_cast %add3A_806 : i32 to index
        %get3A_814 = arith.constant 0 : index
        %get3A_815 = tpu.vector_load %arg6[%get3A_812, %get3A_813, %get3A_814] {strides = array<i32>} : memref<4x128x32xf32, #tpu.memory_space<vmem>>, vector<16xf32>,
        %scatter3A_816 = arith.constant 1 : i32
        %scatter3A_817 = arith.constant 0 : i32
        %scatter3A_818 = arith.constant 0 : i32
        %scatter3A_819 = tpu.memref_slice %arg7[%scatter3A_816, %scatter3A_817, %scatter3A_818] : memref<2x32x128xf32, #tpu.memory_space<vmem>> -> memref<1x32x128xf32, #tpu.memory_space<vmem>>
        %scatter3A_820 = tpu.memref_squeeze %scatter3A_819 : memref<1x32x128xf32, #tpu.memory_space<vmem>> -> memref<32x128xf32, #tpu.memory_space<vmem>>
        tpu.vector_store_idx %scatter3A_820[%iota3A, %add3A_810], %get3A_815 : memref<32x128xf32, #tpu.memory_space<vmem>>[vector<16xi32>, vector<16xi32>], vector<16xf32>,
        %get3A_821 = arith.constant 1 : i32
        %get3A_822 = arith.index_cast %get3A_821 : i32 to index
        %get3A_823 = arith.index_cast %add3A_806 : i32 to index
        %get3A_824 = arith.constant 16 : index
        %get3A_825 = tpu.vector_load %arg6[%get3A_822, %get3A_823, %get3A_824] {strides = array<i32>} : memref<4x128x32xf32, #tpu.memory_space<vmem>>, vector<16xf32>,
        %scatter3A_826 = arith.constant 1 : i32
        %scatter3A_827 = arith.constant 0 : i32
        %scatter3A_828 = arith.constant 0 : i32
        %scatter3A_829 = tpu.memref_slice %arg7[%scatter3A_826, %scatter3A_827, %scatter3A_828] : memref<2x32x128xf32, #tpu.memory_space<vmem>> -> memref<1x32x128xf32, #tpu.memory_space<vmem>>
        %scatter3A_830 = tpu.memref_squeeze %scatter3A_829 : memref<1x32x128xf32, #tpu.memory_space<vmem>> -> memref<32x128xf32, #tpu.memory_space<vmem>>
        tpu.vector_store_idx %scatter3A_830[%add3A_7, %add3A_810], %get3A_825 : memref<32x128xf32, #tpu.memory_space<vmem>>[vector<16xi32>, vector<16xi32>], vector<16xf32>,
      }
      %scan3A_246 = arith.constant 16 : i32
      %add3A_247 = arith.addi %mul3A_4, %add3A_216 : i32
      %jit3A_248 = arith.constant 16 : i32
      %div3A_249 = arith.divsi %add3A_247, %jit3A_248 : i32
      %sign3A_250 = arith.constant 0 : i32
      %sign3A_251 = arith.cmpi sgt, %add3A_247, %sign3A_250 : i32
      %sign3A_252 = arith.extui %sign3A_251 : i1 to i32
      %sign3A_253 = arith.constant 0 : i32
      %sign3A_254 = arith.cmpi slt, %add3A_247, %sign3A_253 : i32
      %sign3A_255 = arith.extui %sign3A_254 : i1 to i32
      %sign3A_256 = arith.subi %sign3A_252, %sign3A_255 : i32
      %sign3A_257 = arith.constant 0 : i32
      %sign3A_258 = arith.cmpi sgt, %jit3A_248, %sign3A_257 : i32
      %sign3A_259 = arith.extui %sign3A_258 : i1 to i32
      %sign3A_260 = arith.constant 0 : i32
      %sign3A_261 = arith.cmpi slt, %jit3A_248, %sign3A_260 : i32
      %sign3A_262 = arith.extui %sign3A_261 : i1 to i32
      %sign3A_263 = arith.subi %sign3A_259, %sign3A_262 : i32
      %ne3A_264 = arith.cmpi ne, %sign3A_256, %sign3A_263 : i32
      %rem3A_265 = arith.remsi %add3A_247, %jit3A_248 : i32
      %ne3A_266 = arith.constant 0 : i32
      %ne3A_267 = arith.cmpi ne, %rem3A_265, %ne3A_266 : i32
      %and3A_268 = arith.andi %ne3A_264, %ne3A_267 : i1
      %sub3A_269 = arith.constant 1 : i32
      %sub3A_270 = arith.subi %div3A_249, %sub3A_269 : i32
      %select_n3A_271 = arith.select %and3A_268, %sub3A_270, %div3A_249 : i32
      %jit3A_272 = arith.constant 16 : i32
      %eq3A_273 = arith.constant 0 : i32
      %eq3A_274 = arith.cmpi eq, %jit3A_272, %eq3A_273 : i32
      %jit3A_275 = arith.constant 1 : i32
      %select_n3A_276 = arith.select %eq3A_274, %jit3A_275, %jit3A_272 : i32
      %rem3A_277 = arith.remsi %add3A_247, %select_n3A_276 : i32
      %ne3A_278 = arith.constant 0 : i32
      %ne3A_279 = arith.cmpi ne, %rem3A_277, %ne3A_278 : i32
      %lt3A_280 = arith.constant 0 : i32
      %lt3A_281 = arith.cmpi slt, %rem3A_277, %lt3A_280 : i32
      %lt3A_282 = arith.constant 0 : i32
      %lt3A_283 = arith.cmpi slt, %select_n3A_276, %lt3A_282 : i32
      %ne3A_284 = arith.xori %lt3A_281, %lt3A_283 : i1
      %and3A_285 = arith.andi %ne3A_284, %ne3A_279 : i1
      %add3A_286 = arith.addi %rem3A_277, %select_n3A_276 : i32
      %select_n3A_287 = arith.select %and3A_285, %add3A_286, %rem3A_277 : i32
      %jit3A_288 = arith.constant 8 : i32
      %div3A_289 = arith.divsi %select_n3A_287, %jit3A_288 : i32
      %sign3A_290 = arith.constant 0 : i32
      %sign3A_291 = arith.cmpi sgt, %select_n3A_287, %sign3A_290 : i32
      %sign3A_292 = arith.extui %sign3A_291 : i1 to i32
      %sign3A_293 = arith.constant 0 : i32
      %sign3A_294 = arith.cmpi slt, %select_n3A_287, %sign3A_293 : i32
      %sign3A_295 = arith.extui %sign3A_294 : i1 to i32
      %sign3A_296 = arith.subi %sign3A_292, %sign3A_295 : i32
      %sign3A_297 = arith.constant 0 : i32
      %sign3A_298 = arith.cmpi sgt, %jit3A_288, %sign3A_297 : i32
      %sign3A_299 = arith.extui %sign3A_298 : i1 to i32
      %sign3A_300 = arith.constant 0 : i32
      %sign3A_301 = arith.cmpi slt, %jit3A_288, %sign3A_300 : i32
      %sign3A_302 = arith.extui %sign3A_301 : i1 to i32
      %sign3A_303 = arith.subi %sign3A_299, %sign3A_302 : i32
      %ne3A_304 = arith.cmpi ne, %sign3A_296, %sign3A_303 : i32
      %rem3A_305 = arith.remsi %select_n3A_287, %jit3A_288 : i32
      %ne3A_306 = arith.constant 0 : i32
      %ne3A_307 = arith.cmpi ne, %rem3A_305, %ne3A_306 : i32
      %and3A_308 = arith.andi %ne3A_304, %ne3A_307 : i1
      %sub3A_309 = arith.constant 1 : i32
      %sub3A_310 = arith.subi %div3A_289, %sub3A_309 : i32
      %select_n3A_311 = arith.select %and3A_308, %sub3A_310, %div3A_289 : i32
      %jit3A_312 = arith.constant 8 : i32
      %eq3A_313 = arith.constant 0 : i32
      %eq3A_314 = arith.cmpi eq, %jit3A_312, %eq3A_313 : i32
      %jit3A_315 = arith.constant 1 : i32
      %select_n3A_316 = arith.select %eq3A_314, %jit3A_315, %jit3A_312 : i32
      %rem3A_317 = arith.remsi %select_n3A_287, %select_n3A_316 : i32
      %ne3A_318 = arith.constant 0 : i32
      %ne3A_319 = arith.cmpi ne, %rem3A_317, %ne3A_318 : i32
      %lt3A_320 = arith.constant 0 : i32
      %lt3A_321 = arith.cmpi slt, %rem3A_317, %lt3A_320 : i32
      %lt3A_322 = arith.constant 0 : i32
      %lt3A_323 = arith.cmpi slt, %select_n3A_316, %lt3A_322 : i32
      %ne3A_324 = arith.xori %lt3A_321, %lt3A_323 : i1
      %and3A_325 = arith.andi %ne3A_324, %ne3A_319 : i1
      %add3A_326 = arith.addi %rem3A_317, %select_n3A_316 : i32
      %select_n3A_327 = arith.select %and3A_325, %add3A_326, %rem3A_317 : i32
      %mul3A_328 = arith.constant 128 : i32
      %mul3A_329 = arith.muli %select_n3A_327, %mul3A_328 : i32
      %dma_start3A_330 = arith.constant 1 : i32
      %dma_start3A_331 = arith.constant 0 : i32
      %dma_start3A_332 = arith.constant 0 : i32
      %dma_start3A_333 = tpu.memref_slice %arg7[%dma_start3A_330, %dma_start3A_331, %dma_start3A_332] : memref<2x32x128xf32, #tpu.memory_space<vmem>> -> memref<1x32x128xf32, #tpu.memory_space<vmem>>
      %dma_start3A_334 = tpu.memref_squeeze %dma_start3A_333 : memref<1x32x128xf32, #tpu.memory_space<vmem>> -> memref<32x128xf32, #tpu.memory_space<vmem>>
      %dma_start3A_335 = arith.constant 0 : i32
      %dma_start3A_336 = tpu.memref_slice %arg4[%select_n3A_271, %select_n3A_311, %dma_start3A_335, %mul3A_329] : memref<200x2x32x1024xf32, #tpu.memory_space<hbm>> -> memref<1x1x32x128xf32, #tpu.memory_space<hbm>>
      %dma_start3A_337 = tpu.memref_squeeze %dma_start3A_336 : memref<1x1x32x128xf32, #tpu.memory_space<hbm>> -> memref<32x128xf32, #tpu.memory_space<hbm>>
      %dma_start3A_338 = arith.constant 0 : i32
      %dma_start3A_339 = tpu.memref_slice %arg4[%select_n3A_271, %select_n3A_311, %dma_start3A_338, %mul3A_329] : memref<200x2x32x1024xf32, #tpu.memory_space<hbm>> -> memref<1x1x32x128xf32, #tpu.memory_space<hbm>>
      %dma_start3A_340 = tpu.memref_squeeze %dma_start3A_339 : memref<1x1x32x128xf32, #tpu.memory_space<hbm>> -> memref<32x128xf32, #tpu.memory_space<hbm>>
      %dma_start3A_341 = arith.constant 0 : i32
      %dma_start3A_342 = arith.constant 0 : i32
      %dma_start3A_343 = tpu.memref_slice %arg7[%dma_start3A_330, %dma_start3A_341, %dma_start3A_342] : memref<2x32x128xf32, #tpu.memory_space<vmem>> -> memref<1x32x128xf32, #tpu.memory_space<vmem>>
      %dma_start3A_344 = tpu.memref_squeeze %dma_start3A_343 : memref<1x32x128xf32, #tpu.memory_space<vmem>> -> memref<32x128xf32, #tpu.memory_space<vmem>>
      tpu.enqueue_dma source(%dma_start3A_344 : memref<32x128xf32, #tpu.memory_space<vmem>>) target(%dma_start3A_340 : memref<32x128xf32, #tpu.memory_space<hbm>>) target_semaphore(%arg13 : memref<!tpu.dma_semaphore, #tpu.memory_space<semaphore_mem>>)
      %mul3A_345 = arith.constant 4 : i32
      %mul3A_346 = arith.muli %scan3A_93, %mul3A_345 : i32
      %add3A_347 = arith.constant 2 : i32
      %add3A_348 = arith.addi %mul3A_346, %add3A_347 : i32
      %add3A_349 = arith.constant 3 : i32
      %add3A_350 = arith.addi %add3A_348, %add3A_349 : i32
      %lt3A_351 = arith.constant 100 : i32
      %lt3A_352 = arith.cmpi slt, %add3A_350, %lt3A_351 : i32
      %convert_element_type3A_353 = arith.extui %lt3A_352 : i1 to i32
      %cond3A_354 = arith.constant 0 : i32
      %cond3A_355 = arith.cmpi ne, %convert_element_type3A_353, %cond3A_354 : i32
      scf.if %cond3A_355 {
        %mul3A_609 = arith.constant 128 : i32
        %mul3A_610 = arith.muli %add3A_350, %mul3A_609 : i32
        %add3A_611 = arith.addi %mul3A_2, %mul3A_610 : i32
        %run_scoped3A_612 = arith.constant 1 : i32
        "tpu.region"() ({
          %run_scoped3A_625 = tpu.sem_alloc : memref<!tpu.dma_semaphore, #tpu.memory_space<semaphore_mem>>
          %dma_start3A_626 = arith.constant 0 : i32
          %dma_start3A_627 = tpu.memref_slice %arg5[%run_scoped3A_612, %dma_start3A_626] : memref<4x128xi32, #tpu.memory_space<vmem>> -> memref<1x128xi32, #tpu.memory_space<vmem>>
          %dma_start3A_628 = tpu.memref_squeeze %dma_start3A_627 : memref<1x128xi32, #tpu.memory_space<vmem>> -> memref<128xi32, #tpu.memory_space<vmem>>
          %dma_start3A_629 = tpu.memref_slice %arg3[%add3A_611] : memref<409600xi32, #tpu.memory_space<hbm>> -> memref<128xi32, #tpu.memory_space<hbm>>
          %dma_start3A_630 = arith.constant 0 : i32
          %dma_start3A_631 = tpu.memref_slice %arg5[%run_scoped3A_612, %dma_start3A_630] : memref<4x128xi32, #tpu.memory_space<vmem>> -> memref<1x128xi32, #tpu.memory_space<vmem>>
          %dma_start3A_632 = tpu.memref_squeeze %dma_start3A_631 : memref<1x128xi32, #tpu.memory_space<vmem>> -> memref<128xi32, #tpu.memory_space<vmem>>
          %dma_start3A_633 = tpu.memref_slice %arg3[%add3A_611] : memref<409600xi32, #tpu.memory_space<hbm>> -> memref<128xi32, #tpu.memory_space<hbm>>
          tpu.enqueue_dma source(%dma_start3A_633 : memref<128xi32, #tpu.memory_space<hbm>>) target(%dma_start3A_632 : memref<128xi32, #tpu.memory_space<vmem>>) target_semaphore(%run_scoped3A_625 : memref<!tpu.dma_semaphore, #tpu.memory_space<semaphore_mem>>)
          %dma_wait3A_634 = arith.constant 0 : i32
          %dma_wait3A_635 = tpu.memref_slice %arg5[%run_scoped3A_612, %dma_wait3A_634] : memref<4x128xi32, #tpu.memory_space<vmem>> -> memref<1x128xi32, #tpu.memory_space<vmem>>
          %dma_wait3A_636 = tpu.memref_squeeze %dma_wait3A_635 : memref<1x128xi32, #tpu.memory_space<vmem>> -> memref<128xi32, #tpu.memory_space<vmem>>
          %dma_wait3A_637 = tpu.memref_slice %arg3[%add3A_611] : memref<409600xi32, #tpu.memory_space<hbm>> -> memref<128xi32, #tpu.memory_space<hbm>>
          %dma_wait3A_638 = arith.constant 0 : i32
          %dma_wait3A_639 = tpu.memref_slice %arg5[%run_scoped3A_612, %dma_wait3A_638] : memref<4x128xi32, #tpu.memory_space<vmem>> -> memref<1x128xi32, #tpu.memory_space<vmem>>
          %dma_wait3A_640 = tpu.memref_squeeze %dma_wait3A_639 : memref<1x128xi32, #tpu.memory_space<vmem>> -> memref<128xi32, #tpu.memory_space<vmem>>
          %dma_wait3A_641 = tpu.memref_slice %arg3[%add3A_611] : memref<409600xi32, #tpu.memory_space<hbm>> -> memref<128xi32, #tpu.memory_space<hbm>>
          tpu.wait_dma2 semaphore(%run_scoped3A_625 : memref<!tpu.dma_semaphore, #tpu.memory_space<semaphore_mem>>) src(%dma_wait3A_641 : memref<128xi32, #tpu.memory_space<hbm>>) dst(%dma_wait3A_640 : memref<128xi32, #tpu.memory_space<vmem>>)
          tpu.yield
        }) : () -> ()
        %dma_start3A_613 = arith.constant 1 : i32
        %dma_start3A_614 = arith.constant 1 : i32
        %dma_start3A_615 = arith.constant 0 : i32
        %dma_start3A_616 = arith.constant 0 : i32
        %dma_start3A_617 = tpu.memref_slice %arg6[%dma_start3A_614, %dma_start3A_615, %dma_start3A_616] : memref<4x128x32xf32, #tpu.memory_space<vmem>> -> memref<1x128x32xf32, #tpu.memory_space<vmem>>
        %dma_start3A_618 = tpu.memref_squeeze %dma_start3A_617 : memref<1x128x32xf32, #tpu.memory_space<vmem>> -> memref<128x32xf32, #tpu.memory_space<vmem>>
        %dma_start3A_619 = arith.constant 0 : i32
        %dma_start3A_620 = tpu.memref_slice %arg5[%dma_start3A_613, %dma_start3A_619] : memref<4x128xi32, #tpu.memory_space<vmem>> -> memref<1x128xi32, #tpu.memory_space<vmem>>
        %dma_start3A_621 = tpu.memref_squeeze %dma_start3A_620 : memref<1x128xi32, #tpu.memory_space<vmem>> -> memref<128xi32, #tpu.memory_space<vmem>>
        %dma_start3A_622 = arith.constant 0 : i32
        %dma_start3A_623 = arith.constant 0 : i32
        %dma_start3A_624 = tpu.memref_slice %arg2[%dma_start3A_622, %dma_start3A_623] : memref<200000x32xf32, #tpu.memory_space<hbm>> -> memref<200000x32xf32, #tpu.memory_space<hbm>>
        tpu.enqueue_indirect_dma source(%dma_start3A_624 : memref<200000x32xf32, #tpu.memory_space<hbm>>) target(%dma_start3A_618 : memref<128x32xf32, #tpu.memory_space<vmem>>) offsets(%dma_start3A_621 : memref<128xi32, #tpu.memory_space<vmem>>) semaphore(%arg9 : memref<!tpu.dma_semaphore, #tpu.memory_space<semaphore_mem>>)
      } else {
      }
      %dma_wait3A_356 = arith.constant 2 : i32
      %dma_wait3A_357 = arith.constant 2 : i32
      %dma_wait3A_358 = arith.constant 0 : i32
      %dma_wait3A_359 = arith.constant 0 : i32
      %dma_wait3A_360 = tpu.memref_slice %arg6[%dma_wait3A_357, %dma_wait3A_358, %dma_wait3A_359] : memref<4x128x32xf32, #tpu.memory_space<vmem>> -> memref<1x128x32xf32, #tpu.memory_space<vmem>>
      %dma_wait3A_361 = tpu.memref_squeeze %dma_wait3A_360 : memref<1x128x32xf32, #tpu.memory_space<vmem>> -> memref<128x32xf32, #tpu.memory_space<vmem>>
      %dma_wait3A_362 = arith.constant 0 : i32
      %dma_wait3A_363 = tpu.memref_slice %arg5[%dma_wait3A_356, %dma_wait3A_362] : memref<4x128xi32, #tpu.memory_space<vmem>> -> memref<1x128xi32, #tpu.memory_space<vmem>>
      %dma_wait3A_364 = tpu.memref_squeeze %dma_wait3A_363 : memref<1x128xi32, #tpu.memory_space<vmem>> -> memref<128xi32, #tpu.memory_space<vmem>>
      %dma_wait3A_365 = arith.constant 0 : i32
      %dma_wait3A_366 = arith.constant 0 : i32
      %dma_wait3A_367 = tpu.memref_slice %arg2[%dma_wait3A_365, %dma_wait3A_366] : memref<200000x32xf32, #tpu.memory_space<hbm>> -> memref<200000x32xf32, #tpu.memory_space<hbm>>
      tpu.wait_indirect_dma semaphore(%arg10 : memref<!tpu.dma_semaphore, #tpu.memory_space<semaphore_mem>>) src(%dma_wait3A_367 : memref<200000x32xf32, #tpu.memory_space<hbm>>) dst(%dma_wait3A_361 : memref<128x32xf32, #tpu.memory_space<vmem>>)
      %ge3A_368 = arith.constant 2 : i32
      %ge3A_369 = arith.cmpi sge, %add3A_348, %ge3A_368 : i32
      %convert_element_type3A_370 = arith.extui %ge3A_369 : i1 to i32
      %cond3A_371 = arith.constant 0 : i32
      %cond3A_372 = arith.cmpi ne, %convert_element_type3A_370, %cond3A_371 : i32
      scf.if %cond3A_372 {
        %dma_wait3A_609 = arith.constant 0 : i32
        %dma_wait3A_610 = arith.constant 0 : i32
        %dma_wait3A_611 = arith.constant 0 : i32
        %dma_wait3A_612 = arith.constant 0 : i32
        %dma_wait3A_613 = arith.constant 0 : i32
        %dma_wait3A_614 = tpu.memref_slice %arg7[%dma_wait3A_609, %dma_wait3A_612, %dma_wait3A_613] : memref<2x32x128xf32, #tpu.memory_space<vmem>> -> memref<1x32x128xf32, #tpu.memory_space<vmem>>
        %dma_wait3A_615 = tpu.memref_squeeze %dma_wait3A_614 : memref<1x32x128xf32, #tpu.memory_space<vmem>> -> memref<32x128xf32, #tpu.memory_space<vmem>>
        %dma_wait3A_616 = arith.constant 0 : i32
        %dma_wait3A_617 = arith.constant 0 : i32
        %dma_wait3A_618 = tpu.memref_slice %arg4[%dma_wait3A_610, %dma_wait3A_611, %dma_wait3A_616, %dma_wait3A_617] : memref<200x2x32x1024xf32, #tpu.memory_space<hbm>> -> memref<1x1x32x128xf32, #tpu.memory_space<hbm>>
        %dma_wait3A_619 = tpu.memref_squeeze %dma_wait3A_618 : memref<1x1x32x128xf32, #tpu.memory_space<hbm>> -> memref<32x128xf32, #tpu.memory_space<hbm>>
        %dma_wait3A_620 = arith.constant 0 : i32
        %dma_wait3A_621 = arith.constant 0 : i32
        %dma_wait3A_622 = tpu.memref_slice %arg4[%dma_wait3A_610, %dma_wait3A_611, %dma_wait3A_620, %dma_wait3A_621] : memref<200x2x32x1024xf32, #tpu.memory_space<hbm>> -> memref<1x1x32x128xf32, #tpu.memory_space<hbm>>
        %dma_wait3A_623 = tpu.memref_squeeze %dma_wait3A_622 : memref<1x1x32x128xf32, #tpu.memory_space<hbm>> -> memref<32x128xf32, #tpu.memory_space<hbm>>
        %dma_wait3A_624 = arith.constant 0 : i32
        %dma_wait3A_625 = arith.constant 0 : i32
        %dma_wait3A_626 = tpu.memref_slice %arg7[%dma_wait3A_609, %dma_wait3A_624, %dma_wait3A_625] : memref<2x32x128xf32, #tpu.memory_space<vmem>> -> memref<1x32x128xf32, #tpu.memory_space<vmem>>
        %dma_wait3A_627 = tpu.memref_squeeze %dma_wait3A_626 : memref<1x32x128xf32, #tpu.memory_space<vmem>> -> memref<32x128xf32, #tpu.memory_space<vmem>>
        tpu.wait_dma2 semaphore(%arg12 : memref<!tpu.dma_semaphore, #tpu.memory_space<semaphore_mem>>) src(%dma_wait3A_627 : memref<32x128xf32, #tpu.memory_space<vmem>>) dst(%dma_wait3A_623 : memref<32x128xf32, #tpu.memory_space<hbm>>)
      } else {
      }
      %scan3A_373 = arith.constant 0 : i32
      %scan3A_374 = arith.constant 0 : i32
      %scan3A_375 = arith.constant 16 : i32
      %scan3A_376 = arith.addi %scan3A_374, %scan3A_375 : i32
      %scan3A_377 = arith.constant 1 : i32
      scf.for %scan3A_609 = %scan3A_374 to %scan3A_376 step %scan3A_377  : i32 {
        %mul3A_610 = arith.constant 8 : i32
        %mul3A_611 = arith.muli %scan3A_609, %mul3A_610 : i32
        %add3A_612 = arith.constant 0 : i32
        %add3A_613 = arith.addi %mul3A_611, %add3A_612 : i32
        %broadcast_in_dim3A = arith.constant 0 : i32
        %broadcast_in_dim3A_614 = vector.broadcast %broadcast_in_dim3A : i32 to vector<16xi32>
        %add3A_615 = vector.broadcast %add3A_613 : i32 to vector<16xi32>
        %add3A_616 = arith.addi %broadcast_in_dim3A_614, %add3A_615 : vector<16xi32>
        %get3A = arith.constant 2 : i32
        %get3A_617 = arith.index_cast %get3A : i32 to index
        %get3A_618 = arith.index_cast %add3A_613 : i32 to index
        %get3A_619 = arith.constant 0 : index
        %get3A_620 = tpu.vector_load %arg6[%get3A_617, %get3A_618, %get3A_619] {strides = array<i32>} : memref<4x128x32xf32, #tpu.memory_space<vmem>>, vector<16xf32>,
        %scatter3A = arith.constant 0 : i32
        %scatter3A_621 = arith.constant 0 : i32
        %scatter3A_622 = arith.constant 0 : i32
        %scatter3A_623 = tpu.memref_slice %arg7[%scatter3A, %scatter3A_621, %scatter3A_622] : memref<2x32x128xf32, #tpu.memory_space<vmem>> -> memref<1x32x128xf32, #tpu.memory_space<vmem>>
        %scatter3A_624 = tpu.memref_squeeze %scatter3A_623 : memref<1x32x128xf32, #tpu.memory_space<vmem>> -> memref<32x128xf32, #tpu.memory_space<vmem>>
        tpu.vector_store_idx %scatter3A_624[%iota3A, %add3A_616], %get3A_620 : memref<32x128xf32, #tpu.memory_space<vmem>>[vector<16xi32>, vector<16xi32>], vector<16xf32>,
        %get3A_625 = arith.constant 2 : i32
        %get3A_626 = arith.index_cast %get3A_625 : i32 to index
        %get3A_627 = arith.index_cast %add3A_613 : i32 to index
        %get3A_628 = arith.constant 16 : index
        %get3A_629 = tpu.vector_load %arg6[%get3A_626, %get3A_627, %get3A_628] {strides = array<i32>} : memref<4x128x32xf32, #tpu.memory_space<vmem>>, vector<16xf32>,
        %scatter3A_630 = arith.constant 0 : i32
        %scatter3A_631 = arith.constant 0 : i32
        %scatter3A_632 = arith.constant 0 : i32
        %scatter3A_633 = tpu.memref_slice %arg7[%scatter3A_630, %scatter3A_631, %scatter3A_632] : memref<2x32x128xf32, #tpu.memory_space<vmem>> -> memref<1x32x128xf32, #tpu.memory_space<vmem>>
        %scatter3A_634 = tpu.memref_squeeze %scatter3A_633 : memref<1x32x128xf32, #tpu.memory_space<vmem>> -> memref<32x128xf32, #tpu.memory_space<vmem>>
        tpu.vector_store_idx %scatter3A_634[%add3A_7, %add3A_616], %get3A_629 : memref<32x128xf32, #tpu.memory_space<vmem>>[vector<16xi32>, vector<16xi32>], vector<16xf32>,
        %mul3A_635 = arith.constant 8 : i32
        %mul3A_636 = arith.muli %scan3A_609, %mul3A_635 : i32
        %add3A_637 = arith.constant 1 : i32
        %add3A_638 = arith.addi %mul3A_636, %add3A_637 : i32
        %broadcast_in_dim3A_639 = arith.constant 0 : i32
        %broadcast_in_dim3A_640 = vector.broadcast %broadcast_in_dim3A_639 : i32 to vector<16xi32>
        %add3A_641 = vector.broadcast %add3A_638 : i32 to vector<16xi32>
        %add3A_642 = arith.addi %broadcast_in_dim3A_640, %add3A_641 : vector<16xi32>
        %get3A_643 = arith.constant 2 : i32
        %get3A_644 = arith.index_cast %get3A_643 : i32 to index
        %get3A_645 = arith.index_cast %add3A_638 : i32 to index
        %get3A_646 = arith.constant 0 : index
        %get3A_647 = tpu.vector_load %arg6[%get3A_644, %get3A_645, %get3A_646] {strides = array<i32>} : memref<4x128x32xf32, #tpu.memory_space<vmem>>, vector<16xf32>,
        %scatter3A_648 = arith.constant 0 : i32
        %scatter3A_649 = arith.constant 0 : i32
        %scatter3A_650 = arith.constant 0 : i32
        %scatter3A_651 = tpu.memref_slice %arg7[%scatter3A_648, %scatter3A_649, %scatter3A_650] : memref<2x32x128xf32, #tpu.memory_space<vmem>> -> memref<1x32x128xf32, #tpu.memory_space<vmem>>
        %scatter3A_652 = tpu.memref_squeeze %scatter3A_651 : memref<1x32x128xf32, #tpu.memory_space<vmem>> -> memref<32x128xf32, #tpu.memory_space<vmem>>
        tpu.vector_store_idx %scatter3A_652[%iota3A, %add3A_642], %get3A_647 : memref<32x128xf32, #tpu.memory_space<vmem>>[vector<16xi32>, vector<16xi32>], vector<16xf32>,
        %get3A_653 = arith.constant 2 : i32
        %get3A_654 = arith.index_cast %get3A_653 : i32 to index
        %get3A_655 = arith.index_cast %add3A_638 : i32 to index
        %get3A_656 = arith.constant 16 : index
        %get3A_657 = tpu.vector_load %arg6[%get3A_654, %get3A_655, %get3A_656] {strides = array<i32>} : memref<4x128x32xf32, #tpu.memory_space<vmem>>, vector<16xf32>,
        %scatter3A_658 = arith.constant 0 : i32
        %scatter3A_659 = arith.constant 0 : i32
        %scatter3A_660 = arith.constant 0 : i32
        %scatter3A_661 = tpu.memref_slice %arg7[%scatter3A_658, %scatter3A_659, %scatter3A_660] : memref<2x32x128xf32, #tpu.memory_space<vmem>> -> memref<1x32x128xf32, #tpu.memory_space<vmem>>
        %scatter3A_662 = tpu.memref_squeeze %scatter3A_661 : memref<1x32x128xf32, #tpu.memory_space<vmem>> -> memref<32x128xf32, #tpu.memory_space<vmem>>
        tpu.vector_store_idx %scatter3A_662[%add3A_7, %add3A_642], %get3A_657 : memref<32x128xf32, #tpu.memory_space<vmem>>[vector<16xi32>, vector<16xi32>], vector<16xf32>,
        %mul3A_663 = arith.constant 8 : i32
        %mul3A_664 = arith.muli %scan3A_609, %mul3A_663 : i32
        %add3A_665 = arith.constant 2 : i32
        %add3A_666 = arith.addi %mul3A_664, %add3A_665 : i32
        %broadcast_in_dim3A_667 = arith.constant 0 : i32
        %broadcast_in_dim3A_668 = vector.broadcast %broadcast_in_dim3A_667 : i32 to vector<16xi32>
        %add3A_669 = vector.broadcast %add3A_666 : i32 to vector<16xi32>
        %add3A_670 = arith.addi %broadcast_in_dim3A_668, %add3A_669 : vector<16xi32>
        %get3A_671 = arith.constant 2 : i32
        %get3A_672 = arith.index_cast %get3A_671 : i32 to index
        %get3A_673 = arith.index_cast %add3A_666 : i32 to index
        %get3A_674 = arith.constant 0 : index
        %get3A_675 = tpu.vector_load %arg6[%get3A_672, %get3A_673, %get3A_674] {strides = array<i32>} : memref<4x128x32xf32, #tpu.memory_space<vmem>>, vector<16xf32>,
        %scatter3A_676 = arith.constant 0 : i32
        %scatter3A_677 = arith.constant 0 : i32
        %scatter3A_678 = arith.constant 0 : i32
        %scatter3A_679 = tpu.memref_slice %arg7[%scatter3A_676, %scatter3A_677, %scatter3A_678] : memref<2x32x128xf32, #tpu.memory_space<vmem>> -> memref<1x32x128xf32, #tpu.memory_space<vmem>>
        %scatter3A_680 = tpu.memref_squeeze %scatter3A_679 : memref<1x32x128xf32, #tpu.memory_space<vmem>> -> memref<32x128xf32, #tpu.memory_space<vmem>>
        tpu.vector_store_idx %scatter3A_680[%iota3A, %add3A_670], %get3A_675 : memref<32x128xf32, #tpu.memory_space<vmem>>[vector<16xi32>, vector<16xi32>], vector<16xf32>,
        %get3A_681 = arith.constant 2 : i32
        %get3A_682 = arith.index_cast %get3A_681 : i32 to index
        %get3A_683 = arith.index_cast %add3A_666 : i32 to index
        %get3A_684 = arith.constant 16 : index
        %get3A_685 = tpu.vector_load %arg6[%get3A_682, %get3A_683, %get3A_684] {strides = array<i32>} : memref<4x128x32xf32, #tpu.memory_space<vmem>>, vector<16xf32>,
        %scatter3A_686 = arith.constant 0 : i32
        %scatter3A_687 = arith.constant 0 : i32
        %scatter3A_688 = arith.constant 0 : i32
        %scatter3A_689 = tpu.memref_slice %arg7[%scatter3A_686, %scatter3A_687, %scatter3A_688] : memref<2x32x128xf32, #tpu.memory_space<vmem>> -> memref<1x32x128xf32, #tpu.memory_space<vmem>>
        %scatter3A_690 = tpu.memref_squeeze %scatter3A_689 : memref<1x32x128xf32, #tpu.memory_space<vmem>> -> memref<32x128xf32, #tpu.memory_space<vmem>>
        tpu.vector_store_idx %scatter3A_690[%add3A_7, %add3A_670], %get3A_685 : memref<32x128xf32, #tpu.memory_space<vmem>>[vector<16xi32>, vector<16xi32>], vector<16xf32>,
        %mul3A_691 = arith.constant 8 : i32
        %mul3A_692 = arith.muli %scan3A_609, %mul3A_691 : i32
        %add3A_693 = arith.constant 3 : i32
        %add3A_694 = arith.addi %mul3A_692, %add3A_693 : i32
        %broadcast_in_dim3A_695 = arith.constant 0 : i32
        %broadcast_in_dim3A_696 = vector.broadcast %broadcast_in_dim3A_695 : i32 to vector<16xi32>
        %add3A_697 = vector.broadcast %add3A_694 : i32 to vector<16xi32>
        %add3A_698 = arith.addi %broadcast_in_dim3A_696, %add3A_697 : vector<16xi32>
        %get3A_699 = arith.constant 2 : i32
        %get3A_700 = arith.index_cast %get3A_699 : i32 to index
        %get3A_701 = arith.index_cast %add3A_694 : i32 to index
        %get3A_702 = arith.constant 0 : index
        %get3A_703 = tpu.vector_load %arg6[%get3A_700, %get3A_701, %get3A_702] {strides = array<i32>} : memref<4x128x32xf32, #tpu.memory_space<vmem>>, vector<16xf32>,
        %scatter3A_704 = arith.constant 0 : i32
        %scatter3A_705 = arith.constant 0 : i32
        %scatter3A_706 = arith.constant 0 : i32
        %scatter3A_707 = tpu.memref_slice %arg7[%scatter3A_704, %scatter3A_705, %scatter3A_706] : memref<2x32x128xf32, #tpu.memory_space<vmem>> -> memref<1x32x128xf32, #tpu.memory_space<vmem>>
        %scatter3A_708 = tpu.memref_squeeze %scatter3A_707 : memref<1x32x128xf32, #tpu.memory_space<vmem>> -> memref<32x128xf32, #tpu.memory_space<vmem>>
        tpu.vector_store_idx %scatter3A_708[%iota3A, %add3A_698], %get3A_703 : memref<32x128xf32, #tpu.memory_space<vmem>>[vector<16xi32>, vector<16xi32>], vector<16xf32>,
        %get3A_709 = arith.constant 2 : i32
        %get3A_710 = arith.index_cast %get3A_709 : i32 to index
        %get3A_711 = arith.index_cast %add3A_694 : i32 to index
        %get3A_712 = arith.constant 16 : index
        %get3A_713 = tpu.vector_load %arg6[%get3A_710, %get3A_711, %get3A_712] {strides = array<i32>} : memref<4x128x32xf32, #tpu.memory_space<vmem>>, vector<16xf32>,
        %scatter3A_714 = arith.constant 0 : i32
        %scatter3A_715 = arith.constant 0 : i32
        %scatter3A_716 = arith.constant 0 : i32
        %scatter3A_717 = tpu.memref_slice %arg7[%scatter3A_714, %scatter3A_715, %scatter3A_716] : memref<2x32x128xf32, #tpu.memory_space<vmem>> -> memref<1x32x128xf32, #tpu.memory_space<vmem>>
        %scatter3A_718 = tpu.memref_squeeze %scatter3A_717 : memref<1x32x128xf32, #tpu.memory_space<vmem>> -> memref<32x128xf32, #tpu.memory_space<vmem>>
        tpu.vector_store_idx %scatter3A_718[%add3A_7, %add3A_698], %get3A_713 : memref<32x128xf32, #tpu.memory_space<vmem>>[vector<16xi32>, vector<16xi32>], vector<16xf32>,
        %mul3A_719 = arith.constant 8 : i32
        %mul3A_720 = arith.muli %scan3A_609, %mul3A_719 : i32
        %add3A_721 = arith.constant 4 : i32
        %add3A_722 = arith.addi %mul3A_720, %add3A_721 : i32
        %broadcast_in_dim3A_723 = arith.constant 0 : i32
        %broadcast_in_dim3A_724 = vector.broadcast %broadcast_in_dim3A_723 : i32 to vector<16xi32>
        %add3A_725 = vector.broadcast %add3A_722 : i32 to vector<16xi32>
        %add3A_726 = arith.addi %broadcast_in_dim3A_724, %add3A_725 : vector<16xi32>
        %get3A_727 = arith.constant 2 : i32
        %get3A_728 = arith.index_cast %get3A_727 : i32 to index
        %get3A_729 = arith.index_cast %add3A_722 : i32 to index
        %get3A_730 = arith.constant 0 : index
        %get3A_731 = tpu.vector_load %arg6[%get3A_728, %get3A_729, %get3A_730] {strides = array<i32>} : memref<4x128x32xf32, #tpu.memory_space<vmem>>, vector<16xf32>,
        %scatter3A_732 = arith.constant 0 : i32
        %scatter3A_733 = arith.constant 0 : i32
        %scatter3A_734 = arith.constant 0 : i32
        %scatter3A_735 = tpu.memref_slice %arg7[%scatter3A_732, %scatter3A_733, %scatter3A_734] : memref<2x32x128xf32, #tpu.memory_space<vmem>> -> memref<1x32x128xf32, #tpu.memory_space<vmem>>
        %scatter3A_736 = tpu.memref_squeeze %scatter3A_735 : memref<1x32x128xf32, #tpu.memory_space<vmem>> -> memref<32x128xf32, #tpu.memory_space<vmem>>
        tpu.vector_store_idx %scatter3A_736[%iota3A, %add3A_726], %get3A_731 : memref<32x128xf32, #tpu.memory_space<vmem>>[vector<16xi32>, vector<16xi32>], vector<16xf32>,
        %get3A_737 = arith.constant 2 : i32
        %get3A_738 = arith.index_cast %get3A_737 : i32 to index
        %get3A_739 = arith.index_cast %add3A_722 : i32 to index
        %get3A_740 = arith.constant 16 : index
        %get3A_741 = tpu.vector_load %arg6[%get3A_738, %get3A_739, %get3A_740] {strides = array<i32>} : memref<4x128x32xf32, #tpu.memory_space<vmem>>, vector<16xf32>,
        %scatter3A_742 = arith.constant 0 : i32
        %scatter3A_743 = arith.constant 0 : i32
        %scatter3A_744 = arith.constant 0 : i32
        %scatter3A_745 = tpu.memref_slice %arg7[%scatter3A_742, %scatter3A_743, %scatter3A_744] : memref<2x32x128xf32, #tpu.memory_space<vmem>> -> memref<1x32x128xf32, #tpu.memory_space<vmem>>
        %scatter3A_746 = tpu.memref_squeeze %scatter3A_745 : memref<1x32x128xf32, #tpu.memory_space<vmem>> -> memref<32x128xf32, #tpu.memory_space<vmem>>
        tpu.vector_store_idx %scatter3A_746[%add3A_7, %add3A_726], %get3A_741 : memref<32x128xf32, #tpu.memory_space<vmem>>[vector<16xi32>, vector<16xi32>], vector<16xf32>,
        %mul3A_747 = arith.constant 8 : i32
        %mul3A_748 = arith.muli %scan3A_609, %mul3A_747 : i32
        %add3A_749 = arith.constant 5 : i32
        %add3A_750 = arith.addi %mul3A_748, %add3A_749 : i32
        %broadcast_in_dim3A_751 = arith.constant 0 : i32
        %broadcast_in_dim3A_752 = vector.broadcast %broadcast_in_dim3A_751 : i32 to vector<16xi32>
        %add3A_753 = vector.broadcast %add3A_750 : i32 to vector<16xi32>
        %add3A_754 = arith.addi %broadcast_in_dim3A_752, %add3A_753 : vector<16xi32>
        %get3A_755 = arith.constant 2 : i32
        %get3A_756 = arith.index_cast %get3A_755 : i32 to index
        %get3A_757 = arith.index_cast %add3A_750 : i32 to index
        %get3A_758 = arith.constant 0 : index
        %get3A_759 = tpu.vector_load %arg6[%get3A_756, %get3A_757, %get3A_758] {strides = array<i32>} : memref<4x128x32xf32, #tpu.memory_space<vmem>>, vector<16xf32>,
        %scatter3A_760 = arith.constant 0 : i32
        %scatter3A_761 = arith.constant 0 : i32
        %scatter3A_762 = arith.constant 0 : i32
        %scatter3A_763 = tpu.memref_slice %arg7[%scatter3A_760, %scatter3A_761, %scatter3A_762] : memref<2x32x128xf32, #tpu.memory_space<vmem>> -> memref<1x32x128xf32, #tpu.memory_space<vmem>>
        %scatter3A_764 = tpu.memref_squeeze %scatter3A_763 : memref<1x32x128xf32, #tpu.memory_space<vmem>> -> memref<32x128xf32, #tpu.memory_space<vmem>>
        tpu.vector_store_idx %scatter3A_764[%iota3A, %add3A_754], %get3A_759 : memref<32x128xf32, #tpu.memory_space<vmem>>[vector<16xi32>, vector<16xi32>], vector<16xf32>,
        %get3A_765 = arith.constant 2 : i32
        %get3A_766 = arith.index_cast %get3A_765 : i32 to index
        %get3A_767 = arith.index_cast %add3A_750 : i32 to index
        %get3A_768 = arith.constant 16 : index
        %get3A_769 = tpu.vector_load %arg6[%get3A_766, %get3A_767, %get3A_768] {strides = array<i32>} : memref<4x128x32xf32, #tpu.memory_space<vmem>>, vector<16xf32>,
        %scatter3A_770 = arith.constant 0 : i32
        %scatter3A_771 = arith.constant 0 : i32
        %scatter3A_772 = arith.constant 0 : i32
        %scatter3A_773 = tpu.memref_slice %arg7[%scatter3A_770, %scatter3A_771, %scatter3A_772] : memref<2x32x128xf32, #tpu.memory_space<vmem>> -> memref<1x32x128xf32, #tpu.memory_space<vmem>>
        %scatter3A_774 = tpu.memref_squeeze %scatter3A_773 : memref<1x32x128xf32, #tpu.memory_space<vmem>> -> memref<32x128xf32, #tpu.memory_space<vmem>>
        tpu.vector_store_idx %scatter3A_774[%add3A_7, %add3A_754], %get3A_769 : memref<32x128xf32, #tpu.memory_space<vmem>>[vector<16xi32>, vector<16xi32>], vector<16xf32>,
        %mul3A_775 = arith.constant 8 : i32
        %mul3A_776 = arith.muli %scan3A_609, %mul3A_775 : i32
        %add3A_777 = arith.constant 6 : i32
        %add3A_778 = arith.addi %mul3A_776, %add3A_777 : i32
        %broadcast_in_dim3A_779 = arith.constant 0 : i32
        %broadcast_in_dim3A_780 = vector.broadcast %broadcast_in_dim3A_779 : i32 to vector<16xi32>
        %add3A_781 = vector.broadcast %add3A_778 : i32 to vector<16xi32>
        %add3A_782 = arith.addi %broadcast_in_dim3A_780, %add3A_781 : vector<16xi32>
        %get3A_783 = arith.constant 2 : i32
        %get3A_784 = arith.index_cast %get3A_783 : i32 to index
        %get3A_785 = arith.index_cast %add3A_778 : i32 to index
        %get3A_786 = arith.constant 0 : index
        %get3A_787 = tpu.vector_load %arg6[%get3A_784, %get3A_785, %get3A_786] {strides = array<i32>} : memref<4x128x32xf32, #tpu.memory_space<vmem>>, vector<16xf32>,
        %scatter3A_788 = arith.constant 0 : i32
        %scatter3A_789 = arith.constant 0 : i32
        %scatter3A_790 = arith.constant 0 : i32
        %scatter3A_791 = tpu.memref_slice %arg7[%scatter3A_788, %scatter3A_789, %scatter3A_790] : memref<2x32x128xf32, #tpu.memory_space<vmem>> -> memref<1x32x128xf32, #tpu.memory_space<vmem>>
        %scatter3A_792 = tpu.memref_squeeze %scatter3A_791 : memref<1x32x128xf32, #tpu.memory_space<vmem>> -> memref<32x128xf32, #tpu.memory_space<vmem>>
        tpu.vector_store_idx %scatter3A_792[%iota3A, %add3A_782], %get3A_787 : memref<32x128xf32, #tpu.memory_space<vmem>>[vector<16xi32>, vector<16xi32>], vector<16xf32>,
        %get3A_793 = arith.constant 2 : i32
        %get3A_794 = arith.index_cast %get3A_793 : i32 to index
        %get3A_795 = arith.index_cast %add3A_778 : i32 to index
        %get3A_796 = arith.constant 16 : index
        %get3A_797 = tpu.vector_load %arg6[%get3A_794, %get3A_795, %get3A_796] {strides = array<i32>} : memref<4x128x32xf32, #tpu.memory_space<vmem>>, vector<16xf32>,
        %scatter3A_798 = arith.constant 0 : i32
        %scatter3A_799 = arith.constant 0 : i32
        %scatter3A_800 = arith.constant 0 : i32
        %scatter3A_801 = tpu.memref_slice %arg7[%scatter3A_798, %scatter3A_799, %scatter3A_800] : memref<2x32x128xf32, #tpu.memory_space<vmem>> -> memref<1x32x128xf32, #tpu.memory_space<vmem>>
        %scatter3A_802 = tpu.memref_squeeze %scatter3A_801 : memref<1x32x128xf32, #tpu.memory_space<vmem>> -> memref<32x128xf32, #tpu.memory_space<vmem>>
        tpu.vector_store_idx %scatter3A_802[%add3A_7, %add3A_782], %get3A_797 : memref<32x128xf32, #tpu.memory_space<vmem>>[vector<16xi32>, vector<16xi32>], vector<16xf32>,
        %mul3A_803 = arith.constant 8 : i32
        %mul3A_804 = arith.muli %scan3A_609, %mul3A_803 : i32
        %add3A_805 = arith.constant 7 : i32
        %add3A_806 = arith.addi %mul3A_804, %add3A_805 : i32
        %broadcast_in_dim3A_807 = arith.constant 0 : i32
        %broadcast_in_dim3A_808 = vector.broadcast %broadcast_in_dim3A_807 : i32 to vector<16xi32>
        %add3A_809 = vector.broadcast %add3A_806 : i32 to vector<16xi32>
        %add3A_810 = arith.addi %broadcast_in_dim3A_808, %add3A_809 : vector<16xi32>
        %get3A_811 = arith.constant 2 : i32
        %get3A_812 = arith.index_cast %get3A_811 : i32 to index
        %get3A_813 = arith.index_cast %add3A_806 : i32 to index
        %get3A_814 = arith.constant 0 : index
        %get3A_815 = tpu.vector_load %arg6[%get3A_812, %get3A_813, %get3A_814] {strides = array<i32>} : memref<4x128x32xf32, #tpu.memory_space<vmem>>, vector<16xf32>,
        %scatter3A_816 = arith.constant 0 : i32
        %scatter3A_817 = arith.constant 0 : i32
        %scatter3A_818 = arith.constant 0 : i32
        %scatter3A_819 = tpu.memref_slice %arg7[%scatter3A_816, %scatter3A_817, %scatter3A_818] : memref<2x32x128xf32, #tpu.memory_space<vmem>> -> memref<1x32x128xf32, #tpu.memory_space<vmem>>
        %scatter3A_820 = tpu.memref_squeeze %scatter3A_819 : memref<1x32x128xf32, #tpu.memory_space<vmem>> -> memref<32x128xf32, #tpu.memory_space<vmem>>
        tpu.vector_store_idx %scatter3A_820[%iota3A, %add3A_810], %get3A_815 : memref<32x128xf32, #tpu.memory_space<vmem>>[vector<16xi32>, vector<16xi32>], vector<16xf32>,
        %get3A_821 = arith.constant 2 : i32
        %get3A_822 = arith.index_cast %get3A_821 : i32 to index
        %get3A_823 = arith.index_cast %add3A_806 : i32 to index
        %get3A_824 = arith.constant 16 : index
        %get3A_825 = tpu.vector_load %arg6[%get3A_822, %get3A_823, %get3A_824] {strides = array<i32>} : memref<4x128x32xf32, #tpu.memory_space<vmem>>, vector<16xf32>,
        %scatter3A_826 = arith.constant 0 : i32
        %scatter3A_827 = arith.constant 0 : i32
        %scatter3A_828 = arith.constant 0 : i32
        %scatter3A_829 = tpu.memref_slice %arg7[%scatter3A_826, %scatter3A_827, %scatter3A_828] : memref<2x32x128xf32, #tpu.memory_space<vmem>> -> memref<1x32x128xf32, #tpu.memory_space<vmem>>
        %scatter3A_830 = tpu.memref_squeeze %scatter3A_829 : memref<1x32x128xf32, #tpu.memory_space<vmem>> -> memref<32x128xf32, #tpu.memory_space<vmem>>
        tpu.vector_store_idx %scatter3A_830[%add3A_7, %add3A_810], %get3A_825 : memref<32x128xf32, #tpu.memory_space<vmem>>[vector<16xi32>, vector<16xi32>], vector<16xf32>,
      }
      %scan3A_378 = arith.constant 16 : i32
      %add3A_379 = arith.addi %mul3A_4, %add3A_348 : i32
      %jit3A_380 = arith.constant 16 : i32
      %div3A_381 = arith.divsi %add3A_379, %jit3A_380 : i32
      %sign3A_382 = arith.constant 0 : i32
      %sign3A_383 = arith.cmpi sgt, %add3A_379, %sign3A_382 : i32
      %sign3A_384 = arith.extui %sign3A_383 : i1 to i32
      %sign3A_385 = arith.constant 0 : i32
      %sign3A_386 = arith.cmpi slt, %add3A_379, %sign3A_385 : i32
      %sign3A_387 = arith.extui %sign3A_386 : i1 to i32
      %sign3A_388 = arith.subi %sign3A_384, %sign3A_387 : i32
      %sign3A_389 = arith.constant 0 : i32
      %sign3A_390 = arith.cmpi sgt, %jit3A_380, %sign3A_389 : i32
      %sign3A_391 = arith.extui %sign3A_390 : i1 to i32
      %sign3A_392 = arith.constant 0 : i32
      %sign3A_393 = arith.cmpi slt, %jit3A_380, %sign3A_392 : i32
      %sign3A_394 = arith.extui %sign3A_393 : i1 to i32
      %sign3A_395 = arith.subi %sign3A_391, %sign3A_394 : i32
      %ne3A_396 = arith.cmpi ne, %sign3A_388, %sign3A_395 : i32
      %rem3A_397 = arith.remsi %add3A_379, %jit3A_380 : i32
      %ne3A_398 = arith.constant 0 : i32
      %ne3A_399 = arith.cmpi ne, %rem3A_397, %ne3A_398 : i32
      %and3A_400 = arith.andi %ne3A_396, %ne3A_399 : i1
      %sub3A_401 = arith.constant 1 : i32
      %sub3A_402 = arith.subi %div3A_381, %sub3A_401 : i32
      %select_n3A_403 = arith.select %and3A_400, %sub3A_402, %div3A_381 : i32
      %jit3A_404 = arith.constant 16 : i32
      %eq3A_405 = arith.constant 0 : i32
      %eq3A_406 = arith.cmpi eq, %jit3A_404, %eq3A_405 : i32
      %jit3A_407 = arith.constant 1 : i32
      %select_n3A_408 = arith.select %eq3A_406, %jit3A_407, %jit3A_404 : i32
      %rem3A_409 = arith.remsi %add3A_379, %select_n3A_408 : i32
      %ne3A_410 = arith.constant 0 : i32
      %ne3A_411 = arith.cmpi ne, %rem3A_409, %ne3A_410 : i32
      %lt3A_412 = arith.constant 0 : i32
      %lt3A_413 = arith.cmpi slt, %rem3A_409, %lt3A_412 : i32
      %lt3A_414 = arith.constant 0 : i32
      %lt3A_415 = arith.cmpi slt, %select_n3A_408, %lt3A_414 : i32
      %ne3A_416 = arith.xori %lt3A_413, %lt3A_415 : i1
      %and3A_417 = arith.andi %ne3A_416, %ne3A_411 : i1
      %add3A_418 = arith.addi %rem3A_409, %select_n3A_408 : i32
      %select_n3A_419 = arith.select %and3A_417, %add3A_418, %rem3A_409 : i32
      %jit3A_420 = arith.constant 8 : i32
      %div3A_421 = arith.divsi %select_n3A_419, %jit3A_420 : i32
      %sign3A_422 = arith.constant 0 : i32
      %sign3A_423 = arith.cmpi sgt, %select_n3A_419, %sign3A_422 : i32
      %sign3A_424 = arith.extui %sign3A_423 : i1 to i32
      %sign3A_425 = arith.constant 0 : i32
      %sign3A_426 = arith.cmpi slt, %select_n3A_419, %sign3A_425 : i32
      %sign3A_427 = arith.extui %sign3A_426 : i1 to i32
      %sign3A_428 = arith.subi %sign3A_424, %sign3A_427 : i32
      %sign3A_429 = arith.constant 0 : i32
      %sign3A_430 = arith.cmpi sgt, %jit3A_420, %sign3A_429 : i32
      %sign3A_431 = arith.extui %sign3A_430 : i1 to i32
      %sign3A_432 = arith.constant 0 : i32
      %sign3A_433 = arith.cmpi slt, %jit3A_420, %sign3A_432 : i32
      %sign3A_434 = arith.extui %sign3A_433 : i1 to i32
      %sign3A_435 = arith.subi %sign3A_431, %sign3A_434 : i32
      %ne3A_436 = arith.cmpi ne, %sign3A_428, %sign3A_435 : i32
      %rem3A_437 = arith.remsi %select_n3A_419, %jit3A_420 : i32
      %ne3A_438 = arith.constant 0 : i32
      %ne3A_439 = arith.cmpi ne, %rem3A_437, %ne3A_438 : i32
      %and3A_440 = arith.andi %ne3A_436, %ne3A_439 : i1
      %sub3A_441 = arith.constant 1 : i32
      %sub3A_442 = arith.subi %div3A_421, %sub3A_441 : i32
      %select_n3A_443 = arith.select %and3A_440, %sub3A_442, %div3A_421 : i32
      %jit3A_444 = arith.constant 8 : i32
      %eq3A_445 = arith.constant 0 : i32
      %eq3A_446 = arith.cmpi eq, %jit3A_444, %eq3A_445 : i32
      %jit3A_447 = arith.constant 1 : i32
      %select_n3A_448 = arith.select %eq3A_446, %jit3A_447, %jit3A_444 : i32
      %rem3A_449 = arith.remsi %select_n3A_419, %select_n3A_448 : i32
      %ne3A_450 = arith.constant 0 : i32
      %ne3A_451 = arith.cmpi ne, %rem3A_449, %ne3A_450 : i32
      %lt3A_452 = arith.constant 0 : i32
      %lt3A_453 = arith.cmpi slt, %rem3A_449, %lt3A_452 : i32
      %lt3A_454 = arith.constant 0 : i32
      %lt3A_455 = arith.cmpi slt, %select_n3A_448, %lt3A_454 : i32
      %ne3A_456 = arith.xori %lt3A_453, %lt3A_455 : i1
      %and3A_457 = arith.andi %ne3A_456, %ne3A_451 : i1
      %add3A_458 = arith.addi %rem3A_449, %select_n3A_448 : i32
      %select_n3A_459 = arith.select %and3A_457, %add3A_458, %rem3A_449 : i32
      %mul3A_460 = arith.constant 128 : i32
      %mul3A_461 = arith.muli %select_n3A_459, %mul3A_460 : i32
      %dma_start3A_462 = arith.constant 0 : i32
      %dma_start3A_463 = arith.constant 0 : i32
      %dma_start3A_464 = arith.constant 0 : i32
      %dma_start3A_465 = tpu.memref_slice %arg7[%dma_start3A_462, %dma_start3A_463, %dma_start3A_464] : memref<2x32x128xf32, #tpu.memory_space<vmem>> -> memref<1x32x128xf32, #tpu.memory_space<vmem>>
      %dma_start3A_466 = tpu.memref_squeeze %dma_start3A_465 : memref<1x32x128xf32, #tpu.memory_space<vmem>> -> memref<32x128xf32, #tpu.memory_space<vmem>>
      %dma_start3A_467 = arith.constant 0 : i32
      %dma_start3A_468 = tpu.memref_slice %arg4[%select_n3A_403, %select_n3A_443, %dma_start3A_467, %mul3A_461] : memref<200x2x32x1024xf32, #tpu.memory_space<hbm>> -> memref<1x1x32x128xf32, #tpu.memory_space<hbm>>
      %dma_start3A_469 = tpu.memref_squeeze %dma_start3A_468 : memref<1x1x32x128xf32, #tpu.memory_space<hbm>> -> memref<32x128xf32, #tpu.memory_space<hbm>>
      %dma_start3A_470 = arith.constant 0 : i32
      %dma_start3A_471 = tpu.memref_slice %arg4[%select_n3A_403, %select_n3A_443, %dma_start3A_470, %mul3A_461] : memref<200x2x32x1024xf32, #tpu.memory_space<hbm>> -> memref<1x1x32x128xf32, #tpu.memory_space<hbm>>
      %dma_start3A_472 = tpu.memref_squeeze %dma_start3A_471 : memref<1x1x32x128xf32, #tpu.memory_space<hbm>> -> memref<32x128xf32, #tpu.memory_space<hbm>>
      %dma_start3A_473 = arith.constant 0 : i32
      %dma_start3A_474 = arith.constant 0 : i32
      %dma_start3A_475 = tpu.memref_slice %arg7[%dma_start3A_462, %dma_start3A_473, %dma_start3A_474] : memref<2x32x128xf32, #tpu.memory_space<vmem>> -> memref<1x32x128xf32, #tpu.memory_space<vmem>>
      %dma_start3A_476 = tpu.memref_squeeze %dma_start3A_475 : memref<1x32x128xf32, #tpu.memory_space<vmem>> -> memref<32x128xf32, #tpu.memory_space<vmem>>
      tpu.enqueue_dma source(%dma_start3A_476 : memref<32x128xf32, #tpu.memory_space<vmem>>) target(%dma_start3A_472 : memref<32x128xf32, #tpu.memory_space<hbm>>) target_semaphore(%arg12 : memref<!tpu.dma_semaphore, #tpu.memory_space<semaphore_mem>>)
      %mul3A_477 = arith.constant 4 : i32
      %mul3A_478 = arith.muli %scan3A_93, %mul3A_477 : i32
      %add3A_479 = arith.constant 3 : i32
      %add3A_480 = arith.addi %mul3A_478, %add3A_479 : i32
      %add3A_481 = arith.constant 3 : i32
      %add3A_482 = arith.addi %add3A_480, %add3A_481 : i32
      %lt3A_483 = arith.constant 100 : i32
      %lt3A_484 = arith.cmpi slt, %add3A_482, %lt3A_483 : i32
      %convert_element_type3A_485 = arith.extui %lt3A_484 : i1 to i32
      %cond3A_486 = arith.constant 0 : i32
      %cond3A_487 = arith.cmpi ne, %convert_element_type3A_485, %cond3A_486 : i32
      scf.if %cond3A_487 {
        %mul3A_609 = arith.constant 128 : i32
        %mul3A_610 = arith.muli %add3A_482, %mul3A_609 : i32
        %add3A_611 = arith.addi %mul3A_2, %mul3A_610 : i32
        %run_scoped3A_612 = arith.constant 2 : i32
        "tpu.region"() ({
          %run_scoped3A_625 = tpu.sem_alloc : memref<!tpu.dma_semaphore, #tpu.memory_space<semaphore_mem>>
          %dma_start3A_626 = arith.constant 0 : i32
          %dma_start3A_627 = tpu.memref_slice %arg5[%run_scoped3A_612, %dma_start3A_626] : memref<4x128xi32, #tpu.memory_space<vmem>> -> memref<1x128xi32, #tpu.memory_space<vmem>>
          %dma_start3A_628 = tpu.memref_squeeze %dma_start3A_627 : memref<1x128xi32, #tpu.memory_space<vmem>> -> memref<128xi32, #tpu.memory_space<vmem>>
          %dma_start3A_629 = tpu.memref_slice %arg3[%add3A_611] : memref<409600xi32, #tpu.memory_space<hbm>> -> memref<128xi32, #tpu.memory_space<hbm>>
          %dma_start3A_630 = arith.constant 0 : i32
          %dma_start3A_631 = tpu.memref_slice %arg5[%run_scoped3A_612, %dma_start3A_630] : memref<4x128xi32, #tpu.memory_space<vmem>> -> memref<1x128xi32, #tpu.memory_space<vmem>>
          %dma_start3A_632 = tpu.memref_squeeze %dma_start3A_631 : memref<1x128xi32, #tpu.memory_space<vmem>> -> memref<128xi32, #tpu.memory_space<vmem>>
          %dma_start3A_633 = tpu.memref_slice %arg3[%add3A_611] : memref<409600xi32, #tpu.memory_space<hbm>> -> memref<128xi32, #tpu.memory_space<hbm>>
          tpu.enqueue_dma source(%dma_start3A_633 : memref<128xi32, #tpu.memory_space<hbm>>) target(%dma_start3A_632 : memref<128xi32, #tpu.memory_space<vmem>>) target_semaphore(%run_scoped3A_625 : memref<!tpu.dma_semaphore, #tpu.memory_space<semaphore_mem>>)
          %dma_wait3A_634 = arith.constant 0 : i32
          %dma_wait3A_635 = tpu.memref_slice %arg5[%run_scoped3A_612, %dma_wait3A_634] : memref<4x128xi32, #tpu.memory_space<vmem>> -> memref<1x128xi32, #tpu.memory_space<vmem>>
          %dma_wait3A_636 = tpu.memref_squeeze %dma_wait3A_635 : memref<1x128xi32, #tpu.memory_space<vmem>> -> memref<128xi32, #tpu.memory_space<vmem>>
          %dma_wait3A_637 = tpu.memref_slice %arg3[%add3A_611] : memref<409600xi32, #tpu.memory_space<hbm>> -> memref<128xi32, #tpu.memory_space<hbm>>
          %dma_wait3A_638 = arith.constant 0 : i32
          %dma_wait3A_639 = tpu.memref_slice %arg5[%run_scoped3A_612, %dma_wait3A_638] : memref<4x128xi32, #tpu.memory_space<vmem>> -> memref<1x128xi32, #tpu.memory_space<vmem>>
          %dma_wait3A_640 = tpu.memref_squeeze %dma_wait3A_639 : memref<1x128xi32, #tpu.memory_space<vmem>> -> memref<128xi32, #tpu.memory_space<vmem>>
          %dma_wait3A_641 = tpu.memref_slice %arg3[%add3A_611] : memref<409600xi32, #tpu.memory_space<hbm>> -> memref<128xi32, #tpu.memory_space<hbm>>
          tpu.wait_dma2 semaphore(%run_scoped3A_625 : memref<!tpu.dma_semaphore, #tpu.memory_space<semaphore_mem>>) src(%dma_wait3A_641 : memref<128xi32, #tpu.memory_space<hbm>>) dst(%dma_wait3A_640 : memref<128xi32, #tpu.memory_space<vmem>>)
          tpu.yield
        }) : () -> ()
        %dma_start3A_613 = arith.constant 2 : i32
        %dma_start3A_614 = arith.constant 2 : i32
        %dma_start3A_615 = arith.constant 0 : i32
        %dma_start3A_616 = arith.constant 0 : i32
        %dma_start3A_617 = tpu.memref_slice %arg6[%dma_start3A_614, %dma_start3A_615, %dma_start3A_616] : memref<4x128x32xf32, #tpu.memory_space<vmem>> -> memref<1x128x32xf32, #tpu.memory_space<vmem>>
        %dma_start3A_618 = tpu.memref_squeeze %dma_start3A_617 : memref<1x128x32xf32, #tpu.memory_space<vmem>> -> memref<128x32xf32, #tpu.memory_space<vmem>>
        %dma_start3A_619 = arith.constant 0 : i32
        %dma_start3A_620 = tpu.memref_slice %arg5[%dma_start3A_613, %dma_start3A_619] : memref<4x128xi32, #tpu.memory_space<vmem>> -> memref<1x128xi32, #tpu.memory_space<vmem>>
        %dma_start3A_621 = tpu.memref_squeeze %dma_start3A_620 : memref<1x128xi32, #tpu.memory_space<vmem>> -> memref<128xi32, #tpu.memory_space<vmem>>
        %dma_start3A_622 = arith.constant 0 : i32
        %dma_start3A_623 = arith.constant 0 : i32
        %dma_start3A_624 = tpu.memref_slice %arg2[%dma_start3A_622, %dma_start3A_623] : memref<200000x32xf32, #tpu.memory_space<hbm>> -> memref<200000x32xf32, #tpu.memory_space<hbm>>
        tpu.enqueue_indirect_dma source(%dma_start3A_624 : memref<200000x32xf32, #tpu.memory_space<hbm>>) target(%dma_start3A_618 : memref<128x32xf32, #tpu.memory_space<vmem>>) offsets(%dma_start3A_621 : memref<128xi32, #tpu.memory_space<vmem>>) semaphore(%arg10 : memref<!tpu.dma_semaphore, #tpu.memory_space<semaphore_mem>>)
      } else {
      }
      %dma_wait3A_488 = arith.constant 3 : i32
      %dma_wait3A_489 = arith.constant 3 : i32
      %dma_wait3A_490 = arith.constant 0 : i32
      %dma_wait3A_491 = arith.constant 0 : i32
      %dma_wait3A_492 = tpu.memref_slice %arg6[%dma_wait3A_489, %dma_wait3A_490, %dma_wait3A_491] : memref<4x128x32xf32, #tpu.memory_space<vmem>> -> memref<1x128x32xf32, #tpu.memory_space<vmem>>
      %dma_wait3A_493 = tpu.memref_squeeze %dma_wait3A_492 : memref<1x128x32xf32, #tpu.memory_space<vmem>> -> memref<128x32xf32, #tpu.memory_space<vmem>>
      %dma_wait3A_494 = arith.constant 0 : i32
      %dma_wait3A_495 = tpu.memref_slice %arg5[%dma_wait3A_488, %dma_wait3A_494] : memref<4x128xi32, #tpu.memory_space<vmem>> -> memref<1x128xi32, #tpu.memory_space<vmem>>
      %dma_wait3A_496 = tpu.memref_squeeze %dma_wait3A_495 : memref<1x128xi32, #tpu.memory_space<vmem>> -> memref<128xi32, #tpu.memory_space<vmem>>
      %dma_wait3A_497 = arith.constant 0 : i32
      %dma_wait3A_498 = arith.constant 0 : i32
      %dma_wait3A_499 = tpu.memref_slice %arg2[%dma_wait3A_497, %dma_wait3A_498] : memref<200000x32xf32, #tpu.memory_space<hbm>> -> memref<200000x32xf32, #tpu.memory_space<hbm>>
      tpu.wait_indirect_dma semaphore(%arg11 : memref<!tpu.dma_semaphore, #tpu.memory_space<semaphore_mem>>) src(%dma_wait3A_499 : memref<200000x32xf32, #tpu.memory_space<hbm>>) dst(%dma_wait3A_493 : memref<128x32xf32, #tpu.memory_space<vmem>>)
      %ge3A_500 = arith.constant 2 : i32
      %ge3A_501 = arith.cmpi sge, %add3A_480, %ge3A_500 : i32
      %convert_element_type3A_502 = arith.extui %ge3A_501 : i1 to i32
      %cond3A_503 = arith.constant 0 : i32
      %cond3A_504 = arith.cmpi ne, %convert_element_type3A_502, %cond3A_503 : i32
      scf.if %cond3A_504 {
        %dma_wait3A_609 = arith.constant 1 : i32
        %dma_wait3A_610 = arith.constant 0 : i32
        %dma_wait3A_611 = arith.constant 0 : i32
        %dma_wait3A_612 = arith.constant 0 : i32
        %dma_wait3A_613 = arith.constant 0 : i32
        %dma_wait3A_614 = tpu.memref_slice %arg7[%dma_wait3A_609, %dma_wait3A_612, %dma_wait3A_613] : memref<2x32x128xf32, #tpu.memory_space<vmem>> -> memref<1x32x128xf32, #tpu.memory_space<vmem>>
        %dma_wait3A_615 = tpu.memref_squeeze %dma_wait3A_614 : memref<1x32x128xf32, #tpu.memory_space<vmem>> -> memref<32x128xf32, #tpu.memory_space<vmem>>
        %dma_wait3A_616 = arith.constant 0 : i32
        %dma_wait3A_617 = arith.constant 0 : i32
        %dma_wait3A_618 = tpu.memref_slice %arg4[%dma_wait3A_610, %dma_wait3A_611, %dma_wait3A_616, %dma_wait3A_617] : memref<200x2x32x1024xf32, #tpu.memory_space<hbm>> -> memref<1x1x32x128xf32, #tpu.memory_space<hbm>>
        %dma_wait3A_619 = tpu.memref_squeeze %dma_wait3A_618 : memref<1x1x32x128xf32, #tpu.memory_space<hbm>> -> memref<32x128xf32, #tpu.memory_space<hbm>>
        %dma_wait3A_620 = arith.constant 0 : i32
        %dma_wait3A_621 = arith.constant 0 : i32
        %dma_wait3A_622 = tpu.memref_slice %arg4[%dma_wait3A_610, %dma_wait3A_611, %dma_wait3A_620, %dma_wait3A_621] : memref<200x2x32x1024xf32, #tpu.memory_space<hbm>> -> memref<1x1x32x128xf32, #tpu.memory_space<hbm>>
        %dma_wait3A_623 = tpu.memref_squeeze %dma_wait3A_622 : memref<1x1x32x128xf32, #tpu.memory_space<hbm>> -> memref<32x128xf32, #tpu.memory_space<hbm>>
        %dma_wait3A_624 = arith.constant 0 : i32
        %dma_wait3A_625 = arith.constant 0 : i32
        %dma_wait3A_626 = tpu.memref_slice %arg7[%dma_wait3A_609, %dma_wait3A_624, %dma_wait3A_625] : memref<2x32x128xf32, #tpu.memory_space<vmem>> -> memref<1x32x128xf32, #tpu.memory_space<vmem>>
        %dma_wait3A_627 = tpu.memref_squeeze %dma_wait3A_626 : memref<1x32x128xf32, #tpu.memory_space<vmem>> -> memref<32x128xf32, #tpu.memory_space<vmem>>
        tpu.wait_dma2 semaphore(%arg13 : memref<!tpu.dma_semaphore, #tpu.memory_space<semaphore_mem>>) src(%dma_wait3A_627 : memref<32x128xf32, #tpu.memory_space<vmem>>) dst(%dma_wait3A_623 : memref<32x128xf32, #tpu.memory_space<hbm>>)
      } else {
      }
      %scan3A_505 = arith.constant 0 : i32
      %scan3A_506 = arith.constant 0 : i32
      %scan3A_507 = arith.constant 16 : i32
      %scan3A_508 = arith.addi %scan3A_506, %scan3A_507 : i32
      %scan3A_509 = arith.constant 1 : i32
      scf.for %scan3A_609 = %scan3A_506 to %scan3A_508 step %scan3A_509  : i32 {
        %mul3A_610 = arith.constant 8 : i32
        %mul3A_611 = arith.muli %scan3A_609, %mul3A_610 : i32
        %add3A_612 = arith.constant 0 : i32
        %add3A_613 = arith.addi %mul3A_611, %add3A_612 : i32
        %broadcast_in_dim3A = arith.constant 0 : i32
        %broadcast_in_dim3A_614 = vector.broadcast %broadcast_in_dim3A : i32 to vector<16xi32>
        %add3A_615 = vector.broadcast %add3A_613 : i32 to vector<16xi32>
        %add3A_616 = arith.addi %broadcast_in_dim3A_614, %add3A_615 : vector<16xi32>
        %get3A = arith.constant 3 : i32
        %get3A_617 = arith.index_cast %get3A : i32 to index
        %get3A_618 = arith.index_cast %add3A_613 : i32 to index
        %get3A_619 = arith.constant 0 : index
        %get3A_620 = tpu.vector_load %arg6[%get3A_617, %get3A_618, %get3A_619] {strides = array<i32>} : memref<4x128x32xf32, #tpu.memory_space<vmem>>, vector<16xf32>,
        %scatter3A = arith.constant 1 : i32
        %scatter3A_621 = arith.constant 0 : i32
        %scatter3A_622 = arith.constant 0 : i32
        %scatter3A_623 = tpu.memref_slice %arg7[%scatter3A, %scatter3A_621, %scatter3A_622] : memref<2x32x128xf32, #tpu.memory_space<vmem>> -> memref<1x32x128xf32, #tpu.memory_space<vmem>>
        %scatter3A_624 = tpu.memref_squeeze %scatter3A_623 : memref<1x32x128xf32, #tpu.memory_space<vmem>> -> memref<32x128xf32, #tpu.memory_space<vmem>>
        tpu.vector_store_idx %scatter3A_624[%iota3A, %add3A_616], %get3A_620 : memref<32x128xf32, #tpu.memory_space<vmem>>[vector<16xi32>, vector<16xi32>], vector<16xf32>,
        %get3A_625 = arith.constant 3 : i32
        %get3A_626 = arith.index_cast %get3A_625 : i32 to index
        %get3A_627 = arith.index_cast %add3A_613 : i32 to index
        %get3A_628 = arith.constant 16 : index
        %get3A_629 = tpu.vector_load %arg6[%get3A_626, %get3A_627, %get3A_628] {strides = array<i32>} : memref<4x128x32xf32, #tpu.memory_space<vmem>>, vector<16xf32>,
        %scatter3A_630 = arith.constant 1 : i32
        %scatter3A_631 = arith.constant 0 : i32
        %scatter3A_632 = arith.constant 0 : i32
        %scatter3A_633 = tpu.memref_slice %arg7[%scatter3A_630, %scatter3A_631, %scatter3A_632] : memref<2x32x128xf32, #tpu.memory_space<vmem>> -> memref<1x32x128xf32, #tpu.memory_space<vmem>>
        %scatter3A_634 = tpu.memref_squeeze %scatter3A_633 : memref<1x32x128xf32, #tpu.memory_space<vmem>> -> memref<32x128xf32, #tpu.memory_space<vmem>>
        tpu.vector_store_idx %scatter3A_634[%add3A_7, %add3A_616], %get3A_629 : memref<32x128xf32, #tpu.memory_space<vmem>>[vector<16xi32>, vector<16xi32>], vector<16xf32>,
        %mul3A_635 = arith.constant 8 : i32
        %mul3A_636 = arith.muli %scan3A_609, %mul3A_635 : i32
        %add3A_637 = arith.constant 1 : i32
        %add3A_638 = arith.addi %mul3A_636, %add3A_637 : i32
        %broadcast_in_dim3A_639 = arith.constant 0 : i32
        %broadcast_in_dim3A_640 = vector.broadcast %broadcast_in_dim3A_639 : i32 to vector<16xi32>
        %add3A_641 = vector.broadcast %add3A_638 : i32 to vector<16xi32>
        %add3A_642 = arith.addi %broadcast_in_dim3A_640, %add3A_641 : vector<16xi32>
        %get3A_643 = arith.constant 3 : i32
        %get3A_644 = arith.index_cast %get3A_643 : i32 to index
        %get3A_645 = arith.index_cast %add3A_638 : i32 to index
        %get3A_646 = arith.constant 0 : index
        %get3A_647 = tpu.vector_load %arg6[%get3A_644, %get3A_645, %get3A_646] {strides = array<i32>} : memref<4x128x32xf32, #tpu.memory_space<vmem>>, vector<16xf32>,
        %scatter3A_648 = arith.constant 1 : i32
        %scatter3A_649 = arith.constant 0 : i32
        %scatter3A_650 = arith.constant 0 : i32
        %scatter3A_651 = tpu.memref_slice %arg7[%scatter3A_648, %scatter3A_649, %scatter3A_650] : memref<2x32x128xf32, #tpu.memory_space<vmem>> -> memref<1x32x128xf32, #tpu.memory_space<vmem>>
        %scatter3A_652 = tpu.memref_squeeze %scatter3A_651 : memref<1x32x128xf32, #tpu.memory_space<vmem>> -> memref<32x128xf32, #tpu.memory_space<vmem>>
        tpu.vector_store_idx %scatter3A_652[%iota3A, %add3A_642], %get3A_647 : memref<32x128xf32, #tpu.memory_space<vmem>>[vector<16xi32>, vector<16xi32>], vector<16xf32>,
        %get3A_653 = arith.constant 3 : i32
        %get3A_654 = arith.index_cast %get3A_653 : i32 to index
        %get3A_655 = arith.index_cast %add3A_638 : i32 to index
        %get3A_656 = arith.constant 16 : index
        %get3A_657 = tpu.vector_load %arg6[%get3A_654, %get3A_655, %get3A_656] {strides = array<i32>} : memref<4x128x32xf32, #tpu.memory_space<vmem>>, vector<16xf32>,
        %scatter3A_658 = arith.constant 1 : i32
        %scatter3A_659 = arith.constant 0 : i32
        %scatter3A_660 = arith.constant 0 : i32
        %scatter3A_661 = tpu.memref_slice %arg7[%scatter3A_658, %scatter3A_659, %scatter3A_660] : memref<2x32x128xf32, #tpu.memory_space<vmem>> -> memref<1x32x128xf32, #tpu.memory_space<vmem>>
        %scatter3A_662 = tpu.memref_squeeze %scatter3A_661 : memref<1x32x128xf32, #tpu.memory_space<vmem>> -> memref<32x128xf32, #tpu.memory_space<vmem>>
        tpu.vector_store_idx %scatter3A_662[%add3A_7, %add3A_642], %get3A_657 : memref<32x128xf32, #tpu.memory_space<vmem>>[vector<16xi32>, vector<16xi32>], vector<16xf32>,
        %mul3A_663 = arith.constant 8 : i32
        %mul3A_664 = arith.muli %scan3A_609, %mul3A_663 : i32
        %add3A_665 = arith.constant 2 : i32
        %add3A_666 = arith.addi %mul3A_664, %add3A_665 : i32
        %broadcast_in_dim3A_667 = arith.constant 0 : i32
        %broadcast_in_dim3A_668 = vector.broadcast %broadcast_in_dim3A_667 : i32 to vector<16xi32>
        %add3A_669 = vector.broadcast %add3A_666 : i32 to vector<16xi32>
        %add3A_670 = arith.addi %broadcast_in_dim3A_668, %add3A_669 : vector<16xi32>
        %get3A_671 = arith.constant 3 : i32
        %get3A_672 = arith.index_cast %get3A_671 : i32 to index
        %get3A_673 = arith.index_cast %add3A_666 : i32 to index
        %get3A_674 = arith.constant 0 : index
        %get3A_675 = tpu.vector_load %arg6[%get3A_672, %get3A_673, %get3A_674] {strides = array<i32>} : memref<4x128x32xf32, #tpu.memory_space<vmem>>, vector<16xf32>,
        %scatter3A_676 = arith.constant 1 : i32
        %scatter3A_677 = arith.constant 0 : i32
        %scatter3A_678 = arith.constant 0 : i32
        %scatter3A_679 = tpu.memref_slice %arg7[%scatter3A_676, %scatter3A_677, %scatter3A_678] : memref<2x32x128xf32, #tpu.memory_space<vmem>> -> memref<1x32x128xf32, #tpu.memory_space<vmem>>
        %scatter3A_680 = tpu.memref_squeeze %scatter3A_679 : memref<1x32x128xf32, #tpu.memory_space<vmem>> -> memref<32x128xf32, #tpu.memory_space<vmem>>
        tpu.vector_store_idx %scatter3A_680[%iota3A, %add3A_670], %get3A_675 : memref<32x128xf32, #tpu.memory_space<vmem>>[vector<16xi32>, vector<16xi32>], vector<16xf32>,
        %get3A_681 = arith.constant 3 : i32
        %get3A_682 = arith.index_cast %get3A_681 : i32 to index
        %get3A_683 = arith.index_cast %add3A_666 : i32 to index
        %get3A_684 = arith.constant 16 : index
        %get3A_685 = tpu.vector_load %arg6[%get3A_682, %get3A_683, %get3A_684] {strides = array<i32>} : memref<4x128x32xf32, #tpu.memory_space<vmem>>, vector<16xf32>,
        %scatter3A_686 = arith.constant 1 : i32
        %scatter3A_687 = arith.constant 0 : i32
        %scatter3A_688 = arith.constant 0 : i32
        %scatter3A_689 = tpu.memref_slice %arg7[%scatter3A_686, %scatter3A_687, %scatter3A_688] : memref<2x32x128xf32, #tpu.memory_space<vmem>> -> memref<1x32x128xf32, #tpu.memory_space<vmem>>
        %scatter3A_690 = tpu.memref_squeeze %scatter3A_689 : memref<1x32x128xf32, #tpu.memory_space<vmem>> -> memref<32x128xf32, #tpu.memory_space<vmem>>
        tpu.vector_store_idx %scatter3A_690[%add3A_7, %add3A_670], %get3A_685 : memref<32x128xf32, #tpu.memory_space<vmem>>[vector<16xi32>, vector<16xi32>], vector<16xf32>,
        %mul3A_691 = arith.constant 8 : i32
        %mul3A_692 = arith.muli %scan3A_609, %mul3A_691 : i32
        %add3A_693 = arith.constant 3 : i32
        %add3A_694 = arith.addi %mul3A_692, %add3A_693 : i32
        %broadcast_in_dim3A_695 = arith.constant 0 : i32
        %broadcast_in_dim3A_696 = vector.broadcast %broadcast_in_dim3A_695 : i32 to vector<16xi32>
        %add3A_697 = vector.broadcast %add3A_694 : i32 to vector<16xi32>
        %add3A_698 = arith.addi %broadcast_in_dim3A_696, %add3A_697 : vector<16xi32>
        %get3A_699 = arith.constant 3 : i32
        %get3A_700 = arith.index_cast %get3A_699 : i32 to index
        %get3A_701 = arith.index_cast %add3A_694 : i32 to index
        %get3A_702 = arith.constant 0 : index
        %get3A_703 = tpu.vector_load %arg6[%get3A_700, %get3A_701, %get3A_702] {strides = array<i32>} : memref<4x128x32xf32, #tpu.memory_space<vmem>>, vector<16xf32>,
        %scatter3A_704 = arith.constant 1 : i32
        %scatter3A_705 = arith.constant 0 : i32
        %scatter3A_706 = arith.constant 0 : i32
        %scatter3A_707 = tpu.memref_slice %arg7[%scatter3A_704, %scatter3A_705, %scatter3A_706] : memref<2x32x128xf32, #tpu.memory_space<vmem>> -> memref<1x32x128xf32, #tpu.memory_space<vmem>>
        %scatter3A_708 = tpu.memref_squeeze %scatter3A_707 : memref<1x32x128xf32, #tpu.memory_space<vmem>> -> memref<32x128xf32, #tpu.memory_space<vmem>>
        tpu.vector_store_idx %scatter3A_708[%iota3A, %add3A_698], %get3A_703 : memref<32x128xf32, #tpu.memory_space<vmem>>[vector<16xi32>, vector<16xi32>], vector<16xf32>,
        %get3A_709 = arith.constant 3 : i32
        %get3A_710 = arith.index_cast %get3A_709 : i32 to index
        %get3A_711 = arith.index_cast %add3A_694 : i32 to index
        %get3A_712 = arith.constant 16 : index
        %get3A_713 = tpu.vector_load %arg6[%get3A_710, %get3A_711, %get3A_712] {strides = array<i32>} : memref<4x128x32xf32, #tpu.memory_space<vmem>>, vector<16xf32>,
        %scatter3A_714 = arith.constant 1 : i32
        %scatter3A_715 = arith.constant 0 : i32
        %scatter3A_716 = arith.constant 0 : i32
        %scatter3A_717 = tpu.memref_slice %arg7[%scatter3A_714, %scatter3A_715, %scatter3A_716] : memref<2x32x128xf32, #tpu.memory_space<vmem>> -> memref<1x32x128xf32, #tpu.memory_space<vmem>>
        %scatter3A_718 = tpu.memref_squeeze %scatter3A_717 : memref<1x32x128xf32, #tpu.memory_space<vmem>> -> memref<32x128xf32, #tpu.memory_space<vmem>>
        tpu.vector_store_idx %scatter3A_718[%add3A_7, %add3A_698], %get3A_713 : memref<32x128xf32, #tpu.memory_space<vmem>>[vector<16xi32>, vector<16xi32>], vector<16xf32>,
        %mul3A_719 = arith.constant 8 : i32
        %mul3A_720 = arith.muli %scan3A_609, %mul3A_719 : i32
        %add3A_721 = arith.constant 4 : i32
        %add3A_722 = arith.addi %mul3A_720, %add3A_721 : i32
        %broadcast_in_dim3A_723 = arith.constant 0 : i32
        %broadcast_in_dim3A_724 = vector.broadcast %broadcast_in_dim3A_723 : i32 to vector<16xi32>
        %add3A_725 = vector.broadcast %add3A_722 : i32 to vector<16xi32>
        %add3A_726 = arith.addi %broadcast_in_dim3A_724, %add3A_725 : vector<16xi32>
        %get3A_727 = arith.constant 3 : i32
        %get3A_728 = arith.index_cast %get3A_727 : i32 to index
        %get3A_729 = arith.index_cast %add3A_722 : i32 to index
        %get3A_730 = arith.constant 0 : index
        %get3A_731 = tpu.vector_load %arg6[%get3A_728, %get3A_729, %get3A_730] {strides = array<i32>} : memref<4x128x32xf32, #tpu.memory_space<vmem>>, vector<16xf32>,
        %scatter3A_732 = arith.constant 1 : i32
        %scatter3A_733 = arith.constant 0 : i32
        %scatter3A_734 = arith.constant 0 : i32
        %scatter3A_735 = tpu.memref_slice %arg7[%scatter3A_732, %scatter3A_733, %scatter3A_734] : memref<2x32x128xf32, #tpu.memory_space<vmem>> -> memref<1x32x128xf32, #tpu.memory_space<vmem>>
        %scatter3A_736 = tpu.memref_squeeze %scatter3A_735 : memref<1x32x128xf32, #tpu.memory_space<vmem>> -> memref<32x128xf32, #tpu.memory_space<vmem>>
        tpu.vector_store_idx %scatter3A_736[%iota3A, %add3A_726], %get3A_731 : memref<32x128xf32, #tpu.memory_space<vmem>>[vector<16xi32>, vector<16xi32>], vector<16xf32>,
        %get3A_737 = arith.constant 3 : i32
        %get3A_738 = arith.index_cast %get3A_737 : i32 to index
        %get3A_739 = arith.index_cast %add3A_722 : i32 to index
        %get3A_740 = arith.constant 16 : index
        %get3A_741 = tpu.vector_load %arg6[%get3A_738, %get3A_739, %get3A_740] {strides = array<i32>} : memref<4x128x32xf32, #tpu.memory_space<vmem>>, vector<16xf32>,
        %scatter3A_742 = arith.constant 1 : i32
        %scatter3A_743 = arith.constant 0 : i32
        %scatter3A_744 = arith.constant 0 : i32
        %scatter3A_745 = tpu.memref_slice %arg7[%scatter3A_742, %scatter3A_743, %scatter3A_744] : memref<2x32x128xf32, #tpu.memory_space<vmem>> -> memref<1x32x128xf32, #tpu.memory_space<vmem>>
        %scatter3A_746 = tpu.memref_squeeze %scatter3A_745 : memref<1x32x128xf32, #tpu.memory_space<vmem>> -> memref<32x128xf32, #tpu.memory_space<vmem>>
        tpu.vector_store_idx %scatter3A_746[%add3A_7, %add3A_726], %get3A_741 : memref<32x128xf32, #tpu.memory_space<vmem>>[vector<16xi32>, vector<16xi32>], vector<16xf32>,
        %mul3A_747 = arith.constant 8 : i32
        %mul3A_748 = arith.muli %scan3A_609, %mul3A_747 : i32
        %add3A_749 = arith.constant 5 : i32
        %add3A_750 = arith.addi %mul3A_748, %add3A_749 : i32
        %broadcast_in_dim3A_751 = arith.constant 0 : i32
        %broadcast_in_dim3A_752 = vector.broadcast %broadcast_in_dim3A_751 : i32 to vector<16xi32>
        %add3A_753 = vector.broadcast %add3A_750 : i32 to vector<16xi32>
        %add3A_754 = arith.addi %broadcast_in_dim3A_752, %add3A_753 : vector<16xi32>
        %get3A_755 = arith.constant 3 : i32
        %get3A_756 = arith.index_cast %get3A_755 : i32 to index
        %get3A_757 = arith.index_cast %add3A_750 : i32 to index
        %get3A_758 = arith.constant 0 : index
        %get3A_759 = tpu.vector_load %arg6[%get3A_756, %get3A_757, %get3A_758] {strides = array<i32>} : memref<4x128x32xf32, #tpu.memory_space<vmem>>, vector<16xf32>,
        %scatter3A_760 = arith.constant 1 : i32
        %scatter3A_761 = arith.constant 0 : i32
        %scatter3A_762 = arith.constant 0 : i32
        %scatter3A_763 = tpu.memref_slice %arg7[%scatter3A_760, %scatter3A_761, %scatter3A_762] : memref<2x32x128xf32, #tpu.memory_space<vmem>> -> memref<1x32x128xf32, #tpu.memory_space<vmem>>
        %scatter3A_764 = tpu.memref_squeeze %scatter3A_763 : memref<1x32x128xf32, #tpu.memory_space<vmem>> -> memref<32x128xf32, #tpu.memory_space<vmem>>
        tpu.vector_store_idx %scatter3A_764[%iota3A, %add3A_754], %get3A_759 : memref<32x128xf32, #tpu.memory_space<vmem>>[vector<16xi32>, vector<16xi32>], vector<16xf32>,
        %get3A_765 = arith.constant 3 : i32
        %get3A_766 = arith.index_cast %get3A_765 : i32 to index
        %get3A_767 = arith.index_cast %add3A_750 : i32 to index
        %get3A_768 = arith.constant 16 : index
        %get3A_769 = tpu.vector_load %arg6[%get3A_766, %get3A_767, %get3A_768] {strides = array<i32>} : memref<4x128x32xf32, #tpu.memory_space<vmem>>, vector<16xf32>,
        %scatter3A_770 = arith.constant 1 : i32
        %scatter3A_771 = arith.constant 0 : i32
        %scatter3A_772 = arith.constant 0 : i32
        %scatter3A_773 = tpu.memref_slice %arg7[%scatter3A_770, %scatter3A_771, %scatter3A_772] : memref<2x32x128xf32, #tpu.memory_space<vmem>> -> memref<1x32x128xf32, #tpu.memory_space<vmem>>
        %scatter3A_774 = tpu.memref_squeeze %scatter3A_773 : memref<1x32x128xf32, #tpu.memory_space<vmem>> -> memref<32x128xf32, #tpu.memory_space<vmem>>
        tpu.vector_store_idx %scatter3A_774[%add3A_7, %add3A_754], %get3A_769 : memref<32x128xf32, #tpu.memory_space<vmem>>[vector<16xi32>, vector<16xi32>], vector<16xf32>,
        %mul3A_775 = arith.constant 8 : i32
        %mul3A_776 = arith.muli %scan3A_609, %mul3A_775 : i32
        %add3A_777 = arith.constant 6 : i32
        %add3A_778 = arith.addi %mul3A_776, %add3A_777 : i32
        %broadcast_in_dim3A_779 = arith.constant 0 : i32
        %broadcast_in_dim3A_780 = vector.broadcast %broadcast_in_dim3A_779 : i32 to vector<16xi32>
        %add3A_781 = vector.broadcast %add3A_778 : i32 to vector<16xi32>
        %add3A_782 = arith.addi %broadcast_in_dim3A_780, %add3A_781 : vector<16xi32>
        %get3A_783 = arith.constant 3 : i32
        %get3A_784 = arith.index_cast %get3A_783 : i32 to index
        %get3A_785 = arith.index_cast %add3A_778 : i32 to index
        %get3A_786 = arith.constant 0 : index
        %get3A_787 = tpu.vector_load %arg6[%get3A_784, %get3A_785, %get3A_786] {strides = array<i32>} : memref<4x128x32xf32, #tpu.memory_space<vmem>>, vector<16xf32>,
        %scatter3A_788 = arith.constant 1 : i32
        %scatter3A_789 = arith.constant 0 : i32
        %scatter3A_790 = arith.constant 0 : i32
        %scatter3A_791 = tpu.memref_slice %arg7[%scatter3A_788, %scatter3A_789, %scatter3A_790] : memref<2x32x128xf32, #tpu.memory_space<vmem>> -> memref<1x32x128xf32, #tpu.memory_space<vmem>>
        %scatter3A_792 = tpu.memref_squeeze %scatter3A_791 : memref<1x32x128xf32, #tpu.memory_space<vmem>> -> memref<32x128xf32, #tpu.memory_space<vmem>>
        tpu.vector_store_idx %scatter3A_792[%iota3A, %add3A_782], %get3A_787 : memref<32x128xf32, #tpu.memory_space<vmem>>[vector<16xi32>, vector<16xi32>], vector<16xf32>,
        %get3A_793 = arith.constant 3 : i32
        %get3A_794 = arith.index_cast %get3A_793 : i32 to index
        %get3A_795 = arith.index_cast %add3A_778 : i32 to index
        %get3A_796 = arith.constant 16 : index
        %get3A_797 = tpu.vector_load %arg6[%get3A_794, %get3A_795, %get3A_796] {strides = array<i32>} : memref<4x128x32xf32, #tpu.memory_space<vmem>>, vector<16xf32>,
        %scatter3A_798 = arith.constant 1 : i32
        %scatter3A_799 = arith.constant 0 : i32
        %scatter3A_800 = arith.constant 0 : i32
        %scatter3A_801 = tpu.memref_slice %arg7[%scatter3A_798, %scatter3A_799, %scatter3A_800] : memref<2x32x128xf32, #tpu.memory_space<vmem>> -> memref<1x32x128xf32, #tpu.memory_space<vmem>>
        %scatter3A_802 = tpu.memref_squeeze %scatter3A_801 : memref<1x32x128xf32, #tpu.memory_space<vmem>> -> memref<32x128xf32, #tpu.memory_space<vmem>>
        tpu.vector_store_idx %scatter3A_802[%add3A_7, %add3A_782], %get3A_797 : memref<32x128xf32, #tpu.memory_space<vmem>>[vector<16xi32>, vector<16xi32>], vector<16xf32>,
        %mul3A_803 = arith.constant 8 : i32
        %mul3A_804 = arith.muli %scan3A_609, %mul3A_803 : i32
        %add3A_805 = arith.constant 7 : i32
        %add3A_806 = arith.addi %mul3A_804, %add3A_805 : i32
        %broadcast_in_dim3A_807 = arith.constant 0 : i32
        %broadcast_in_dim3A_808 = vector.broadcast %broadcast_in_dim3A_807 : i32 to vector<16xi32>
        %add3A_809 = vector.broadcast %add3A_806 : i32 to vector<16xi32>
        %add3A_810 = arith.addi %broadcast_in_dim3A_808, %add3A_809 : vector<16xi32>
        %get3A_811 = arith.constant 3 : i32
        %get3A_812 = arith.index_cast %get3A_811 : i32 to index
        %get3A_813 = arith.index_cast %add3A_806 : i32 to index
        %get3A_814 = arith.constant 0 : index
        %get3A_815 = tpu.vector_load %arg6[%get3A_812, %get3A_813, %get3A_814] {strides = array<i32>} : memref<4x128x32xf32, #tpu.memory_space<vmem>>, vector<16xf32>,
        %scatter3A_816 = arith.constant 1 : i32
        %scatter3A_817 = arith.constant 0 : i32
        %scatter3A_818 = arith.constant 0 : i32
        %scatter3A_819 = tpu.memref_slice %arg7[%scatter3A_816, %scatter3A_817, %scatter3A_818] : memref<2x32x128xf32, #tpu.memory_space<vmem>> -> memref<1x32x128xf32, #tpu.memory_space<vmem>>
        %scatter3A_820 = tpu.memref_squeeze %scatter3A_819 : memref<1x32x128xf32, #tpu.memory_space<vmem>> -> memref<32x128xf32, #tpu.memory_space<vmem>>
        tpu.vector_store_idx %scatter3A_820[%iota3A, %add3A_810], %get3A_815 : memref<32x128xf32, #tpu.memory_space<vmem>>[vector<16xi32>, vector<16xi32>], vector<16xf32>,
        %get3A_821 = arith.constant 3 : i32
        %get3A_822 = arith.index_cast %get3A_821 : i32 to index
        %get3A_823 = arith.index_cast %add3A_806 : i32 to index
        %get3A_824 = arith.constant 16 : index
        %get3A_825 = tpu.vector_load %arg6[%get3A_822, %get3A_823, %get3A_824] {strides = array<i32>} : memref<4x128x32xf32, #tpu.memory_space<vmem>>, vector<16xf32>,
        %scatter3A_826 = arith.constant 1 : i32
        %scatter3A_827 = arith.constant 0 : i32
        %scatter3A_828 = arith.constant 0 : i32
        %scatter3A_829 = tpu.memref_slice %arg7[%scatter3A_826, %scatter3A_827, %scatter3A_828] : memref<2x32x128xf32, #tpu.memory_space<vmem>> -> memref<1x32x128xf32, #tpu.memory_space<vmem>>
        %scatter3A_830 = tpu.memref_squeeze %scatter3A_829 : memref<1x32x128xf32, #tpu.memory_space<vmem>> -> memref<32x128xf32, #tpu.memory_space<vmem>>
        tpu.vector_store_idx %scatter3A_830[%add3A_7, %add3A_810], %get3A_825 : memref<32x128xf32, #tpu.memory_space<vmem>>[vector<16xi32>, vector<16xi32>], vector<16xf32>,
      }
      %scan3A_510 = arith.constant 16 : i32
      %add3A_511 = arith.addi %mul3A_4, %add3A_480 : i32
      %jit3A_512 = arith.constant 16 : i32
      %div3A_513 = arith.divsi %add3A_511, %jit3A_512 : i32
      %sign3A_514 = arith.constant 0 : i32
      %sign3A_515 = arith.cmpi sgt, %add3A_511, %sign3A_514 : i32
      %sign3A_516 = arith.extui %sign3A_515 : i1 to i32
      %sign3A_517 = arith.constant 0 : i32
      %sign3A_518 = arith.cmpi slt, %add3A_511, %sign3A_517 : i32
      %sign3A_519 = arith.extui %sign3A_518 : i1 to i32
      %sign3A_520 = arith.subi %sign3A_516, %sign3A_519 : i32
      %sign3A_521 = arith.constant 0 : i32
      %sign3A_522 = arith.cmpi sgt, %jit3A_512, %sign3A_521 : i32
      %sign3A_523 = arith.extui %sign3A_522 : i1 to i32
      %sign3A_524 = arith.constant 0 : i32
      %sign3A_525 = arith.cmpi slt, %jit3A_512, %sign3A_524 : i32
      %sign3A_526 = arith.extui %sign3A_525 : i1 to i32
      %sign3A_527 = arith.subi %sign3A_523, %sign3A_526 : i32
      %ne3A_528 = arith.cmpi ne, %sign3A_520, %sign3A_527 : i32
      %rem3A_529 = arith.remsi %add3A_511, %jit3A_512 : i32
      %ne3A_530 = arith.constant 0 : i32
      %ne3A_531 = arith.cmpi ne, %rem3A_529, %ne3A_530 : i32
      %and3A_532 = arith.andi %ne3A_528, %ne3A_531 : i1
      %sub3A_533 = arith.constant 1 : i32
      %sub3A_534 = arith.subi %div3A_513, %sub3A_533 : i32
      %select_n3A_535 = arith.select %and3A_532, %sub3A_534, %div3A_513 : i32
      %jit3A_536 = arith.constant 16 : i32
      %eq3A_537 = arith.constant 0 : i32
      %eq3A_538 = arith.cmpi eq, %jit3A_536, %eq3A_537 : i32
      %jit3A_539 = arith.constant 1 : i32
      %select_n3A_540 = arith.select %eq3A_538, %jit3A_539, %jit3A_536 : i32
      %rem3A_541 = arith.remsi %add3A_511, %select_n3A_540 : i32
      %ne3A_542 = arith.constant 0 : i32
      %ne3A_543 = arith.cmpi ne, %rem3A_541, %ne3A_542 : i32
      %lt3A_544 = arith.constant 0 : i32
      %lt3A_545 = arith.cmpi slt, %rem3A_541, %lt3A_544 : i32
      %lt3A_546 = arith.constant 0 : i32
      %lt3A_547 = arith.cmpi slt, %select_n3A_540, %lt3A_546 : i32
      %ne3A_548 = arith.xori %lt3A_545, %lt3A_547 : i1
      %and3A_549 = arith.andi %ne3A_548, %ne3A_543 : i1
      %add3A_550 = arith.addi %rem3A_541, %select_n3A_540 : i32
      %select_n3A_551 = arith.select %and3A_549, %add3A_550, %rem3A_541 : i32
      %jit3A_552 = arith.constant 8 : i32
      %div3A_553 = arith.divsi %select_n3A_551, %jit3A_552 : i32
      %sign3A_554 = arith.constant 0 : i32
      %sign3A_555 = arith.cmpi sgt, %select_n3A_551, %sign3A_554 : i32
      %sign3A_556 = arith.extui %sign3A_555 : i1 to i32
      %sign3A_557 = arith.constant 0 : i32
      %sign3A_558 = arith.cmpi slt, %select_n3A_551, %sign3A_557 : i32
      %sign3A_559 = arith.extui %sign3A_558 : i1 to i32
      %sign3A_560 = arith.subi %sign3A_556, %sign3A_559 : i32
      %sign3A_561 = arith.constant 0 : i32
      %sign3A_562 = arith.cmpi sgt, %jit3A_552, %sign3A_561 : i32
      %sign3A_563 = arith.extui %sign3A_562 : i1 to i32
      %sign3A_564 = arith.constant 0 : i32
      %sign3A_565 = arith.cmpi slt, %jit3A_552, %sign3A_564 : i32
      %sign3A_566 = arith.extui %sign3A_565 : i1 to i32
      %sign3A_567 = arith.subi %sign3A_563, %sign3A_566 : i32
      %ne3A_568 = arith.cmpi ne, %sign3A_560, %sign3A_567 : i32
      %rem3A_569 = arith.remsi %select_n3A_551, %jit3A_552 : i32
      %ne3A_570 = arith.constant 0 : i32
      %ne3A_571 = arith.cmpi ne, %rem3A_569, %ne3A_570 : i32
      %and3A_572 = arith.andi %ne3A_568, %ne3A_571 : i1
      %sub3A_573 = arith.constant 1 : i32
      %sub3A_574 = arith.subi %div3A_553, %sub3A_573 : i32
      %select_n3A_575 = arith.select %and3A_572, %sub3A_574, %div3A_553 : i32
      %jit3A_576 = arith.constant 8 : i32
      %eq3A_577 = arith.constant 0 : i32
      %eq3A_578 = arith.cmpi eq, %jit3A_576, %eq3A_577 : i32
      %jit3A_579 = arith.constant 1 : i32
      %select_n3A_580 = arith.select %eq3A_578, %jit3A_579, %jit3A_576 : i32
      %rem3A_581 = arith.remsi %select_n3A_551, %select_n3A_580 : i32
      %ne3A_582 = arith.constant 0 : i32
      %ne3A_583 = arith.cmpi ne, %rem3A_581, %ne3A_582 : i32
      %lt3A_584 = arith.constant 0 : i32
      %lt3A_585 = arith.cmpi slt, %rem3A_581, %lt3A_584 : i32
      %lt3A_586 = arith.constant 0 : i32
      %lt3A_587 = arith.cmpi slt, %select_n3A_580, %lt3A_586 : i32
      %ne3A_588 = arith.xori %lt3A_585, %lt3A_587 : i1
      %and3A_589 = arith.andi %ne3A_588, %ne3A_583 : i1
      %add3A_590 = arith.addi %rem3A_581, %select_n3A_580 : i32
      %select_n3A_591 = arith.select %and3A_589, %add3A_590, %rem3A_581 : i32
      %mul3A_592 = arith.constant 128 : i32
      %mul3A_593 = arith.muli %select_n3A_591, %mul3A_592 : i32
      %dma_start3A_594 = arith.constant 1 : i32
      %dma_start3A_595 = arith.constant 0 : i32
      %dma_start3A_596 = arith.constant 0 : i32
      %dma_start3A_597 = tpu.memref_slice %arg7[%dma_start3A_594, %dma_start3A_595, %dma_start3A_596] : memref<2x32x128xf32, #tpu.memory_space<vmem>> -> memref<1x32x128xf32, #tpu.memory_space<vmem>>
      %dma_start3A_598 = tpu.memref_squeeze %dma_start3A_597 : memref<1x32x128xf32, #tpu.memory_space<vmem>> -> memref<32x128xf32, #tpu.memory_space<vmem>>
      %dma_start3A_599 = arith.constant 0 : i32
      %dma_start3A_600 = tpu.memref_slice %arg4[%select_n3A_535, %select_n3A_575, %dma_start3A_599, %mul3A_593] : memref<200x2x32x1024xf32, #tpu.memory_space<hbm>> -> memref<1x1x32x128xf32, #tpu.memory_space<hbm>>
      %dma_start3A_601 = tpu.memref_squeeze %dma_start3A_600 : memref<1x1x32x128xf32, #tpu.memory_space<hbm>> -> memref<32x128xf32, #tpu.memory_space<hbm>>
      %dma_start3A_602 = arith.constant 0 : i32
      %dma_start3A_603 = tpu.memref_slice %arg4[%select_n3A_535, %select_n3A_575, %dma_start3A_602, %mul3A_593] : memref<200x2x32x1024xf32, #tpu.memory_space<hbm>> -> memref<1x1x32x128xf32, #tpu.memory_space<hbm>>
      %dma_start3A_604 = tpu.memref_squeeze %dma_start3A_603 : memref<1x1x32x128xf32, #tpu.memory_space<hbm>> -> memref<32x128xf32, #tpu.memory_space<hbm>>
      %dma_start3A_605 = arith.constant 0 : i32
      %dma_start3A_606 = arith.constant 0 : i32
      %dma_start3A_607 = tpu.memref_slice %arg7[%dma_start3A_594, %dma_start3A_605, %dma_start3A_606] : memref<2x32x128xf32, #tpu.memory_space<vmem>> -> memref<1x32x128xf32, #tpu.memory_space<vmem>>
      %dma_start3A_608 = tpu.memref_squeeze %dma_start3A_607 : memref<1x32x128xf32, #tpu.memory_space<vmem>> -> memref<32x128xf32, #tpu.memory_space<vmem>>
      tpu.enqueue_dma source(%dma_start3A_608 : memref<32x128xf32, #tpu.memory_space<vmem>>) target(%dma_start3A_604 : memref<32x128xf32, #tpu.memory_space<hbm>>) target_semaphore(%arg13 : memref<!tpu.dma_semaphore, #tpu.memory_space<semaphore_mem>>)
    }
    %scan3A_55 = arith.constant 25 : i32
    %dma_wait3A = arith.constant 0 : i32
    %dma_wait3A_56 = arith.constant 0 : i32
    %dma_wait3A_57 = arith.constant 0 : i32
    %dma_wait3A_58 = arith.constant 0 : i32
    %dma_wait3A_59 = arith.constant 0 : i32
    %dma_wait3A_60 = tpu.memref_slice %arg7[%dma_wait3A, %dma_wait3A_58, %dma_wait3A_59] : memref<2x32x128xf32, #tpu.memory_space<vmem>> -> memref<1x32x128xf32, #tpu.memory_space<vmem>>
    %dma_wait3A_61 = tpu.memref_squeeze %dma_wait3A_60 : memref<1x32x128xf32, #tpu.memory_space<vmem>> -> memref<32x128xf32, #tpu.memory_space<vmem>>
    %dma_wait3A_62 = arith.constant 0 : i32
    %dma_wait3A_63 = arith.constant 0 : i32
    %dma_wait3A_64 = tpu.memref_slice %arg4[%dma_wait3A_56, %dma_wait3A_57, %dma_wait3A_62, %dma_wait3A_63] : memref<200x2x32x1024xf32, #tpu.memory_space<hbm>> -> memref<1x1x32x128xf32, #tpu.memory_space<hbm>>
    %dma_wait3A_65 = tpu.memref_squeeze %dma_wait3A_64 : memref<1x1x32x128xf32, #tpu.memory_space<hbm>> -> memref<32x128xf32, #tpu.memory_space<hbm>>
    %dma_wait3A_66 = arith.constant 0 : i32
    %dma_wait3A_67 = arith.constant 0 : i32
    %dma_wait3A_68 = tpu.memref_slice %arg4[%dma_wait3A_56, %dma_wait3A_57, %dma_wait3A_66, %dma_wait3A_67] : memref<200x2x32x1024xf32, #tpu.memory_space<hbm>> -> memref<1x1x32x128xf32, #tpu.memory_space<hbm>>
    %dma_wait3A_69 = tpu.memref_squeeze %dma_wait3A_68 : memref<1x1x32x128xf32, #tpu.memory_space<hbm>> -> memref<32x128xf32, #tpu.memory_space<hbm>>
    %dma_wait3A_70 = arith.constant 0 : i32
    %dma_wait3A_71 = arith.constant 0 : i32
    %dma_wait3A_72 = tpu.memref_slice %arg7[%dma_wait3A, %dma_wait3A_70, %dma_wait3A_71] : memref<2x32x128xf32, #tpu.memory_space<vmem>> -> memref<1x32x128xf32, #tpu.memory_space<vmem>>
    %dma_wait3A_73 = tpu.memref_squeeze %dma_wait3A_72 : memref<1x32x128xf32, #tpu.memory_space<vmem>> -> memref<32x128xf32, #tpu.memory_space<vmem>>
    tpu.wait_dma2 semaphore(%arg12 : memref<!tpu.dma_semaphore, #tpu.memory_space<semaphore_mem>>) src(%dma_wait3A_73 : memref<32x128xf32, #tpu.memory_space<vmem>>) dst(%dma_wait3A_69 : memref<32x128xf32, #tpu.memory_space<hbm>>)
    %dma_wait3A_74 = arith.constant 1 : i32
    %dma_wait3A_75 = arith.constant 0 : i32
    %dma_wait3A_76 = arith.constant 0 : i32
    %dma_wait3A_77 = arith.constant 0 : i32
    %dma_wait3A_78 = arith.constant 0 : i32
    %dma_wait3A_79 = tpu.memref_slice %arg7[%dma_wait3A_74, %dma_wait3A_77, %dma_wait3A_78] : memref<2x32x128xf32, #tpu.memory_space<vmem>> -> memref<1x32x128xf32, #tpu.memory_space<vmem>>
    %dma_wait3A_80 = tpu.memref_squeeze %dma_wait3A_79 : memref<1x32x128xf32, #tpu.memory_space<vmem>> -> memref<32x128xf32, #tpu.memory_space<vmem>>
    %dma_wait3A_81 = arith.constant 0 : i32
    %dma_wait3A_82 = arith.constant 0 : i32
    %dma_wait3A_83 = tpu.memref_slice %arg4[%dma_wait3A_75, %dma_wait3A_76, %dma_wait3A_81, %dma_wait3A_82] : memref<200x2x32x1024xf32, #tpu.memory_space<hbm>> -> memref<1x1x32x128xf32, #tpu.memory_space<hbm>>
    %dma_wait3A_84 = tpu.memref_squeeze %dma_wait3A_83 : memref<1x1x32x128xf32, #tpu.memory_space<hbm>> -> memref<32x128xf32, #tpu.memory_space<hbm>>
    %dma_wait3A_85 = arith.constant 0 : i32
    %dma_wait3A_86 = arith.constant 0 : i32
    %dma_wait3A_87 = tpu.memref_slice %arg4[%dma_wait3A_75, %dma_wait3A_76, %dma_wait3A_85, %dma_wait3A_86] : memref<200x2x32x1024xf32, #tpu.memory_space<hbm>> -> memref<1x1x32x128xf32, #tpu.memory_space<hbm>>
    %dma_wait3A_88 = tpu.memref_squeeze %dma_wait3A_87 : memref<1x1x32x128xf32, #tpu.memory_space<hbm>> -> memref<32x128xf32, #tpu.memory_space<hbm>>
    %dma_wait3A_89 = arith.constant 0 : i32
    %dma_wait3A_90 = arith.constant 0 : i32
    %dma_wait3A_91 = tpu.memref_slice %arg7[%dma_wait3A_74, %dma_wait3A_89, %dma_wait3A_90] : memref<2x32x128xf32, #tpu.memory_space<vmem>> -> memref<1x32x128xf32, #tpu.memory_space<vmem>>
    %dma_wait3A_92 = tpu.memref_squeeze %dma_wait3A_91 : memref<1x32x128xf32, #tpu.memory_space<vmem>> -> memref<32x128xf32, #tpu.memory_space<vmem>>
    tpu.wait_dma2 semaphore(%arg13 : memref<!tpu.dma_semaphore, #tpu.memory_space<semaphore_mem>>) src(%dma_wait3A_92 : memref<32x128xf32, #tpu.memory_space<vmem>>) dst(%dma_wait3A_88 : memref<32x128xf32, #tpu.memory_space<hbm>>)
    return
  }
}

module attributes {stable_mosaic.version = 14 : i64} {
  func.func @body(%arg0: i32, %arg1: memref<1x4x1024xf32, #tpu.memory_space<vmem>>, %arg2: memref<1x3x1024xf32, #tpu.memory_space<vmem>>, %arg3: memref<1x2x32x1024xf32, #tpu.memory_space<vmem>>, %arg4: memref<4x32x1xf32, #tpu.memory_space<vmem>>, %arg5: memref<4x32x1xf32, #tpu.memory_space<vmem>>, %arg6: memref<3x32x1xf32, #tpu.memory_space<vmem>>, %arg7: memref<3x32x1xf32, #tpu.memory_space<vmem>>, %arg8: memref<1x6x32x1024xf32, #tpu.memory_space<vmem>>, %arg9: memref<1x3x32x1024xf32, #tpu.memory_space<vmem>>) attributes {dimension_semantics = [#tpu.dimension_semantics<parallel>], iteration_bounds = array<i64: 200>, scalar_prefetch = 0 : i64, scratch_operands = 0 : i64, tpu.core_type = #tpu.core_type<tc>, window_params = [{transform_indices = @transform_0, window_bounds = array<i64: 1, 4, 1024>}, {transform_indices = @transform_1, window_bounds = array<i64: 1, 3, 1024>}, {transform_indices = @transform_2, window_bounds = array<i64: 1, 2, 32, 1024>}, {pipeline_mode = #tpu.pipeline_mode<synchronous>, transform_indices = @transform_3, window_bounds = array<i64: 4, 32, 1>}, {pipeline_mode = #tpu.pipeline_mode<synchronous>, transform_indices = @transform_4, window_bounds = array<i64: 4, 32, 1>}, {pipeline_mode = #tpu.pipeline_mode<synchronous>, transform_indices = @transform_5, window_bounds = array<i64: 3, 32, 1>}, {pipeline_mode = #tpu.pipeline_mode<synchronous>, transform_indices = @transform_6, window_bounds = array<i64: 3, 32, 1>}, {transform_indices = @transform_7, window_bounds = array<i64: 1, 6, 32, 1024>}, {transform_indices = @transform_8, window_bounds = array<i64: 1, 3, 32, 1024>}]} {
    %get3A = arith.constant 0 : index
    %get3A_0 = arith.constant 0 : index
    %get3A_1 = arith.constant 0 : index
    %get3A_2 = vector.load %arg4[%get3A, %get3A_0, %get3A_1] : memref<4x32x1xf32, #tpu.memory_space<vmem>>, vector<1x32x1xf32>
    %get3A_3 = vector.shape_cast %get3A_2 : vector<1x32x1xf32> to vector<32x1xf32>
    %get3A_4 = arith.constant 0 : index
    %get3A_5 = arith.constant 0 : index
    %get3A_6 = arith.constant 0 : index
    %get3A_7 = vector.load %arg1[%get3A_4, %get3A_5, %get3A_6] : memref<1x4x1024xf32, #tpu.memory_space<vmem>>, vector<1x1x1024xf32>
    %get3A_8 = vector.shape_cast %get3A_7 : vector<1x1x1024xf32> to vector<1024xf32>
    %broadcast_in_dim3A = vector.shape_cast %get3A_8 : vector<1024xf32> to vector<1x1024xf32>
    %mul3A = vector.broadcast %get3A_3 : vector<32x1xf32> to vector<32x1024xf32>
    %mul3A_9 = vector.broadcast %broadcast_in_dim3A : vector<1x1024xf32> to vector<32x1024xf32>
    %mul3A_10 = arith.mulf %mul3A, %mul3A_9 : vector<32x1024xf32>
    %get3A_11 = arith.constant 0 : index
    %get3A_12 = arith.constant 0 : index
    %get3A_13 = arith.constant 0 : index
    %get3A_14 = vector.load %arg5[%get3A_11, %get3A_12, %get3A_13] : memref<4x32x1xf32, #tpu.memory_space<vmem>>, vector<1x32x1xf32>
    %get3A_15 = vector.shape_cast %get3A_14 : vector<1x32x1xf32> to vector<32x1xf32>
    %add3A = vector.broadcast %get3A_15 : vector<32x1xf32> to vector<32x1024xf32>
    %add3A_16 = arith.addf %mul3A_10, %add3A : vector<32x1024xf32>
    %swap3A = arith.constant 0 : index
    %swap3A_17 = arith.constant 0 : index
    %swap3A_18 = arith.constant 0 : index
    %swap3A_19 = arith.constant 0 : index
    %swap3A_20 = vector.load %arg8[%swap3A, %swap3A_17, %swap3A_18, %swap3A_19] : memref<1x6x32x1024xf32, #tpu.memory_space<vmem>>, vector<1x1x32x1024xf32>
    %swap3A_21 = vector.shape_cast %swap3A_20 : vector<1x1x32x1024xf32> to vector<32x1024xf32>
    %swap3A_22 = vector.shape_cast %add3A_16 : vector<32x1024xf32> to vector<1x1x32x1024xf32>
    tpu.vector_store %arg8[%swap3A, %swap3A_17, %swap3A_18, %swap3A_19], %swap3A_22 {strides = array<i32>} : memref<1x6x32x1024xf32, #tpu.memory_space<vmem>>, vector<1x1x32x1024xf32>,
    %get3A_23 = arith.constant 1 : index
    %get3A_24 = arith.constant 0 : index
    %get3A_25 = arith.constant 0 : index
    %get3A_26 = vector.load %arg4[%get3A_23, %get3A_24, %get3A_25] : memref<4x32x1xf32, #tpu.memory_space<vmem>>, vector<1x32x1xf32>
    %get3A_27 = vector.shape_cast %get3A_26 : vector<1x32x1xf32> to vector<32x1xf32>
    %get3A_28 = arith.constant 0 : index
    %get3A_29 = arith.constant 1 : index
    %get3A_30 = arith.constant 0 : index
    %get3A_31 = vector.load %arg1[%get3A_28, %get3A_29, %get3A_30] : memref<1x4x1024xf32, #tpu.memory_space<vmem>>, vector<1x1x1024xf32>
    %get3A_32 = vector.shape_cast %get3A_31 : vector<1x1x1024xf32> to vector<1024xf32>
    %broadcast_in_dim3A_33 = vector.shape_cast %get3A_32 : vector<1024xf32> to vector<1x1024xf32>
    %mul3A_34 = vector.broadcast %get3A_27 : vector<32x1xf32> to vector<32x1024xf32>
    %mul3A_35 = vector.broadcast %broadcast_in_dim3A_33 : vector<1x1024xf32> to vector<32x1024xf32>
    %mul3A_36 = arith.mulf %mul3A_34, %mul3A_35 : vector<32x1024xf32>
    %get3A_37 = arith.constant 1 : index
    %get3A_38 = arith.constant 0 : index
    %get3A_39 = arith.constant 0 : index
    %get3A_40 = vector.load %arg5[%get3A_37, %get3A_38, %get3A_39] : memref<4x32x1xf32, #tpu.memory_space<vmem>>, vector<1x32x1xf32>
    %get3A_41 = vector.shape_cast %get3A_40 : vector<1x32x1xf32> to vector<32x1xf32>
    %add3A_42 = vector.broadcast %get3A_41 : vector<32x1xf32> to vector<32x1024xf32>
    %add3A_43 = arith.addf %mul3A_36, %add3A_42 : vector<32x1024xf32>
    %swap3A_44 = arith.constant 0 : index
    %swap3A_45 = arith.constant 1 : index
    %swap3A_46 = arith.constant 0 : index
    %swap3A_47 = arith.constant 0 : index
    %swap3A_48 = vector.load %arg8[%swap3A_44, %swap3A_45, %swap3A_46, %swap3A_47] : memref<1x6x32x1024xf32, #tpu.memory_space<vmem>>, vector<1x1x32x1024xf32>
    %swap3A_49 = vector.shape_cast %swap3A_48 : vector<1x1x32x1024xf32> to vector<32x1024xf32>
    %swap3A_50 = vector.shape_cast %add3A_43 : vector<32x1024xf32> to vector<1x1x32x1024xf32>
    tpu.vector_store %arg8[%swap3A_44, %swap3A_45, %swap3A_46, %swap3A_47], %swap3A_50 {strides = array<i32>} : memref<1x6x32x1024xf32, #tpu.memory_space<vmem>>, vector<1x1x32x1024xf32>,
    %get3A_51 = arith.constant 2 : index
    %get3A_52 = arith.constant 0 : index
    %get3A_53 = arith.constant 0 : index
    %get3A_54 = vector.load %arg4[%get3A_51, %get3A_52, %get3A_53] : memref<4x32x1xf32, #tpu.memory_space<vmem>>, vector<1x32x1xf32>
    %get3A_55 = vector.shape_cast %get3A_54 : vector<1x32x1xf32> to vector<32x1xf32>
    %get3A_56 = arith.constant 0 : index
    %get3A_57 = arith.constant 2 : index
    %get3A_58 = arith.constant 0 : index
    %get3A_59 = vector.load %arg1[%get3A_56, %get3A_57, %get3A_58] : memref<1x4x1024xf32, #tpu.memory_space<vmem>>, vector<1x1x1024xf32>
    %get3A_60 = vector.shape_cast %get3A_59 : vector<1x1x1024xf32> to vector<1024xf32>
    %broadcast_in_dim3A_61 = vector.shape_cast %get3A_60 : vector<1024xf32> to vector<1x1024xf32>
    %mul3A_62 = vector.broadcast %get3A_55 : vector<32x1xf32> to vector<32x1024xf32>
    %mul3A_63 = vector.broadcast %broadcast_in_dim3A_61 : vector<1x1024xf32> to vector<32x1024xf32>
    %mul3A_64 = arith.mulf %mul3A_62, %mul3A_63 : vector<32x1024xf32>
    %get3A_65 = arith.constant 2 : index
    %get3A_66 = arith.constant 0 : index
    %get3A_67 = arith.constant 0 : index
    %get3A_68 = vector.load %arg5[%get3A_65, %get3A_66, %get3A_67] : memref<4x32x1xf32, #tpu.memory_space<vmem>>, vector<1x32x1xf32>
    %get3A_69 = vector.shape_cast %get3A_68 : vector<1x32x1xf32> to vector<32x1xf32>
    %add3A_70 = vector.broadcast %get3A_69 : vector<32x1xf32> to vector<32x1024xf32>
    %add3A_71 = arith.addf %mul3A_64, %add3A_70 : vector<32x1024xf32>
    %swap3A_72 = arith.constant 0 : index
    %swap3A_73 = arith.constant 2 : index
    %swap3A_74 = arith.constant 0 : index
    %swap3A_75 = arith.constant 0 : index
    %swap3A_76 = vector.load %arg8[%swap3A_72, %swap3A_73, %swap3A_74, %swap3A_75] : memref<1x6x32x1024xf32, #tpu.memory_space<vmem>>, vector<1x1x32x1024xf32>
    %swap3A_77 = vector.shape_cast %swap3A_76 : vector<1x1x32x1024xf32> to vector<32x1024xf32>
    %swap3A_78 = vector.shape_cast %add3A_71 : vector<32x1024xf32> to vector<1x1x32x1024xf32>
    tpu.vector_store %arg8[%swap3A_72, %swap3A_73, %swap3A_74, %swap3A_75], %swap3A_78 {strides = array<i32>} : memref<1x6x32x1024xf32, #tpu.memory_space<vmem>>, vector<1x1x32x1024xf32>,
    %get3A_79 = arith.constant 3 : index
    %get3A_80 = arith.constant 0 : index
    %get3A_81 = arith.constant 0 : index
    %get3A_82 = vector.load %arg4[%get3A_79, %get3A_80, %get3A_81] : memref<4x32x1xf32, #tpu.memory_space<vmem>>, vector<1x32x1xf32>
    %get3A_83 = vector.shape_cast %get3A_82 : vector<1x32x1xf32> to vector<32x1xf32>
    %get3A_84 = arith.constant 0 : index
    %get3A_85 = arith.constant 3 : index
    %get3A_86 = arith.constant 0 : index
    %get3A_87 = vector.load %arg1[%get3A_84, %get3A_85, %get3A_86] : memref<1x4x1024xf32, #tpu.memory_space<vmem>>, vector<1x1x1024xf32>
    %get3A_88 = vector.shape_cast %get3A_87 : vector<1x1x1024xf32> to vector<1024xf32>
    %broadcast_in_dim3A_89 = vector.shape_cast %get3A_88 : vector<1024xf32> to vector<1x1024xf32>
    %mul3A_90 = vector.broadcast %get3A_83 : vector<32x1xf32> to vector<32x1024xf32>
    %mul3A_91 = vector.broadcast %broadcast_in_dim3A_89 : vector<1x1024xf32> to vector<32x1024xf32>
    %mul3A_92 = arith.mulf %mul3A_90, %mul3A_91 : vector<32x1024xf32>
    %get3A_93 = arith.constant 3 : index
    %get3A_94 = arith.constant 0 : index
    %get3A_95 = arith.constant 0 : index
    %get3A_96 = vector.load %arg5[%get3A_93, %get3A_94, %get3A_95] : memref<4x32x1xf32, #tpu.memory_space<vmem>>, vector<1x32x1xf32>
    %get3A_97 = vector.shape_cast %get3A_96 : vector<1x32x1xf32> to vector<32x1xf32>
    %add3A_98 = vector.broadcast %get3A_97 : vector<32x1xf32> to vector<32x1024xf32>
    %add3A_99 = arith.addf %mul3A_92, %add3A_98 : vector<32x1024xf32>
    %swap3A_100 = arith.constant 0 : index
    %swap3A_101 = arith.constant 3 : index
    %swap3A_102 = arith.constant 0 : index
    %swap3A_103 = arith.constant 0 : index
    %swap3A_104 = vector.load %arg8[%swap3A_100, %swap3A_101, %swap3A_102, %swap3A_103] : memref<1x6x32x1024xf32, #tpu.memory_space<vmem>>, vector<1x1x32x1024xf32>
    %swap3A_105 = vector.shape_cast %swap3A_104 : vector<1x1x32x1024xf32> to vector<32x1024xf32>
    %swap3A_106 = vector.shape_cast %add3A_99 : vector<32x1024xf32> to vector<1x1x32x1024xf32>
    tpu.vector_store %arg8[%swap3A_100, %swap3A_101, %swap3A_102, %swap3A_103], %swap3A_106 {strides = array<i32>} : memref<1x6x32x1024xf32, #tpu.memory_space<vmem>>, vector<1x1x32x1024xf32>,
    %get3A_107 = arith.constant 0 : index
    %get3A_108 = arith.constant 0 : index
    %get3A_109 = arith.constant 0 : index
    %get3A_110 = vector.load %arg6[%get3A_107, %get3A_108, %get3A_109] : memref<3x32x1xf32, #tpu.memory_space<vmem>>, vector<1x32x1xf32>
    %get3A_111 = vector.shape_cast %get3A_110 : vector<1x32x1xf32> to vector<32x1xf32>
    %get3A_112 = arith.constant 0 : index
    %get3A_113 = arith.constant 0 : index
    %get3A_114 = arith.constant 0 : index
    %get3A_115 = vector.load %arg2[%get3A_112, %get3A_113, %get3A_114] : memref<1x3x1024xf32, #tpu.memory_space<vmem>>, vector<1x1x1024xf32>
    %get3A_116 = vector.shape_cast %get3A_115 : vector<1x1x1024xf32> to vector<1024xf32>
    %broadcast_in_dim3A_117 = vector.shape_cast %get3A_116 : vector<1024xf32> to vector<1x1024xf32>
    %mul3A_118 = vector.broadcast %get3A_111 : vector<32x1xf32> to vector<32x1024xf32>
    %mul3A_119 = vector.broadcast %broadcast_in_dim3A_117 : vector<1x1024xf32> to vector<32x1024xf32>
    %mul3A_120 = arith.mulf %mul3A_118, %mul3A_119 : vector<32x1024xf32>
    %get3A_121 = arith.constant 0 : index
    %get3A_122 = arith.constant 0 : index
    %get3A_123 = arith.constant 0 : index
    %get3A_124 = vector.load %arg7[%get3A_121, %get3A_122, %get3A_123] : memref<3x32x1xf32, #tpu.memory_space<vmem>>, vector<1x32x1xf32>
    %get3A_125 = vector.shape_cast %get3A_124 : vector<1x32x1xf32> to vector<32x1xf32>
    %add3A_126 = vector.broadcast %get3A_125 : vector<32x1xf32> to vector<32x1024xf32>
    %add3A_127 = arith.addf %mul3A_120, %add3A_126 : vector<32x1024xf32>
    %swap3A_128 = arith.constant 0 : index
    %swap3A_129 = arith.constant 0 : index
    %swap3A_130 = arith.constant 0 : index
    %swap3A_131 = arith.constant 0 : index
    %swap3A_132 = vector.load %arg9[%swap3A_128, %swap3A_129, %swap3A_130, %swap3A_131] : memref<1x3x32x1024xf32, #tpu.memory_space<vmem>>, vector<1x1x32x1024xf32>
    %swap3A_133 = vector.shape_cast %swap3A_132 : vector<1x1x32x1024xf32> to vector<32x1024xf32>
    %swap3A_134 = vector.shape_cast %add3A_127 : vector<32x1024xf32> to vector<1x1x32x1024xf32>
    tpu.vector_store %arg9[%swap3A_128, %swap3A_129, %swap3A_130, %swap3A_131], %swap3A_134 {strides = array<i32>} : memref<1x3x32x1024xf32, #tpu.memory_space<vmem>>, vector<1x1x32x1024xf32>,
    %get3A_135 = arith.constant 1 : index
    %get3A_136 = arith.constant 0 : index
    %get3A_137 = arith.constant 0 : index
    %get3A_138 = vector.load %arg6[%get3A_135, %get3A_136, %get3A_137] : memref<3x32x1xf32, #tpu.memory_space<vmem>>, vector<1x32x1xf32>
    %get3A_139 = vector.shape_cast %get3A_138 : vector<1x32x1xf32> to vector<32x1xf32>
    %get3A_140 = arith.constant 0 : index
    %get3A_141 = arith.constant 1 : index
    %get3A_142 = arith.constant 0 : index
    %get3A_143 = vector.load %arg2[%get3A_140, %get3A_141, %get3A_142] : memref<1x3x1024xf32, #tpu.memory_space<vmem>>, vector<1x1x1024xf32>
    %get3A_144 = vector.shape_cast %get3A_143 : vector<1x1x1024xf32> to vector<1024xf32>
    %broadcast_in_dim3A_145 = vector.shape_cast %get3A_144 : vector<1024xf32> to vector<1x1024xf32>
    %mul3A_146 = vector.broadcast %get3A_139 : vector<32x1xf32> to vector<32x1024xf32>
    %mul3A_147 = vector.broadcast %broadcast_in_dim3A_145 : vector<1x1024xf32> to vector<32x1024xf32>
    %mul3A_148 = arith.mulf %mul3A_146, %mul3A_147 : vector<32x1024xf32>
    %get3A_149 = arith.constant 1 : index
    %get3A_150 = arith.constant 0 : index
    %get3A_151 = arith.constant 0 : index
    %get3A_152 = vector.load %arg7[%get3A_149, %get3A_150, %get3A_151] : memref<3x32x1xf32, #tpu.memory_space<vmem>>, vector<1x32x1xf32>
    %get3A_153 = vector.shape_cast %get3A_152 : vector<1x32x1xf32> to vector<32x1xf32>
    %add3A_154 = vector.broadcast %get3A_153 : vector<32x1xf32> to vector<32x1024xf32>
    %add3A_155 = arith.addf %mul3A_148, %add3A_154 : vector<32x1024xf32>
    %swap3A_156 = arith.constant 0 : index
    %swap3A_157 = arith.constant 1 : index
    %swap3A_158 = arith.constant 0 : index
    %swap3A_159 = arith.constant 0 : index
    %swap3A_160 = vector.load %arg9[%swap3A_156, %swap3A_157, %swap3A_158, %swap3A_159] : memref<1x3x32x1024xf32, #tpu.memory_space<vmem>>, vector<1x1x32x1024xf32>
    %swap3A_161 = vector.shape_cast %swap3A_160 : vector<1x1x32x1024xf32> to vector<32x1024xf32>
    %swap3A_162 = vector.shape_cast %add3A_155 : vector<32x1024xf32> to vector<1x1x32x1024xf32>
    tpu.vector_store %arg9[%swap3A_156, %swap3A_157, %swap3A_158, %swap3A_159], %swap3A_162 {strides = array<i32>} : memref<1x3x32x1024xf32, #tpu.memory_space<vmem>>, vector<1x1x32x1024xf32>,
    %get3A_163 = arith.constant 2 : index
    %get3A_164 = arith.constant 0 : index
    %get3A_165 = arith.constant 0 : index
    %get3A_166 = vector.load %arg6[%get3A_163, %get3A_164, %get3A_165] : memref<3x32x1xf32, #tpu.memory_space<vmem>>, vector<1x32x1xf32>
    %get3A_167 = vector.shape_cast %get3A_166 : vector<1x32x1xf32> to vector<32x1xf32>
    %get3A_168 = arith.constant 0 : index
    %get3A_169 = arith.constant 2 : index
    %get3A_170 = arith.constant 0 : index
    %get3A_171 = vector.load %arg2[%get3A_168, %get3A_169, %get3A_170] : memref<1x3x1024xf32, #tpu.memory_space<vmem>>, vector<1x1x1024xf32>
    %get3A_172 = vector.shape_cast %get3A_171 : vector<1x1x1024xf32> to vector<1024xf32>
    %broadcast_in_dim3A_173 = vector.shape_cast %get3A_172 : vector<1024xf32> to vector<1x1024xf32>
    %mul3A_174 = vector.broadcast %get3A_167 : vector<32x1xf32> to vector<32x1024xf32>
    %mul3A_175 = vector.broadcast %broadcast_in_dim3A_173 : vector<1x1024xf32> to vector<32x1024xf32>
    %mul3A_176 = arith.mulf %mul3A_174, %mul3A_175 : vector<32x1024xf32>
    %get3A_177 = arith.constant 2 : index
    %get3A_178 = arith.constant 0 : index
    %get3A_179 = arith.constant 0 : index
    %get3A_180 = vector.load %arg7[%get3A_177, %get3A_178, %get3A_179] : memref<3x32x1xf32, #tpu.memory_space<vmem>>, vector<1x32x1xf32>
    %get3A_181 = vector.shape_cast %get3A_180 : vector<1x32x1xf32> to vector<32x1xf32>
    %add3A_182 = vector.broadcast %get3A_181 : vector<32x1xf32> to vector<32x1024xf32>
    %add3A_183 = arith.addf %mul3A_176, %add3A_182 : vector<32x1024xf32>
    %swap3A_184 = arith.constant 0 : index
    %swap3A_185 = arith.constant 2 : index
    %swap3A_186 = arith.constant 0 : index
    %swap3A_187 = arith.constant 0 : index
    %swap3A_188 = vector.load %arg9[%swap3A_184, %swap3A_185, %swap3A_186, %swap3A_187] : memref<1x3x32x1024xf32, #tpu.memory_space<vmem>>, vector<1x1x32x1024xf32>
    %swap3A_189 = vector.shape_cast %swap3A_188 : vector<1x1x32x1024xf32> to vector<32x1024xf32>
    %swap3A_190 = vector.shape_cast %add3A_183 : vector<32x1024xf32> to vector<1x1x32x1024xf32>
    tpu.vector_store %arg9[%swap3A_184, %swap3A_185, %swap3A_186, %swap3A_187], %swap3A_190 {strides = array<i32>} : memref<1x3x32x1024xf32, #tpu.memory_space<vmem>>, vector<1x1x32x1024xf32>,
    %get3A_191 = arith.constant 0 : index
    %get3A_192 = arith.constant 0 : index
    %get3A_193 = arith.constant 0 : index
    %get3A_194 = arith.constant 0 : index
    %get3A_195 = vector.load %arg3[%get3A_191, %get3A_192, %get3A_193, %get3A_194] : memref<1x2x32x1024xf32, #tpu.memory_space<vmem>>, vector<1x1x32x1024xf32>
    %get3A_196 = vector.shape_cast %get3A_195 : vector<1x1x32x1024xf32> to vector<32x1024xf32>
    %swap3A_197 = arith.constant 0 : index
    %swap3A_198 = arith.constant 4 : index
    %swap3A_199 = arith.constant 0 : index
    %swap3A_200 = arith.constant 0 : index
    %swap3A_201 = vector.load %arg8[%swap3A_197, %swap3A_198, %swap3A_199, %swap3A_200] : memref<1x6x32x1024xf32, #tpu.memory_space<vmem>>, vector<1x1x32x1024xf32>
    %swap3A_202 = vector.shape_cast %swap3A_201 : vector<1x1x32x1024xf32> to vector<32x1024xf32>
    %swap3A_203 = vector.shape_cast %get3A_196 : vector<32x1024xf32> to vector<1x1x32x1024xf32>
    tpu.vector_store %arg8[%swap3A_197, %swap3A_198, %swap3A_199, %swap3A_200], %swap3A_203 {strides = array<i32>} : memref<1x6x32x1024xf32, #tpu.memory_space<vmem>>, vector<1x1x32x1024xf32>,
    %get3A_204 = arith.constant 0 : index
    %get3A_205 = arith.constant 1 : index
    %get3A_206 = arith.constant 0 : index
    %get3A_207 = arith.constant 0 : index
    %get3A_208 = vector.load %arg3[%get3A_204, %get3A_205, %get3A_206, %get3A_207] : memref<1x2x32x1024xf32, #tpu.memory_space<vmem>>, vector<1x1x32x1024xf32>
    %get3A_209 = vector.shape_cast %get3A_208 : vector<1x1x32x1024xf32> to vector<32x1024xf32>
    %swap3A_210 = arith.constant 0 : index
    %swap3A_211 = arith.constant 5 : index
    %swap3A_212 = arith.constant 0 : index
    %swap3A_213 = arith.constant 0 : index
    %swap3A_214 = vector.load %arg8[%swap3A_210, %swap3A_211, %swap3A_212, %swap3A_213] : memref<1x6x32x1024xf32, #tpu.memory_space<vmem>>, vector<1x1x32x1024xf32>
    %swap3A_215 = vector.shape_cast %swap3A_214 : vector<1x1x32x1024xf32> to vector<32x1024xf32>
    %swap3A_216 = vector.shape_cast %get3A_209 : vector<32x1024xf32> to vector<1x1x32x1024xf32>
    tpu.vector_store %arg8[%swap3A_210, %swap3A_211, %swap3A_212, %swap3A_213], %swap3A_216 {strides = array<i32>} : memref<1x6x32x1024xf32, #tpu.memory_space<vmem>>, vector<1x1x32x1024xf32>,
    return
  }
  func.func @transform_0(%arg0: i32) -> (i32, i32, i32) {
    %c0_i32 = arith.constant 0 : i32
    %c0_i32_0 = arith.constant 0 : i32
    %c0_i32_1 = arith.constant 0 : i32
    return %arg0, %c0_i32, %c0_i32_0 : i32, i32, i32
  }
  func.func @transform_1(%arg0: i32) -> (i32, i32, i32) {
    %c0_i32 = arith.constant 0 : i32
    %c0_i32_0 = arith.constant 0 : i32
    %c0_i32_1 = arith.constant 0 : i32
    return %arg0, %c0_i32, %c0_i32_0 : i32, i32, i32
  }
  func.func @transform_2(%arg0: i32) -> (i32, i32, i32, i32) {
    %c0_i32 = arith.constant 0 : i32
    %c0_i32_0 = arith.constant 0 : i32
    %c0_i32_1 = arith.constant 0 : i32
    %c0_i32_2 = arith.constant 0 : i32
    return %arg0, %c0_i32, %c0_i32_0, %c0_i32_1 : i32, i32, i32, i32
  }
  func.func @transform_3(%arg0: i32) -> (i32, i32, i32) {
    %c0_i32 = arith.constant 0 : i32
    %c0_i32_0 = arith.constant 0 : i32
    %c0_i32_1 = arith.constant 0 : i32
    %c0_i32_2 = arith.constant 0 : i32
    return %c0_i32, %c0_i32_0, %c0_i32_1 : i32, i32, i32
  }
  func.func @transform_4(%arg0: i32) -> (i32, i32, i32) {
    %c0_i32 = arith.constant 0 : i32
    %c0_i32_0 = arith.constant 0 : i32
    %c0_i32_1 = arith.constant 0 : i32
    %c0_i32_2 = arith.constant 0 : i32
    return %c0_i32, %c0_i32_0, %c0_i32_1 : i32, i32, i32
  }
  func.func @transform_5(%arg0: i32) -> (i32, i32, i32) {
    %c0_i32 = arith.constant 0 : i32
    %c0_i32_0 = arith.constant 0 : i32
    %c0_i32_1 = arith.constant 0 : i32
    %c0_i32_2 = arith.constant 0 : i32
    return %c0_i32, %c0_i32_0, %c0_i32_1 : i32, i32, i32
  }
  func.func @transform_6(%arg0: i32) -> (i32, i32, i32) {
    %c0_i32 = arith.constant 0 : i32
    %c0_i32_0 = arith.constant 0 : i32
    %c0_i32_1 = arith.constant 0 : i32
    %c0_i32_2 = arith.constant 0 : i32
    return %c0_i32, %c0_i32_0, %c0_i32_1 : i32, i32, i32
  }
  func.func @transform_7(%arg0: i32) -> (i32, i32, i32, i32) {
    %c0_i32 = arith.constant 0 : i32
    %c0_i32_0 = arith.constant 0 : i32
    %c0_i32_1 = arith.constant 0 : i32
    %c0_i32_2 = arith.constant 0 : i32
    return %arg0, %c0_i32, %c0_i32_0, %c0_i32_1 : i32, i32, i32, i32
  }
  func.func @transform_8(%arg0: i32) -> (i32, i32, i32, i32) {
    %c0_i32 = arith.constant 0 : i32
    %c0_i32_0 = arith.constant 0 : i32
    %c0_i32_1 = arith.constant 0 : i32
    %c0_i32_2 = arith.constant 0 : i32
    return %arg0, %c0_i32, %c0_i32_0, %c0_i32_1 : i32, i32, i32, i32
  }
}

</mosaic_0001>

<sc_bundles>
// kernel: kernel.5.cloned.1.call-start
scs
__scs_entry_jumppad:
0x0: {  	(pc) =	sbr.rel $0x88, $3  }
0x1: {  	(tag) =	ssettag $0x0;
	lr =	simm.s32 $0x1  }
0x2: {  	[smem:$0x3F97] =	sst lr;
	_ =	strace $0xD0000000  }
0x3: {  	_ = 	snop  }
0x4: {  	_ = 	snop  }
0x5: {  	_ = 	snop  }
0x6: {  	_ = 	snop  }
0x7: {  	_ = 	snop  }
__scs_overlays_trampoline_lowered:
0x8: {  	[smem:$0x3FA6] =	sst s0  }
0x9: {  	[smem:$0x3FA7] =	sst s1  }
0xa: {  	[smem:$0x3FA8] =	sst s2  }
0xb: {  	[smem:$0x3FA9] =	sst s3  }
0xc: {  	[smem:$0x3FAA] =	sst s4  }
0xd: {  	[smem:$0x3FAB] =	sst s5  }
0xe: {  	[smem:$0x3FAC] =	sst s6  }
0xf: {  	[smem:$0x3FAD] =	sst s7  }
0x10: {  	[smem:$0x3FAE] =	sst s8  }
0x11: {  	[smem:$0x3FAF] =	sst s9;
	s0 =	simm.s32 @!p0 $0x0  }
0x12: {  	s1 =	sld [smem:$0x3F95];
	s0 =	simm.s32 @p0 $0x1  }
0x13: {  	[smem:$0x3FB0] =	sst s0;
	s0 =	simm.s32 @!p1 $0x0  }
0x14: {  	s2 =	sld [smem:$0x3F94];
	s0 =	simm.s32 @p1 $0x1  }
0x15: {  	[smem:$0x3FB1] =	sst s0;
	s0 =	simm.s32 @!p2 $0x0  }
0x16: {  	s3 =	sld [smem:$0x3FDB];
	s0 =	simm.s32 @p2 $0x1  }
0x17: {  	s4 =	simm.s32 $0x1BF5;
	[smem:$0x3FB3] =	sst s0  }
0x18: {  	s0 =	sld [smem:$0x3F96];
	_ =	swait.ge [sflag:s4], $0x0  }
0x19: {  	s7 =	sld [smem:$0x3F97]  }
0x1a: {  	s8 =	sadd.s32 $0xFFFFE003, lr  }
0x1b: {  	s9 =	sadd.s32 $0xFFFFFEF7, lr;
	s5 =	simm.s32 $0xFFFFFFFF;
	p2 =	slt.u32 s8, $0xFFFFF086  }
0x1c: {  	p1 =	slt.u32 s9, $0xF7A;
	s5 =	simm.s32 @!p2 $0x0  }
0x1d: {  	s5 =	simm.s32 @p1 $0x1;
	p0 =	seq.s32 s7, s2  }
0x1e: {  	s7 =	smul.u32 @!p0 $0xF7A, s2;
	p2 =	seq.s32 @!p0 s5, $0x0  }
0x1f: {  	s9 =	smul.u32 $0xF7A, s1;
	s8 =	simm.s32 @!p0 $0x1BF5;
	p2 =	por !p2, p0  }
0x20: {  	[sflag:s8] =	ssyncset.s32 @!p0 $0xFFFFF086;
	s6 =	sadd.s32 @!p0 s3, s7;
	s7 =	simm.s32 @!p0 $0x108  }
0x21: {  	s3 =	sadd.s32 s3, s9;
	s6 =	sadd.s32 @!p0 $0x88, s6;
	s7 =	simm.s32 @p2 $0x1082  }
0x22: {  	[simem:s7], [sflag:s8] =	dma.local @!p0 [hbm:s6], $0xF7A  }
0x23: {  	s9 =	sor.u32 $0xD0000000, s2;
	s6 =	simm.s32 $0x108;
	_ =	swait.ge @!p0 [sflag:s8], $0x0  }
0x24: {  	s3 =	sadd.s32 $0x88, s3;
	s6 =	simm.s32 @!p1 $0x1082;
	[sflag:s4] =	ssyncset.s32 $0xFFFFF086  }
0x25: {  	[simem:s6], [sflag:s4] =	dma.local [hbm:s3], $0xF7A  }
0x26: {  	[smem:$0x3F97] =	sst s1;
	(tag) =	ssettag s2;
	_ =	strace s9  }
0x27: {  	s1 =	sld [smem:$0x3FA7]  }
0x28: {  	s2 =	sld [smem:$0x3FA8]  }
0x29: {  	s4 =	sld [smem:$0x3FAA]  }
0x2a: {  	p0 =	seq.s32 s5, $0x0;
	s5 =	sld [smem:$0x3FAB]  }
0x2b: {  	s6 =	sld [smem:$0x3FAC]  }
0x2c: {  	s7 =	sld [smem:$0x3FAD]  }
0x2d: {  	s3 =	simm.s32 $0x108;
	s8 =	sld [smem:$0x3FAE]  }
0x2e: {  	s3 =	simm.s32 @!p0 $0x1082;
	s9 =	sld [smem:$0x3FAF]  }
0x2f: {  	lr =	sadd.s32 s0, s3;
	s0 =	sld [smem:$0x3FA6]  }
0x30: {  	s3 =	sld [smem:$0x3FA9]  }
0x31: {  	[smem:$0x3FB2] =	sst s10  }
0x32: {  	s10 =	sld [smem:$0x3FB0];
	_ =	sdelay $0x3  }
0x33: {  	p0 =	seq.s32 s10, $0x1;
	s10 =	sld [smem:$0x3FB2];
	_ =	sdelay $0x3  }
0x34: {  	[smem:$0x3FB2] =	sst s10  }
0x35: {  	s10 =	sld [smem:$0x3FB1];
	_ =	sdelay $0x3  }
0x36: {  	p1 =	seq.s32 s10, $0x1;
	s10 =	sld [smem:$0x3FB2];
	_ =	sdelay $0x3  }
0x37: {  	[smem:$0x3FB2] =	sst s10  }
0x38: {  	s10 =	sld [smem:$0x3FB3]  }
0x39: {  	_ = 	snop;
	(pc) =	sbr.ind lr, $3  }
0x3a: {  	_ = 	snop  }
0x3b: {  	_ = 	snop  }
0x3c: {  	p2 =	seq.s32 s10, $0x1;
	s10 =	sld [smem:$0x3FB2]  }
0x3d: {  	_ =	shalt  }
0x3e: {  	_ =	shalt  }
0x3f: {  	_ =	shalt  }
0x40: {  	_ =	shalt  }
0x41: {  	_ =	shalt  }
0x42: {  	_ =	shalt  }
0x43: {  	_ =	shalt  }
0x44: {  	_ =	shalt  }
0x45: {  	_ =	shalt  }
0x46: {  	_ =	shalt  }
0x47: {  	_ =	shalt  }
0x48: {  	_ =	shalt  }
0x49: {  	_ =	shalt  }
0x4a: {  	_ =	shalt  }
0x4b: {  	_ =	shalt  }
0x4c: {  	_ =	shalt  }
0x4d: {  	_ =	shalt  }
0x4e: {  	_ =	shalt  }
0x4f: {  	_ =	shalt  }
0x50: {  	_ =	shalt  }
0x51: {  	_ =	shalt  }
0x52: {  	_ =	shalt  }
0x53: {  	_ =	shalt  }
0x54: {  	_ =	shalt  }
0x55: {  	_ =	shalt  }
0x56: {  	_ =	shalt  }
0x57: {  	_ =	shalt  }
0x58: {  	_ =	shalt  }
0x59: {  	_ =	shalt  }
0x5a: {  	_ =	shalt  }
0x5b: {  	_ =	shalt  }
0x5c: {  	_ =	shalt  }
0x5d: {  	_ =	shalt  }
0x5e: {  	_ =	shalt  }
0x5f: {  	_ =	shalt  }
0x60: {  	_ =	shalt  }
0x61: {  	_ =	shalt  }
0x62: {  	_ =	shalt  }
0x63: {  	_ =	shalt  }
0x64: {  	_ =	shalt  }
0x65: {  	_ =	shalt  }
0x66: {  	_ =	shalt  }
0x67: {  	_ =	shalt  }
0x68: {  	_ =	shalt  }
0x69: {  	_ =	shalt  }
0x6a: {  	_ =	shalt  }
0x6b: {  	_ =	shalt  }
0x6c: {  	_ =	shalt  }
0x6d: {  	_ =	shalt  }
0x6e: {  	_ =	shalt  }
0x6f: {  	_ =	shalt  }
0x70: {  	_ =	shalt  }
0x71: {  	_ =	shalt  }
0x72: {  	_ =	shalt  }
0x73: {  	_ =	shalt  }
0x74: {  	_ =	shalt  }
0x75: {  	_ =	shalt  }
0x76: {  	_ =	shalt  }
0x77: {  	_ =	shalt  }
0x78: {  	_ =	shalt  }
0x79: {  	_ =	shalt  }
0x7a: {  	_ =	shalt  }
0x7b: {  	_ =	shalt  }
0x7c: {  	_ =	shalt  }
0x7d: {  	_ =	shalt  }
0x7e: {  	_ =	shalt  }
0x7f: {  	_ =	shalt  }
0x80: {  	_ =	shalt  }
0x81: {  	_ =	shalt  }
0x82: {  	_ =	shalt  }
0x83: {  	_ =	shalt  }
0x84: {  	_ =	shalt  }
0x85: {  	_ =	shalt  }
0x86: {  	_ =	shalt  }
0x87: {  	_ =	shalt  }
.Lfunc_end0:
.L_simem_size_0:
called_computation_lowered:
.L_overlay_start_0:
0x88: {  	s2 =	sld [smem:$0x3FD9]  }
0x89: {  	s3 =	sld [smem:$0x3FFE];
	_ =	sdelay $0x1  }
0x8a: {  	s1 =	srdreg.scid  }
0x8b: {  	s0 =	sand.u32 $0x1, s1  }
0x8c: {  	s15 =	sshll.u32 s0, $0xA;
	s2 =	sadd.s32 s3, s2  }
0x8d: {  	s2 =	sadd.s32 s2, s15  }
0x8e: {  	[smem:$0x3FBE] =	sst s2  }
0x8f: {  	_ = 	snop  }
0x90: {  	s2 =	sld [smem:$0x3FD0];
	_ =	sdelay $0x2  }
0x91: {  	s4 =	simm.s32 $0xB;
	s16 =	simm.s32 $0x10  }
0x92: {  	[smem:s16], [sflag:s4] =	dma.local [hbm:s2], $0x1  }
0x93: {  	_ =	swait.eq [sflag:s4], $0x1  }
0x94: {  	[sflag:s4] =	ssyncset.done $0x0  }
0x95: {  	s17 =	sld [smem:$0x11];
	[sflag:s4] =	ssyncadd.s32 $0xFFFFFFFF  }
0x96: {  	s18 =	sld [smem:$0x12];
	(tm) =	ssettm $0x1  }
0x97: {  	s19 =	sld [smem:$0x3FFB];
	_ =	sdelay $0x3  }
0x98: {  	_ =	strace s19  }
0x99: {  	s2 =	sld [smem:$0x3FFC];
	_ =	sdelay $0x3  }
0x9a: {  	_ =	strace s2  }
0x9b: {  	s2 =	sld [smem:$0x3FFD];
	_ =	sdelay $0x3  }
0x9c: {  	_ =	strace s2  }
0x9d: {  	_ =	strace $0x8FFFFFFF  }
0x9e: {  	s20 =	sld [smem:$0x3FDB];
	_ =	sdelay $0x1  }
0x9f: {  	s5 =	simm.s32 $_scs_section_size  }
0xa0: {  	s6 =	simm.s32 $_size__tile_overlayer_lowered;
	s7 =	simm.s32 $_tile_overlayer_lowered  }
0xa1: {  	s8 =	simm.s32 $0x1BFF;
	s21 =	sshll.u32 s7, $0x1;
	s5 =	sadd.s32 s5, s20  }
0xa2: {  	s22 =	simm.s32 $0x0;
	s6 =	sshll.u32 s6, $0x1;
	s7 =	sadd.s32 s21, s5  }
0xa3: {  	[timem:s22], [sflag:s8] =	dma.local [hbm:s7], s6  }
0xa4: {  	_ =	swait.ge [sflag:s8], s6  }
0xa5: {  	s6 =	ssub.s32 $0x0, s6;
	[sflag:s8] =	ssyncset.done $0x0  }
0xa6: {  	[sflag:s8] =	ssyncadd.s32 s6;
	_ =	sdelay $0x1  }
0xa7: {  	s23 =	simm.s32 $0x1B8B  }
0xa8: {  	_ =	swait.ge [sflag:s23], $0x1  }
0xa9: {  	[sflag:s23] =	ssyncset.done $0x0  }
0xaa: {  	[sflag:s23] =	ssyncadd.s32 $0xFFFFFFFF  }
0xab: {  	s6 =	sld [smem:$0x0]  }
0xac: {  	s7 =	sand.u32 $0xFFFFFFFE, s1  }
0xad: {  	p0 =	sne.s32 s1, s7  }
0xae: {  	s7 =	sshll.u32 @p0 s7, $0xE  }
0xaf: {  	s7 =	sadd.s32 @p0 $0x11B8D, s7;
	s8 =	sshll.u32 @p0 s6, $0x11  }
0xb0: {  	s7 =	sor.u32 @p0 s8, s7  }
0xb1: {  	[sflag:s7] =	ssyncadd.remote.s32 @p0 $0x1;
	_ =	sdelay $0x1  }
0xb2: {  	s7 =	simm.s32 @p0 $0x1B8D  }
0xb3: {  	_ =	swait.eq @p0 [sflag:s7], $0x1  }
0xb4: {  	[sflag:s7] =	ssyncadd.s32 @p0 $0xFFFFFFFF  }
0xb5: {  	s8 =	sshll.u32 @!p0 s1, $0xE  }
0xb6: {  	s8 =	sor.u32 @!p0 $0x4000, s8;
	s7 =	simm.s32 @!p0 $0x1B8D  }
0xb7: {  	s6 =	sshll.u32 @!p0 s6, $0x11;
	s8 =	sadd.s32 @!p0 $0x11B8D, s8;
	_ =	swait.eq @!p0 [sflag:s7], $0x1  }
0xb8: {  	s6 =	sor.u32 @!p0 s6, s8;
	[sflag:s7] =	ssyncadd.s32 @!p0 $0xFFFFFFFF  }
0xb9: {  	s25 =	simm.s32 $0x1B8E;
	s24 =	sld [smem:$0x3FFE];
	[sflag:s6] =	ssyncadd.remote.s32 @!p0 $0x1  }
0xba: {  	s26 =	simm.s32 $execute0_lowered;
	[smem:$0x3FD2] =	sst s25  }
0xbb: {  	s7 =	sshll.u32 s26, $0x1;
	_ =	strace $0x80000049;
	[dreg:$0x1] =	wrdreg $0xFFFFFFFF  }
0xbc: {  	s28 =	simm.s32 $_size_execute0_lowered;
	s5 =	sadd.s32 s5, s7;
	[dreg:$0x0] =	wrdreg $0x0  }
0xbd: {  	s7 =	sshll.u32 s28, $0x1;
	[dreg:$0x2] =	wrdreg s5  }
0xbe: {  	[dreg:$0x3] =	wrdreg s7  }
0xbf: {  	[dreg:$0x4] =	wrdreg $0xC0  }
0xc0: {  	_ =	task [dreg:s22], $0x5FFFF  }
0xc1: {  	[dreg:$0x1] =	wrdreg $0xFFFFFFFF  }
0xc2: {  	[dreg:$0x0] =	wrdreg $0x60  }
0xc3: {  	[dreg:$0x2] =	wrdreg s24  }
0xc4: {  	[dreg:$0x3] =	wrdreg s17  }
0xc5: {  	[dreg:$0x4] =	wrdreg s18  }
0xc6: {  	[dreg:$0x5] =	wrdreg $0x9  }
0xc7: {  	_ =	task.clear_ibuf [dreg:s22], $0x6FFFF;
	_ =	strace $0x90000049  }
0xc8: {  	s29 =	simm.s32 $0x9;
	_ =	strace $0x8000004B  }
0xc9: {  	_ =	swait.ge [sflag:s29], $0x1  }
0xca: {  	[sflag:s29] =	ssyncadd.s32 $0xFFFFFFFF  }
0xcb: {  	_ =	strace $0x9000004B  }
0xcc: {  	_ =	sfence  }
0xcd: {  	s30 =	sld [smem:$0x0];
	_ =	sdelay $0x2  }
0xce: {  	s31 =	sshll.u32 s1, $0xD;
	s1 =	sshrl.u32 s1, $0x2  }
0xcf: {  	s4 =	sand.u32 $0x4000, s31;
	s1 =	sadd.s32 s1, s30  }
0xd0: {  	s0 =	sor.u32 s4, s0;
	s1 =	sshll.u32 s1, $0x11  }
0xd1: {  	s0 =	sor.u32 s1, s0  }
0xd2: {  	s0 =	sadd.s32 $0x8F2B, s0  }
0xd3: {  	[sflag:s0] =	ssyncadd.remote.s32 $0x1  }
0xd4: {  	_ =	sfence.sel $0xFFFF  }
0xd5: {  	[dreg:$0x0] =	wrdreg $0xFFFFFFFF;
	(pc) =	sbr.abs _section_cstart, $3  }
0xd6: {  	[dreg:$0x1] =	wrdreg $0xFFFFFFFF  }
0xd7: {  	_ =	task.clear_ibuf [dreg:s22], $0x2FFFF;
	_ =	strace $0x9FFFFFFF  }
0xd8: {  	(tm) =	ssettm $0x7FFFFFFF  }
0xd9: {  	_ =	shalt  }
tec
execute0_lowered:
.L_overlay_start_1:
0x0: {  	(tag) =	ssettag $0x1  }
0x1: {  	s0 =	rddreg [dreg:$0x0]  }
0x2: {  	s2 =	rddreg [dreg:$0x1];
	s1 =	srdreg.scid  }
0x3: {  	s4 =	stileid.u32;
	s3 =	rddreg [dreg:$0x2]  }
0x4: {  	s15 =	simm.s32 $0x7;
	s16 =	simm.s32 $0x80;
	s17 =	simm.s32 $0x200  }
0x5: {  	s21 =	simm.s32 $0x180;
	s22 =	simm.s32 $0x3200;
	s23 =	simm.s32 $0x1  }
0x6: {  	s24 =	simm.s32 $0x4200;
	s28 =	simm.s32 $0x6;
	s29 =	simm.s32 $0x5200  }
0x7: {  	s30 =	simm.s32 $0x3;
	s31 =	simm.s32 $0x5;
	s1 =	sand.u32 $0x1, s1  }
0x8: {  	s5 =	sshll.u32 s4, $0x1;
	s4 =	simm.s32 $0x0;
	s6 =	sadd.s32 $0x3600, s0  }
0x9: {  	v0 =	vlaneseq.u32;
	s7 =	sor.u32 s1, s5;
	[smem:$0x7FF] =	sst s4;
	s1 =	ssub.s32 $0x2, s1  }
0xa: {  	v1 =	vimm.s32 $0x0;
	vm0 =	vcmask $0x300;
	v0 =	vmul.u32 $0x80, v0;
	s5 =	smul.u32 $0x3200, s7;
	_ =	strace $0x8000004A;
	s25 =	sshrl.u32 s1, $0x1  }
0xb: {  	v1 =	vsel vm0, $0x3, v1;
	s7 =	smul.u32 $0x64, s7;
	s0 =	ssub.s32 s1, s25;
	s25 =	simm.s32 $0x400  }
0xc: {  	v2 =	vor.u32 $0x800, v0;
	v3 =	vor.u32 $0x1, v0;
	v4 =	vor.u32 $0x801, v0;
	s8 =	sshrl.u32 s5, $0x3;
	s11 =	sadd.s32 $0x200, s5;
	s0 =	smax.u32 s0, $0x1  }
0xd: {  	v5 =	vor.u32 $0x2, v0;
	v6 =	vor.u32 $0x802, v0;
	v7 =	vor.u32 $0x3, v0;
	s12 =	sadd.s32 $0x280, s5;
	s26 =	sadd.s32 s2, s8;
	[dreg:$0x7] =	wrdreg s0  }
0xe: {  	v8 =	vor.u32 $0x803, v0;
	v9 =	vor.u32 $0x4, v0;
	v10 =	vor.u32 $0x804, v0;
	s13 =	sadd.s32 $0x300, s5;
	s8 =	sadd.s32 $0x10, s26;
	[dreg:$0x4] =	wrdreg s26  }
0xf: {  	v11 =	vor.u32 $0x5, v0;
	v12 =	vor.u32 $0x805, v0;
	v13 =	vor.u32 $0x6, v0;
	s1 =	sadd.s32 $0x20, s26;
	s26 =	simm.s32 $0x2;
	[dreg:$0x5] =	wrdreg s8  }
0x10: {  	v14 =	vor.u32 $0x806, v0;
	v15 =	vor.u32 $0x7, v0;
	v16 =	vor.u32 $0x807, v0;
	[dreg:$0x6] =	wrdreg s1;
	s1 =	simm.s32 $0x4;
	s8 =	simm.s32 $0x0  }
.LBB2_1:
0x11: {  	[dreg:$0x8] =	wrdreg s8  }
0x12: {  	s0 =	rddreg [dreg:$0x4]  }
0x13: {  	[tilespmem:s4], [sflag:$0x7] =	stream.linear.gather [hbm4b:s0+s4], $0x80, $0x38;
	[tilespmem:$0x6200] =	vst v63  }
0x14: {  	_ =	swait.ge [sflag:s15], $0x80  }
0x15: {  	[sflag:s15] =	ssyncset.done $0x0  }
0x16: {  	[sflag:s15] =	ssyncadd.s32 $0xFFFFFF80  }
0x17: {  	[tilespmem:s17], [sflag:$0x1] =	stream.indirect.gather [hbm4b:s6+s16], $0x20, s4, s16, $0xb8;
	[tilespmem:$0x6200] =	vst v63  }
0x18: {  	s10 =	rddreg [dreg:$0x5]  }
0x19: {  	[tilespmem:s16], [sflag:$0x7] =	stream.linear.gather [hbm4b:s10+s4], $0x80, $0x38;
	[tilespmem:$0x6200] =	vst v63  }
0x1a: {  	_ =	swait.ge [sflag:s15], $0x80  }
0x1b: {  	[sflag:s15] =	ssyncset.done $0x0  }
0x1c: {  	s14 =	simm.s32 $0x1200;
	[sflag:s15] =	ssyncadd.s32 $0xFFFFFF80  }
0x1d: {  	[tilespmem:s14], [sflag:$0x2] =	stream.indirect.gather [hbm4b:s6+s16], $0x20, s16, s16, $0xb8;
	[tilespmem:$0x6200] =	vst v63  }
0x1e: {  	s19 =	simm.s32 $0x100;
	s18 =	rddreg [dreg:$0x6]  }
0x1f: {  	[tilespmem:s19], [sflag:$0x7] =	stream.linear.gather [hbm4b:s18+s4], $0x80, $0x38;
	[tilespmem:$0x6200] =	vst v63  }
0x20: {  	_ =	swait.ge [sflag:s15], $0x80  }
0x21: {  	[sflag:s15] =	ssyncset.done $0x0  }
0x22: {  	s20 =	simm.s32 $0x2200;
	s18 =	simm.s32 $0x0;
	[sflag:s15] =	ssyncadd.s32 $0xFFFFFF80  }
0x23: {  	[tilespmem:s20], [sflag:$0x3] =	stream.indirect.gather [hbm4b:s6+s16], $0x20, s19, s16, $0xb8;
	[tilespmem:$0x6200] =	vst v63  }
.LBB2_2:
0x24: {  	s20 =	sshllo.u32 s18, $0x2  }
0x25: {  	s0 =	sshll.u32 s20, $0x7  }
0x26: {  	s0 =	sadd.s32 s5, s0  }
0x27: {  	s0 =	sshrl.u32 s0, $0x3  }
0x28: {  	s0 =	sadd.s32 s2, s0  }
0x29: {  	[tilespmem:s21], [sflag:$0x7] =	stream.linear.gather [hbm4b:s0+s4], $0x80, $0x38;
	[tilespmem:$0x6200] =	vst v63  }
0x2a: {  	_ =	swait.ge [sflag:s15], $0x80  }
0x2b: {  	[sflag:s15] =	ssyncset.done $0x0  }
0x2c: {  	[sflag:s15] =	ssyncadd.s32 $0xFFFFFF80  }
0x2d: {  	[tilespmem:s22], [sflag:$0x4] =	stream.indirect.gather [hbm4b:s6+s16], $0x20, s21, s16, $0xb8;
	[tilespmem:$0x6200] =	vst v63  }
0x2e: {  	s9 =	simm.s32 $0x0;
	_ =	swait.ge [sflag:s23], $0x1000  }
0x2f: {  	p0 =	seq.s32 s18, $0x0;
	v17 =	vmov s9;
	[sflag:s23] =	ssyncset.done $0x0  }
0x30: {  	v17 =	vshrl.u32 v17, $0x3;
	s0 =	simm.s32 @!p0 $0x5;
	[sflag:s23] =	ssyncadd.s32 $0xFFFFF000  }
0x31: {  	v17 =	vshll.u32 v17, v1;
	_ =	swait.ge @!p0 [sflag:s0], $0x1000  }
0x32: {  	v17 =	vbroadcast v17, $0x0;
	[sflag:s0] =	ssyncset.done @!p0 $0x0  }
0x33: {  	s9 =	simm.s32 $0x280;
	[sflag:s0] =	ssyncadd.s32 @!p0 $0xFFFFF000  }
0x34: {  	v19 =	vor.u32 v0, v17;
	v18 =	vld [tilespmem:s9+$0xFFFFFF80];
	_ =	sdelay $0x4  }
0x35: {  	[tilespmem:v19+s24+$0x0] =	vst.idx.msk $0xffff, v18  }
0x36: {  	s10 =	simm.s32 $0x1;
	v17 =	vor.u32 v2, v17;
	v18 =	vld [tilespmem:s9+$0xFFFFFF90]  }
0x37: {  	v19 =	vmov s10  }
0x38: {  	v19 =	vshrl.u32 v19, $0x3  }
0x39: {  	v19 =	vshll.u32 v19, v1  }
0x3a: {  	v19 =	vbroadcast v19, $0x0  }
0x3b: {  	[tilespmem:v17+s24+$0x0] =	vst.idx.msk $0xffff, v18  }
0x3c: {  	v18 =	vadd.s32 v3, v19;
	v17 =	vld [tilespmem:s9+$0xFFFFFFA0];
	_ =	sdelay $0x4  }
0x3d: {  	[tilespmem:v18+s24+$0x0] =	vst.idx.msk $0xffff, v17  }
0x3e: {  	s14 =	simm.s32 $0x2;
	v18 =	vadd.s32 v4, v19;
	v17 =	vld [tilespmem:s9+$0xFFFFFFB0]  }
0x3f: {  	v19 =	vmov s14  }
0x40: {  	v19 =	vshrl.u32 v19, $0x3  }
0x41: {  	v19 =	vshll.u32 v19, v1  }
0x42: {  	v19 =	vbroadcast v19, $0x0  }
0x43: {  	[tilespmem:v18+s24+$0x0] =	vst.idx.msk $0xffff, v17  }
0x44: {  	v18 =	vadd.s32 v5, v19;
	v17 =	vld [tilespmem:s9+$0xFFFFFFC0];
	_ =	sdelay $0x4  }
0x45: {  	[tilespmem:v18+s24+$0x0] =	vst.idx.msk $0xffff, v17  }
0x46: {  	s19 =	simm.s32 $0x3;
	v18 =	vadd.s32 v6, v19;
	v17 =	vld [tilespmem:s9+$0xFFFFFFD0]  }
0x47: {  	v19 =	vmov s19  }
0x48: {  	v19 =	vshrl.u32 v19, $0x3  }
0x49: {  	v19 =	vshll.u32 v19, v1  }
0x4a: {  	v19 =	vbroadcast v19, $0x0  }
0x4b: {  	[tilespmem:v18+s24+$0x0] =	vst.idx.msk $0xffff, v17  }
0x4c: {  	v18 =	vadd.s32 v7, v19;
	v17 =	vld [tilespmem:s9+$0xFFFFFFE0];
	_ =	sdelay $0x4  }
0x4d: {  	[tilespmem:v18+s24+$0x0] =	vst.idx.msk $0xffff, v17  }
0x4e: {  	s8 =	simm.s32 $0x4;
	v18 =	vadd.s32 v8, v19;
	v17 =	vld [tilespmem:s9+$0xFFFFFFF0]  }
0x4f: {  	v19 =	vmov s8  }
0x50: {  	v19 =	vshrl.u32 v19, $0x3  }
0x51: {  	v19 =	vshll.u32 v19, v1  }
0x52: {  	v19 =	vbroadcast v19, $0x0  }
0x53: {  	[tilespmem:v18+s24+$0x0] =	vst.idx.msk $0xffff, v17  }
0x54: {  	v18 =	vadd.s32 v9, v19;
	v17 =	vld [tilespmem:s9+$0x0];
	_ =	sdelay $0x4  }
0x55: {  	[tilespmem:v18+s24+$0x0] =	vst.idx.msk $0xffff, v17  }
0x56: {  	s10 =	simm.s32 $0x5;
	v18 =	vadd.s32 v10, v19;
	v17 =	vld [tilespmem:s9+$0x10]  }
0x57: {  	v19 =	vmov s10  }
0x58: {  	v19 =	vshrl.u32 v19, $0x3  }
0x59: {  	v19 =	vshll.u32 v19, v1  }
0x5a: {  	v19 =	vbroadcast v19, $0x0  }
0x5b: {  	[tilespmem:v18+s24+$0x0] =	vst.idx.msk $0xffff, v17  }
0x5c: {  	v18 =	vadd.s32 v11, v19;
	v17 =	vld [tilespmem:s9+$0x20];
	_ =	sdelay $0x4  }
0x5d: {  	[tilespmem:v18+s24+$0x0] =	vst.idx.msk $0xffff, v17  }
0x5e: {  	s14 =	simm.s32 $0x6;
	v18 =	vadd.s32 v12, v19;
	v17 =	vld [tilespmem:s9+$0x30]  }
0x5f: {  	v19 =	vmov s14  }
0x60: {  	v19 =	vshrl.u32 v19, $0x3  }
0x61: {  	v19 =	vshll.u32 v19, v1  }
0x62: {  	v19 =	vbroadcast v19, $0x0  }
0x63: {  	[tilespmem:v18+s24+$0x0] =	vst.idx.msk $0xffff, v17  }
0x64: {  	v18 =	vadd.s32 v13, v19;
	v17 =	vld [tilespmem:s9+$0x40];
	_ =	sdelay $0x4  }
0x65: {  	[tilespmem:v18+s24+$0x0] =	vst.idx.msk $0xffff, v17  }
0x66: {  	s19 =	simm.s32 $0x7;
	v18 =	vadd.s32 v14, v19;
	v17 =	vld [tilespmem:s9+$0x50]  }
0x67: {  	v19 =	vmov s19  }
0x68: {  	v19 =	vshrl.u32 v19, $0x3  }
0x69: {  	v19 =	vshll.u32 v19, v1  }
0x6a: {  	v19 =	vbroadcast v19, $0x0  }
0x6b: {  	[tilespmem:v18+s24+$0x0] =	vst.idx.msk $0xffff, v17  }
0x6c: {  	v18 =	vadd.s32 v15, v19;
	v17 =	vld [tilespmem:s9+$0x60];
	_ =	sdelay $0x4  }
0x6d: {  	s8 =	simm.s32 $0x8;
	[tilespmem:v18+s24+$0x0] =	vst.idx.msk $0xffff, v17  }
0x6e: {  	s10 =	simm.s32 $0xF;
	s14 =	simm.s32 $0x17;
	s19 =	sshll.u32 s18, $0x2;
	v18 =	vadd.s32 v16, v19;
	v17 =	vld [tilespmem:s9+$0x70]  }
.LBB2_3:
0x6f: {  	p1 =	sne.s32 s14, $0x7F;
	v19 =	vmov s8  }
0x70: {  	v19 =	vshrl.u32 v19, $0x3  }
0x71: {  	v19 =	vshll.u32 v19, v1  }
0x72: {  	v19 =	vbroadcast v19, $0x0  }
0x73: {  	s9 =	sadd.s32 $0x100, s9;
	[tilespmem:v18+s24+$0x0] =	vst.idx.msk $0xffff, v17  }
0x74: {  	v17 =	vld [tilespmem:s9+$0xFFFFFF80];
	v18 =	vor.u32 v0, v19;
	_ =	sdelay $0x4  }
0x75: {  	[tilespmem:v18+s24+$0x0] =	vst.idx.msk $0xffff, v17  }
0x76: {  	s0 =	sadd.s32 $0xFFFFFFFA, s10;
	v18 =	vor.u32 v2, v19;
	v17 =	vld [tilespmem:s9+$0xFFFFFF90]  }
0x77: {  	v19 =	vmov s0  }
0x78: {  	v19 =	vshrl.u32 v19, $0x3  }
0x79: {  	v19 =	vshll.u32 v19, v1  }
0x7a: {  	v19 =	vbroadcast v19, $0x0  }
0x7b: {  	[tilespmem:v18+s24+$0x0] =	vst.idx.msk $0xffff, v17  }
0x7c: {  	v18 =	vadd.s32 v3, v19;
	v17 =	vld [tilespmem:s9+$0xFFFFFFA0];
	_ =	sdelay $0x4  }
0x7d: {  	[tilespmem:v18+s24+$0x0] =	vst.idx.msk $0xffff, v17  }
0x7e: {  	s0 =	sadd.s32 $0xFFFFFFFB, s10;
	v18 =	vadd.s32 v4, v19;
	v17 =	vld [tilespmem:s9+$0xFFFFFFB0]  }
0x7f: {  	v19 =	vmov s0  }
0x80: {  	v19 =	vshrl.u32 v19, $0x3  }
0x81: {  	v19 =	vshll.u32 v19, v1  }
0x82: {  	v19 =	vbroadcast v19, $0x0  }
0x83: {  	[tilespmem:v18+s24+$0x0] =	vst.idx.msk $0xffff, v17  }
0x84: {  	v18 =	vadd.s32 v5, v19;
	v17 =	vld [tilespmem:s9+$0xFFFFFFC0];
	_ =	sdelay $0x4  }
0x85: {  	[tilespmem:v18+s24+$0x0] =	vst.idx.msk $0xffff, v17  }
0x86: {  	s0 =	sadd.s32 $0xFFFFFFFC, s10;
	v18 =	vadd.s32 v6, v19;
	v17 =	vld [tilespmem:s9+$0xFFFFFFD0]  }
0x87: {  	v19 =	vmov s0  }
0x88: {  	v19 =	vshrl.u32 v19, $0x3  }
0x89: {  	v19 =	vshll.u32 v19, v1  }
0x8a: {  	v19 =	vbroadcast v19, $0x0  }
0x8b: {  	[tilespmem:v18+s24+$0x0] =	vst.idx.msk $0xffff, v17  }
0x8c: {  	v18 =	vadd.s32 v7, v19;
	v17 =	vld [tilespmem:s9+$0xFFFFFFE0];
	_ =	sdelay $0x4  }
0x8d: {  	[tilespmem:v18+s24+$0x0] =	vst.idx.msk $0xffff, v17  }
0x8e: {  	s0 =	sadd.s32 $0xFFFFFFFD, s10;
	v18 =	vadd.s32 v8, v19;
	v17 =	vld [tilespmem:s9+$0xFFFFFFF0]  }
0x8f: {  	v19 =	vmov s0  }
0x90: {  	v19 =	vshrl.u32 v19, $0x3  }
0x91: {  	v19 =	vshll.u32 v19, v1  }
0x92: {  	v19 =	vbroadcast v19, $0x0  }
0x93: {  	[tilespmem:v18+s24+$0x0] =	vst.idx.msk $0xffff, v17  }
0x94: {  	v18 =	vadd.s32 v9, v19;
	v17 =	vld [tilespmem:s9+$0x0];
	_ =	sdelay $0x4  }
0x95: {  	[tilespmem:v18+s24+$0x0] =	vst.idx.msk $0xffff, v17  }
0x96: {  	s0 =	sadd.s32 $0xFFFFFFFE, s10;
	v18 =	vadd.s32 v10, v19;
	v17 =	vld [tilespmem:s9+$0x10]  }
0x97: {  	v19 =	vmov s0  }
0x98: {  	v19 =	vshrl.u32 v19, $0x3  }
0x99: {  	v19 =	vshll.u32 v19, v1  }
0x9a: {  	v19 =	vbroadcast v19, $0x0  }
0x9b: {  	[tilespmem:v18+s24+$0x0] =	vst.idx.msk $0xffff, v17  }
0x9c: {  	v18 =	vadd.s32 v11, v19;
	v17 =	vld [tilespmem:s9+$0x20];
	_ =	sdelay $0x4  }
0x9d: {  	[tilespmem:v18+s24+$0x0] =	vst.idx.msk $0xffff, v17  }
0x9e: {  	s0 =	sadd.s32 $0xFFFFFFFF, s10;
	v18 =	vadd.s32 v12, v19;
	v17 =	vld [tilespmem:s9+$0x30]  }
0x9f: {  	v19 =	vmov s0  }
0xa0: {  	v19 =	vshrl.u32 v19, $0x3  }
0xa1: {  	v19 =	vshll.u32 v19, v1  }
0xa2: {  	v19 =	vbroadcast v19, $0x0  }
0xa3: {  	[tilespmem:v18+s24+$0x0] =	vst.idx.msk $0xffff, v17  }
0xa4: {  	v18 =	vadd.s32 v13, v19;
	v17 =	vld [tilespmem:s9+$0x40];
	_ =	sdelay $0x4  }
0xa5: {  	[tilespmem:v18+s24+$0x0] =	vst.idx.msk $0xffff, v17  }
0xa6: {  	v18 =	vadd.s32 v14, v19;
	v17 =	vld [tilespmem:s9+$0x50]  }
0xa7: {  	v19 =	vmov s10;
	s10 =	smov.u32 s14  }
0xa8: {  	v19 =	vshrl.u32 v19, $0x3  }
0xa9: {  	v19 =	vshll.u32 v19, v1  }
0xaa: {  	v19 =	vbroadcast v19, $0x0  }
0xab: {  	[tilespmem:v18+s24+$0x0] =	vst.idx.msk $0xffff, v17  }
0xac: {  	v18 =	vadd.s32 v15, v19;
	v17 =	vld [tilespmem:s9+$0x60];
	_ =	sdelay $0x1  }
.Ltmp0:
0xad: {  	(pc) =	sbr.rel @p1 .LBB2_3-.Ltmp0, $3  }
0xae: {  	_ =	sdelay $0x1  }
0xaf: {  	[tilespmem:v18+s24+$0x0] =	vst.idx.msk $0xffff, v17  }
0xb0: {  	s14 =	sadd.s32 $0x8, s14;
	s8 =	sadd.s32 $0xFFFFFFF9, s10;
	v18 =	vadd.s32 v16, v19;
	v17 =	vld [tilespmem:s9+$0x70]  }
0xb1: {  	v19 =	vmov s8  }
0xb2: {  	v19 =	vshrl.u32 v19, $0x3  }
0xb3: {  	v19 =	vshll.u32 v19, v1  }
0xb4: {  	v19 =	vbroadcast v19, $0x0  }
0xb5: {  	s8 =	sadd.s32 $0x100, s9;
	[tilespmem:v18+s24+$0x0] =	vst.idx.msk $0xffff, v17  }
0xb6: {  	v17 =	vld [tilespmem:s8+$0xFFFFFF80];
	v18 =	vor.u32 v0, v19;
	_ =	sdelay $0x4  }
0xb7: {  	[tilespmem:v18+s24+$0x0] =	vst.idx.msk $0xffff, v17  }
0xb8: {  	s0 =	sadd.s32 $0xFFFFFFFA, s10;
	v18 =	vor.u32 v2, v19;
	v17 =	vld [tilespmem:s8+$0xFFFFFF90]  }
0xb9: {  	v19 =	vmov s0  }
0xba: {  	v19 =	vshrl.u32 v19, $0x3  }
0xbb: {  	v19 =	vshll.u32 v19, v1  }
0xbc: {  	v19 =	vbroadcast v19, $0x0  }
0xbd: {  	[tilespmem:v18+s24+$0x0] =	vst.idx.msk $0xffff, v17  }
0xbe: {  	v18 =	vadd.s32 v3, v19;
	v17 =	vld [tilespmem:s8+$0xFFFFFFA0];
	_ =	sdelay $0x4  }
0xbf: {  	[tilespmem:v18+s24+$0x0] =	vst.idx.msk $0xffff, v17  }
0xc0: {  	s9 =	sadd.s32 $0xFFFFFFFB, s10;
	v18 =	vadd.s32 v4, v19;
	v17 =	vld [tilespmem:s8+$0xFFFFFFB0]  }
0xc1: {  	v19 =	vmov s9  }
0xc2: {  	v19 =	vshrl.u32 v19, $0x3  }
0xc3: {  	v19 =	vshll.u32 v19, v1  }
0xc4: {  	v19 =	vbroadcast v19, $0x0  }
0xc5: {  	[tilespmem:v18+s24+$0x0] =	vst.idx.msk $0xffff, v17  }
0xc6: {  	v18 =	vadd.s32 v5, v19;
	v17 =	vld [tilespmem:s8+$0xFFFFFFC0];
	_ =	sdelay $0x4  }
0xc7: {  	[tilespmem:v18+s24+$0x0] =	vst.idx.msk $0xffff, v17  }
0xc8: {  	s14 =	sadd.s32 $0xFFFFFFFC, s10;
	v18 =	vadd.s32 v6, v19;
	v17 =	vld [tilespmem:s8+$0xFFFFFFD0]  }
0xc9: {  	v19 =	vmov s14  }
0xca: {  	v19 =	vshrl.u32 v19, $0x3  }
0xcb: {  	v19 =	vshll.u32 v19, v1  }
0xcc: {  	v19 =	vbroadcast v19, $0x0  }
0xcd: {  	[tilespmem:v18+s24+$0x0] =	vst.idx.msk $0xffff, v17  }
0xce: {  	v18 =	vadd.s32 v7, v19;
	v17 =	vld [tilespmem:s8+$0xFFFFFFE0];
	_ =	sdelay $0x4  }
0xcf: {  	[tilespmem:v18+s24+$0x0] =	vst.idx.msk $0xffff, v17  }
0xd0: {  	s9 =	sadd.s32 $0xFFFFFFFD, s10;
	v18 =	vadd.s32 v8, v19;
	v17 =	vld [tilespmem:s8+$0xFFFFFFF0]  }
0xd1: {  	v19 =	vmov s9  }
0xd2: {  	v19 =	vshrl.u32 v19, $0x3  }
0xd3: {  	v19 =	vshll.u32 v19, v1  }
0xd4: {  	v19 =	vbroadcast v19, $0x0  }
0xd5: {  	[tilespmem:v18+s24+$0x0] =	vst.idx.msk $0xffff, v17  }
0xd6: {  	v18 =	vadd.s32 v9, v19;
	v17 =	vld [tilespmem:s8+$0x0];
	_ =	sdelay $0x4  }
0xd7: {  	[tilespmem:v18+s24+$0x0] =	vst.idx.msk $0xffff, v17  }
0xd8: {  	s14 =	sadd.s32 $0xFFFFFFFE, s10;
	v18 =	vadd.s32 v10, v19;
	v17 =	vld [tilespmem:s8+$0x10]  }
0xd9: {  	v19 =	vmov s14  }
0xda: {  	v19 =	vshrl.u32 v19, $0x3  }
0xdb: {  	v19 =	vshll.u32 v19, v1  }
0xdc: {  	v19 =	vbroadcast v19, $0x0  }
0xdd: {  	[tilespmem:v18+s24+$0x0] =	vst.idx.msk $0xffff, v17  }
0xde: {  	v18 =	vadd.s32 v11, v19;
	v17 =	vld [tilespmem:s8+$0x20];
	_ =	sdelay $0x4  }
0xdf: {  	[tilespmem:v18+s24+$0x0] =	vst.idx.msk $0xffff, v17  }
0xe0: {  	s9 =	sadd.s32 $0xFFFFFFFF, s10;
	v18 =	vadd.s32 v12, v19;
	v17 =	vld [tilespmem:s8+$0x30]  }
0xe1: {  	v19 =	vmov s9  }
0xe2: {  	v19 =	vshrl.u32 v19, $0x3  }
0xe3: {  	v19 =	vshll.u32 v19, v1  }
0xe4: {  	v19 =	vbroadcast v19, $0x0  }
0xe5: {  	[tilespmem:v18+s24+$0x0] =	vst.idx.msk $0xffff, v17  }
0xe6: {  	v18 =	vadd.s32 v13, v19;
	v17 =	vld [tilespmem:s8+$0x40];
	_ =	sdelay $0x4  }
0xe7: {  	[tilespmem:v18+s24+$0x0] =	vst.idx.msk $0xffff, v17  }
0xe8: {  	v18 =	vadd.s32 v14, v19;
	v17 =	vld [tilespmem:s8+$0x50]  }
0xe9: {  	v19 =	vmov s10  }
0xea: {  	v19 =	vshrl.u32 v19, $0x3  }
0xeb: {  	v19 =	vshll.u32 v19, v1  }
0xec: {  	v19 =	vbroadcast v19, $0x0  }
0xed: {  	[tilespmem:v18+s24+$0x0] =	vst.idx.msk $0xffff, v17  }
0xee: {  	v18 =	vadd.s32 v15, v19;
	v17 =	vld [tilespmem:s8+$0x60];
	_ =	sdelay $0x4  }
0xef: {  	[tilespmem:v18+s24+$0x0] =	vst.idx.msk $0xffff, v17  }
0xf0: {  	v18 =	vadd.s32 v16, v19;
	v17 =	vld [tilespmem:s8+$0x70]  }
0xf1: {  	p1 =	sne.s32 s18, $0x18;
	s10 =	sadd.s32 s7, s19  }
.Ltmp1:
0xf2: {  	s14 =	sshll.u32 s10, $0x4;
	(pc) =	sbr.rel @p1 .LBB2_6-.Ltmp1, $4  }
0xf3: {  	s0 =	sshll.u32 s10, $0x9;
	s8 =	sand.u32 $0x40, s14  }
0xf4: {  	s0 =	sand.u32 $0xFFFF000, s0;
	s8 =	sadd.s32 s3, s8  }
0xf5: {  	s0 =	sadd.s32 s0, s8;
	[tilespmem:v18+s24+$0x0] =	vst.idx.msk $0xffff, v17  }
0xf6: {  	[hbm4b:s0+s16] =	stream.strided.scatter [tilespmem:s24], [sflag:$0x5], $0x1000, s25, s16, $0x38;
	[tilespmem:$0x6200] =	vst v63  }
.Ltmp2:
0xf7: {  	(pc) =	sbr.rel .LBB2_7-.Ltmp2, $4  }
0xf8: {  	_ = 	snop  }
0xf9: {  	_ =	swait.ge [sflag:s26], $0x1000  }
0xfa: {  	[sflag:s26] =	ssyncset.done $0x0  }
0xfb: {  	[sflag:s26] =	ssyncadd.s32 $0xFFFFF000  }
.LBB2_6:
0xfc: {  	s0 =	sshll.u32 s18, $0x9  }
0xfd: {  	s0 =	sadd.s32 s0, s11  }
0xfe: {  	s0 =	sshrl.u32 s0, $0x3  }
0xff: {  	s0 =	sadd.s32 s2, s0  }
0x100: {  	[tilespmem:s4], [sflag:$0x7] =	stream.linear.gather [hbm4b:s0+s4], $0x80, $0x38;
	[tilespmem:$0x6200] =	vst v63  }
0x101: {  	_ =	swait.ge [sflag:s15], $0x80  }
0x102: {  	[sflag:s15] =	ssyncset.done $0x0  }
.Ltmp3:
0x103: {  	[sflag:s15] =	ssyncadd.s32 $0xFFFFFF80;
	(pc) =	sbr.rel @p0 .LBB2_8-.Ltmp3, $4  }
0x104: {  	[tilespmem:s17], [sflag:$0x1] =	stream.indirect.gather [hbm4b:s6+s16], $0x20, s4, s16, $0xb8;
	[tilespmem:$0x6200] =	vst v63  }
0x105: {  	_ =	swait.ge [sflag:s26], $0x1000  }
0x106: {  	[sflag:s26] =	ssyncset.done $0x0  }
0x107: {  	[sflag:s26] =	ssyncadd.s32 $0xFFFFF000  }
.LBB2_7:
0x108: {  	_ =	swait.ge [sflag:s28], $0x1000  }
0x109: {  	[sflag:s28] =	ssyncset.done $0x0  }
0x10a: {  	[sflag:s28] =	ssyncadd.s32 $0xFFFFF000  }
.LBB2_8:
0x10b: {  	s0 =	simm.s32 $0x0  }
0x10c: {  	v17 =	vmov s0  }
0x10d: {  	v17 =	vshrl.u32 v17, $0x3  }
0x10e: {  	v17 =	vshll.u32 v17, v1  }
0x10f: {  	v17 =	vbroadcast v17, $0x0  }
0x110: {  	s10 =	simm.s32 $0x12F0  }
0x111: {  	v18 =	vld [tilespmem:s10+$0xFFFFFF10];
	v19 =	vor.u32 v0, v17;
	_ =	sdelay $0x4  }
0x112: {  	[tilespmem:v19+s29+$0x0] =	vst.idx.msk $0xffff, v18  }
0x113: {  	s14 =	simm.s32 $0x1;
	v17 =	vor.u32 v2, v17;
	v18 =	vld [tilespmem:s10+$0xFFFFFF20]  }
0x114: {  	v19 =	vmov s14  }
0x115: {  	v19 =	vshrl.u32 v19, $0x3  }
0x116: {  	v19 =	vshll.u32 v19, v1  }
0x117: {  	v19 =	vbroadcast v19, $0x0  }
0x118: {  	[tilespmem:v17+s29+$0x0] =	vst.idx.msk $0xffff, v18  }
0x119: {  	v18 =	vadd.s32 v3, v19;
	v17 =	vld [tilespmem:s10+$0xFFFFFF30];
	_ =	sdelay $0x4  }
0x11a: {  	[tilespmem:v18+s29+$0x0] =	vst.idx.msk $0xffff, v17  }
0x11b: {  	s8 =	simm.s32 $0x2;
	v18 =	vadd.s32 v4, v19;
	v17 =	vld [tilespmem:s10+$0xFFFFFF40]  }
0x11c: {  	v19 =	vmov s8  }
0x11d: {  	v19 =	vshrl.u32 v19, $0x3  }
0x11e: {  	v19 =	vshll.u32 v19, v1  }
0x11f: {  	v19 =	vbroadcast v19, $0x0  }
0x120: {  	[tilespmem:v18+s29+$0x0] =	vst.idx.msk $0xffff, v17  }
0x121: {  	v18 =	vadd.s32 v5, v19;
	v17 =	vld [tilespmem:s10+$0xFFFFFF50];
	_ =	sdelay $0x4  }
0x122: {  	[tilespmem:v18+s29+$0x0] =	vst.idx.msk $0xffff, v17  }
0x123: {  	s9 =	simm.s32 $0x3;
	v18 =	vadd.s32 v6, v19;
	v17 =	vld [tilespmem:s10+$0xFFFFFF60]  }
0x124: {  	v19 =	vmov s9  }
0x125: {  	v19 =	vshrl.u32 v19, $0x3  }
0x126: {  	v19 =	vshll.u32 v19, v1  }
0x127: {  	v19 =	vbroadcast v19, $0x0  }
0x128: {  	[tilespmem:v18+s29+$0x0] =	vst.idx.msk $0xffff, v17  }
0x129: {  	v18 =	vadd.s32 v7, v19;
	v17 =	vld [tilespmem:s10+$0xFFFFFF70];
	_ =	sdelay $0x4  }
0x12a: {  	[tilespmem:v18+s29+$0x0] =	vst.idx.msk $0xffff, v17  }
0x12b: {  	s14 =	simm.s32 $0x4;
	v18 =	vadd.s32 v8, v19;
	v17 =	vld [tilespmem:s10+$0xFFFFFF80]  }
0x12c: {  	v19 =	vmov s14  }
0x12d: {  	v19 =	vshrl.u32 v19, $0x3  }
0x12e: {  	v19 =	vshll.u32 v19, v1  }
0x12f: {  	v19 =	vbroadcast v19, $0x0  }
0x130: {  	[tilespmem:v18+s29+$0x0] =	vst.idx.msk $0xffff, v17  }
0x131: {  	v18 =	vadd.s32 v9, v19;
	v17 =	vld [tilespmem:s10+$0xFFFFFF90];
	_ =	sdelay $0x4  }
0x132: {  	[tilespmem:v18+s29+$0x0] =	vst.idx.msk $0xffff, v17  }
0x133: {  	s8 =	simm.s32 $0x5;
	v18 =	vadd.s32 v10, v19;
	v17 =	vld [tilespmem:s10+$0xFFFFFFA0]  }
0x134: {  	v19 =	vmov s8  }
0x135: {  	v19 =	vshrl.u32 v19, $0x3  }
0x136: {  	v19 =	vshll.u32 v19, v1  }
0x137: {  	v19 =	vbroadcast v19, $0x0  }
0x138: {  	[tilespmem:v18+s29+$0x0] =	vst.idx.msk $0xffff, v17  }
0x139: {  	v18 =	vadd.s32 v11, v19;
	v17 =	vld [tilespmem:s10+$0xFFFFFFB0];
	_ =	sdelay $0x4  }
0x13a: {  	[tilespmem:v18+s29+$0x0] =	vst.idx.msk $0xffff, v17  }
0x13b: {  	s9 =	simm.s32 $0x6;
	v18 =	vadd.s32 v12, v19;
	v17 =	vld [tilespmem:s10+$0xFFFFFFC0]  }
0x13c: {  	v19 =	vmov s9  }
0x13d: {  	v19 =	vshrl.u32 v19, $0x3  }
0x13e: {  	v19 =	vshll.u32 v19, v1  }
0x13f: {  	v19 =	vbroadcast v19, $0x0  }
0x140: {  	[tilespmem:v18+s29+$0x0] =	vst.idx.msk $0xffff, v17  }
0x141: {  	v18 =	vadd.s32 v13, v19;
	v17 =	vld [tilespmem:s10+$0xFFFFFFD0];
	_ =	sdelay $0x4  }
0x142: {  	[tilespmem:v18+s29+$0x0] =	vst.idx.msk $0xffff, v17  }
0x143: {  	s14 =	simm.s32 $0x7;
	v18 =	vadd.s32 v14, v19;
	v17 =	vld [tilespmem:s10+$0xFFFFFFE0]  }
0x144: {  	v19 =	vmov s14  }
0x145: {  	v19 =	vshrl.u32 v19, $0x3  }
0x146: {  	v19 =	vshll.u32 v19, v1  }
0x147: {  	v19 =	vbroadcast v19, $0x0  }
0x148: {  	[tilespmem:v18+s29+$0x0] =	vst.idx.msk $0xffff, v17  }
0x149: {  	v18 =	vadd.s32 v15, v19;
	v17 =	vld [tilespmem:s10+$0xFFFFFFF0];
	_ =	sdelay $0x4  }
0x14a: {  	s0 =	simm.s32 $0x8;
	[tilespmem:v18+s29+$0x0] =	vst.idx.msk $0xffff, v17  }
0x14b: {  	s8 =	simm.s32 $0x17;
	s9 =	sor.u32 $0x1, s19;
	s14 =	simm.s32 $0xF;
	v18 =	vadd.s32 v16, v19;
	v17 =	vld [tilespmem:s10+$0x0]  }
.LBB2_9:
0x14c: {  	p0 =	sne.s32 s8, $0x7F;
	v19 =	vmov s0  }
0x14d: {  	v19 =	vshrl.u32 v19, $0x3  }
0x14e: {  	v19 =	vshll.u32 v19, v1  }
0x14f: {  	v19 =	vbroadcast v19, $0x0  }
0x150: {  	s10 =	sadd.s32 $0x100, s10;
	[tilespmem:v18+s29+$0x0] =	vst.idx.msk $0xffff, v17  }
0x151: {  	v17 =	vld [tilespmem:s10+$0xFFFFFF10];
	v18 =	vor.u32 v0, v19;
	_ =	sdelay $0x4  }
0x152: {  	[tilespmem:v18+s29+$0x0] =	vst.idx.msk $0xffff, v17  }
0x153: {  	s0 =	sadd.s32 $0xFFFFFFFA, s14;
	v18 =	vor.u32 v2, v19;
	v17 =	vld [tilespmem:s10+$0xFFFFFF20]  }
0x154: {  	v19 =	vmov s0  }
0x155: {  	v19 =	vshrl.u32 v19, $0x3  }
0x156: {  	v19 =	vshll.u32 v19, v1  }
0x157: {  	v19 =	vbroadcast v19, $0x0  }
0x158: {  	[tilespmem:v18+s29+$0x0] =	vst.idx.msk $0xffff, v17  }
0x159: {  	v18 =	vadd.s32 v3, v19;
	v17 =	vld [tilespmem:s10+$0xFFFFFF30];
	_ =	sdelay $0x4  }
0x15a: {  	[tilespmem:v18+s29+$0x0] =	vst.idx.msk $0xffff, v17  }
0x15b: {  	s0 =	sadd.s32 $0xFFFFFFFB, s14;
	v18 =	vadd.s32 v4, v19;
	v17 =	vld [tilespmem:s10+$0xFFFFFF40]  }
0x15c: {  	v19 =	vmov s0  }
0x15d: {  	v19 =	vshrl.u32 v19, $0x3  }
0x15e: {  	v19 =	vshll.u32 v19, v1  }
0x15f: {  	v19 =	vbroadcast v19, $0x0  }
0x160: {  	[tilespmem:v18+s29+$0x0] =	vst.idx.msk $0xffff, v17  }
0x161: {  	v18 =	vadd.s32 v5, v19;
	v17 =	vld [tilespmem:s10+$0xFFFFFF50];
	_ =	sdelay $0x4  }
0x162: {  	[tilespmem:v18+s29+$0x0] =	vst.idx.msk $0xffff, v17  }
0x163: {  	s0 =	sadd.s32 $0xFFFFFFFC, s14;
	v18 =	vadd.s32 v6, v19;
	v17 =	vld [tilespmem:s10+$0xFFFFFF60]  }
0x164: {  	v19 =	vmov s0  }
0x165: {  	v19 =	vshrl.u32 v19, $0x3  }
0x166: {  	v19 =	vshll.u32 v19, v1  }
0x167: {  	v19 =	vbroadcast v19, $0x0  }
0x168: {  	[tilespmem:v18+s29+$0x0] =	vst.idx.msk $0xffff, v17  }
0x169: {  	v18 =	vadd.s32 v7, v19;
	v17 =	vld [tilespmem:s10+$0xFFFFFF70];
	_ =	sdelay $0x4  }
0x16a: {  	[tilespmem:v18+s29+$0x0] =	vst.idx.msk $0xffff, v17  }
0x16b: {  	s0 =	sadd.s32 $0xFFFFFFFD, s14;
	v18 =	vadd.s32 v8, v19;
	v17 =	vld [tilespmem:s10+$0xFFFFFF80]  }
0x16c: {  	v19 =	vmov s0  }
0x16d: {  	v19 =	vshrl.u32 v19, $0x3  }
0x16e: {  	v19 =	vshll.u32 v19, v1  }
0x16f: {  	v19 =	vbroadcast v19, $0x0  }
0x170: {  	[tilespmem:v18+s29+$0x0] =	vst.idx.msk $0xffff, v17  }
0x171: {  	v18 =	vadd.s32 v9, v19;
	v17 =	vld [tilespmem:s10+$0xFFFFFF90];
	_ =	sdelay $0x4  }
0x172: {  	[tilespmem:v18+s29+$0x0] =	vst.idx.msk $0xffff, v17  }
0x173: {  	s0 =	sadd.s32 $0xFFFFFFFE, s14;
	v18 =	vadd.s32 v10, v19;
	v17 =	vld [tilespmem:s10+$0xFFFFFFA0]  }
0x174: {  	v19 =	vmov s0  }
0x175: {  	v19 =	vshrl.u32 v19, $0x3  }
0x176: {  	v19 =	vshll.u32 v19, v1  }
0x177: {  	v19 =	vbroadcast v19, $0x0  }
0x178: {  	[tilespmem:v18+s29+$0x0] =	vst.idx.msk $0xffff, v17  }
0x179: {  	v18 =	vadd.s32 v11, v19;
	v17 =	vld [tilespmem:s10+$0xFFFFFFB0];
	_ =	sdelay $0x4  }
0x17a: {  	[tilespmem:v18+s29+$0x0] =	vst.idx.msk $0xffff, v17  }
0x17b: {  	s0 =	sadd.s32 $0xFFFFFFFF, s14;
	v18 =	vadd.s32 v12, v19;
	v17 =	vld [tilespmem:s10+$0xFFFFFFC0]  }
0x17c: {  	v19 =	vmov s0  }
0x17d: {  	v19 =	vshrl.u32 v19, $0x3  }
0x17e: {  	v19 =	vshll.u32 v19, v1  }
0x17f: {  	v19 =	vbroadcast v19, $0x0  }
0x180: {  	[tilespmem:v18+s29+$0x0] =	vst.idx.msk $0xffff, v17  }
0x181: {  	v18 =	vadd.s32 v13, v19;
	v17 =	vld [tilespmem:s10+$0xFFFFFFD0];
	_ =	sdelay $0x4  }
0x182: {  	[tilespmem:v18+s29+$0x0] =	vst.idx.msk $0xffff, v17  }
0x183: {  	v18 =	vadd.s32 v14, v19;
	v17 =	vld [tilespmem:s10+$0xFFFFFFE0]  }
0x184: {  	v19 =	vmov s14;
	s14 =	smov.u32 s8  }
0x185: {  	v19 =	vshrl.u32 v19, $0x3  }
0x186: {  	v19 =	vshll.u32 v19, v1  }
0x187: {  	v19 =	vbroadcast v19, $0x0  }
0x188: {  	[tilespmem:v18+s29+$0x0] =	vst.idx.msk $0xffff, v17  }
0x189: {  	v18 =	vadd.s32 v15, v19;
	v17 =	vld [tilespmem:s10+$0xFFFFFFF0];
	_ =	sdelay $0x1  }
.Ltmp4:
0x18a: {  	(pc) =	sbr.rel @p0 .LBB2_9-.Ltmp4, $3  }
0x18b: {  	_ =	sdelay $0x1  }
0x18c: {  	[tilespmem:v18+s29+$0x0] =	vst.idx.msk $0xffff, v17  }
0x18d: {  	s8 =	sadd.s32 $0x8, s8;
	s0 =	sadd.s32 $0xFFFFFFF9, s14;
	v18 =	vadd.s32 v16, v19;
	v17 =	vld [tilespmem:s10+$0x0]  }
0x18e: {  	v19 =	vmov s0  }
0x18f: {  	v19 =	vshrl.u32 v19, $0x3  }
0x190: {  	v19 =	vshll.u32 v19, v1  }
0x191: {  	v19 =	vbroadcast v19, $0x0  }
0x192: {  	s8 =	sadd.s32 $0x100, s10;
	[tilespmem:v18+s29+$0x0] =	vst.idx.msk $0xffff, v17  }
0x193: {  	v17 =	vld [tilespmem:s8+$0xFFFFFF10];
	v18 =	vor.u32 v0, v19;
	_ =	sdelay $0x4  }
0x194: {  	[tilespmem:v18+s29+$0x0] =	vst.idx.msk $0xffff, v17  }
0x195: {  	s10 =	sadd.s32 $0xFFFFFFFA, s14;
	v18 =	vor.u32 v2, v19;
	v17 =	vld [tilespmem:s8+$0xFFFFFF20]  }
0x196: {  	v19 =	vmov s10  }
0x197: {  	v19 =	vshrl.u32 v19, $0x3  }
0x198: {  	v19 =	vshll.u32 v19, v1  }
0x199: {  	v19 =	vbroadcast v19, $0x0  }
0x19a: {  	[tilespmem:v18+s29+$0x0] =	vst.idx.msk $0xffff, v17  }
0x19b: {  	v18 =	vadd.s32 v3, v19;
	v17 =	vld [tilespmem:s8+$0xFFFFFF30];
	_ =	sdelay $0x4  }
0x19c: {  	[tilespmem:v18+s29+$0x0] =	vst.idx.msk $0xffff, v17  }
0x19d: {  	s10 =	sadd.s32 $0xFFFFFFFB, s14;
	v18 =	vadd.s32 v4, v19;
	v17 =	vld [tilespmem:s8+$0xFFFFFF40]  }
0x19e: {  	v19 =	vmov s10  }
0x19f: {  	v19 =	vshrl.u32 v19, $0x3  }
0x1a0: {  	v19 =	vshll.u32 v19, v1  }
0x1a1: {  	v19 =	vbroadcast v19, $0x0  }
0x1a2: {  	[tilespmem:v18+s29+$0x0] =	vst.idx.msk $0xffff, v17  }
0x1a3: {  	v18 =	vadd.s32 v5, v19;
	v17 =	vld [tilespmem:s8+$0xFFFFFF50];
	_ =	sdelay $0x4  }
0x1a4: {  	[tilespmem:v18+s29+$0x0] =	vst.idx.msk $0xffff, v17  }
0x1a5: {  	s10 =	sadd.s32 $0xFFFFFFFC, s14;
	v18 =	vadd.s32 v6, v19;
	v17 =	vld [tilespmem:s8+$0xFFFFFF60]  }
0x1a6: {  	v19 =	vmov s10  }
0x1a7: {  	v19 =	vshrl.u32 v19, $0x3  }
0x1a8: {  	v19 =	vshll.u32 v19, v1  }
0x1a9: {  	v19 =	vbroadcast v19, $0x0  }
0x1aa: {  	[tilespmem:v18+s29+$0x0] =	vst.idx.msk $0xffff, v17  }
0x1ab: {  	v18 =	vadd.s32 v7, v19;
	v17 =	vld [tilespmem:s8+$0xFFFFFF70];
	_ =	sdelay $0x4  }
0x1ac: {  	[tilespmem:v18+s29+$0x0] =	vst.idx.msk $0xffff, v17  }
0x1ad: {  	s10 =	sadd.s32 $0xFFFFFFFD, s14;
	v18 =	vadd.s32 v8, v19;
	v17 =	vld [tilespmem:s8+$0xFFFFFF80]  }
0x1ae: {  	v19 =	vmov s10  }
0x1af: {  	v19 =	vshrl.u32 v19, $0x3  }
0x1b0: {  	v19 =	vshll.u32 v19, v1  }
0x1b1: {  	v19 =	vbroadcast v19, $0x0  }
0x1b2: {  	[tilespmem:v18+s29+$0x0] =	vst.idx.msk $0xffff, v17  }
0x1b3: {  	v18 =	vadd.s32 v9, v19;
	v17 =	vld [tilespmem:s8+$0xFFFFFF90];
	_ =	sdelay $0x4  }
0x1b4: {  	[tilespmem:v18+s29+$0x0] =	vst.idx.msk $0xffff, v17  }
0x1b5: {  	s10 =	sadd.s32 $0xFFFFFFFE, s14;
	v18 =	vadd.s32 v10, v19;
	v17 =	vld [tilespmem:s8+$0xFFFFFFA0]  }
0x1b6: {  	v19 =	vmov s10  }
0x1b7: {  	v19 =	vshrl.u32 v19, $0x3  }
0x1b8: {  	v19 =	vshll.u32 v19, v1  }
0x1b9: {  	v19 =	vbroadcast v19, $0x0  }
0x1ba: {  	[tilespmem:v18+s29+$0x0] =	vst.idx.msk $0xffff, v17  }
0x1bb: {  	v18 =	vadd.s32 v11, v19;
	v17 =	vld [tilespmem:s8+$0xFFFFFFB0];
	_ =	sdelay $0x4  }
0x1bc: {  	[tilespmem:v18+s29+$0x0] =	vst.idx.msk $0xffff, v17  }
0x1bd: {  	s10 =	sadd.s32 $0xFFFFFFFF, s14;
	v18 =	vadd.s32 v12, v19;
	v17 =	vld [tilespmem:s8+$0xFFFFFFC0]  }
0x1be: {  	v19 =	vmov s10  }
0x1bf: {  	v19 =	vshrl.u32 v19, $0x3  }
0x1c0: {  	v19 =	vshll.u32 v19, v1  }
0x1c1: {  	v19 =	vbroadcast v19, $0x0  }
0x1c2: {  	[tilespmem:v18+s29+$0x0] =	vst.idx.msk $0xffff, v17  }
0x1c3: {  	v18 =	vadd.s32 v13, v19;
	v17 =	vld [tilespmem:s8+$0xFFFFFFD0];
	_ =	sdelay $0x4  }
0x1c4: {  	[tilespmem:v18+s29+$0x0] =	vst.idx.msk $0xffff, v17  }
0x1c5: {  	v18 =	vadd.s32 v14, v19;
	v17 =	vld [tilespmem:s8+$0xFFFFFFE0]  }
0x1c6: {  	v19 =	vmov s14  }
0x1c7: {  	v19 =	vshrl.u32 v19, $0x3  }
0x1c8: {  	v19 =	vshll.u32 v19, v1  }
0x1c9: {  	v19 =	vbroadcast v19, $0x0  }
0x1ca: {  	[tilespmem:v18+s29+$0x0] =	vst.idx.msk $0xffff, v17  }
0x1cb: {  	v18 =	vadd.s32 v15, v19;
	v17 =	vld [tilespmem:s8+$0xFFFFFFF0];
	_ =	sdelay $0x4  }
0x1cc: {  	[tilespmem:v18+s29+$0x0] =	vst.idx.msk $0xffff, v17  }
0x1cd: {  	v18 =	vadd.s32 v16, v19;
	v17 =	vld [tilespmem:s8+$0x0]  }
0x1ce: {  	s8 =	sadd.s32 s7, s9  }
0x1cf: {  	s9 =	sshll.u32 s8, $0x4  }
0x1d0: {  	s0 =	sshll.u32 s8, $0x9;
	s8 =	sand.u32 $0x50, s9  }
0x1d1: {  	p0 =	seq.s32 s18, $0x18;
	s0 =	sand.u32 $0xFFFF000, s0;
	s8 =	sadd.s32 s3, s8  }
0x1d2: {  	s9 =	sshll.u32 @!p0 s18, $0x9;
	s0 =	sadd.s32 s0, s8;
	[tilespmem:v18+s29+$0x0] =	vst.idx.msk $0xffff, v17  }
0x1d3: {  	[hbm4b:s0+s16] =	stream.strided.scatter [tilespmem:s29], [sflag:$0x6], $0x1000, s25, s16, $0x38;
	[tilespmem:$0x6200] =	vst v63  }
0x1d4: {  	s0 =	sadd.s32 @!p0 s9, s12  }
0x1d5: {  	s0 =	sshrl.u32 @!p0 s0, $0x3  }
0x1d6: {  	s10 =	simm.s32 @!p0 $0x80;
	s8 =	simm.s32 @!p0 $0x0;
	s0 =	sadd.s32 @!p0 s2, s0  }
0x1d7: {  	[tilespmem:s10], [sflag:$0x7] =	stream.linear.gather @!p0 [hbm4b:s0+s8], $0x80, $0x38;
	[tilespmem:$0x6200] =	vst v63  }
0x1d8: {  	s0 =	simm.s32 @!p0 $0x7  }
0x1d9: {  	_ =	swait.ge @!p0 [sflag:s0], $0x80  }
0x1da: {  	[sflag:s0] =	ssyncset.done @!p0 $0x0  }
0x1db: {  	[sflag:s0] =	ssyncadd.s32 @!p0 $0xFFFFFF80;
	s0 =	simm.s32 @!p0 $0x1200  }
0x1dc: {  	[tilespmem:s0], [sflag:$0x2] =	stream.indirect.gather @!p0 [hbm4b:s6+s10], $0x20, s10, s10, $0xb8;
	[tilespmem:$0x6200] =	vst v63  }
0x1dd: {  	s10 =	simm.s32 $0x0;
	_ =	swait.ge [sflag:s30], $0x1000  }
0x1de: {  	v17 =	vmov s10;
	[sflag:s30] =	ssyncset.done $0x0  }
0x1df: {  	v17 =	vshrl.u32 v17, $0x3;
	[sflag:s30] =	ssyncadd.s32 $0xFFFFF000  }
0x1e0: {  	v17 =	vshll.u32 v17, v1;
	_ =	swait.ge [sflag:s31], $0x1000  }
0x1e1: {  	v17 =	vbroadcast v17, $0x0;
	[sflag:s31] =	ssyncset.done $0x0  }
0x1e2: {  	s10 =	simm.s32 $0x22F0;
	[sflag:s31] =	ssyncadd.s32 $0xFFFFF000  }
0x1e3: {  	v19 =	vor.u32 v0, v17;
	v18 =	vld [tilespmem:s10+$0xFFFFFF10];
	_ =	sdelay $0x4  }
0x1e4: {  	[tilespmem:v19+s24+$0x0] =	vst.idx.msk $0xffff, v18  }
0x1e5: {  	s14 =	simm.s32 $0x1;
	v17 =	vor.u32 v2, v17;
	v18 =	vld [tilespmem:s10+$0xFFFFFF20]  }
0x1e6: {  	v19 =	vmov s14  }
0x1e7: {  	v19 =	vshrl.u32 v19, $0x3  }
0x1e8: {  	v19 =	vshll.u32 v19, v1  }
0x1e9: {  	v19 =	vbroadcast v19, $0x0  }
0x1ea: {  	[tilespmem:v17+s24+$0x0] =	vst.idx.msk $0xffff, v18  }
0x1eb: {  	v18 =	vadd.s32 v3, v19;
	v17 =	vld [tilespmem:s10+$0xFFFFFF30];
	_ =	sdelay $0x4  }
0x1ec: {  	[tilespmem:v18+s24+$0x0] =	vst.idx.msk $0xffff, v17  }
0x1ed: {  	s8 =	simm.s32 $0x2;
	v18 =	vadd.s32 v4, v19;
	v17 =	vld [tilespmem:s10+$0xFFFFFF40]  }
0x1ee: {  	v19 =	vmov s8  }
0x1ef: {  	v19 =	vshrl.u32 v19, $0x3  }
0x1f0: {  	v19 =	vshll.u32 v19, v1  }
0x1f1: {  	v19 =	vbroadcast v19, $0x0  }
0x1f2: {  	[tilespmem:v18+s24+$0x0] =	vst.idx.msk $0xffff, v17  }
0x1f3: {  	v18 =	vadd.s32 v5, v19;
	v17 =	vld [tilespmem:s10+$0xFFFFFF50];
	_ =	sdelay $0x4  }
0x1f4: {  	[tilespmem:v18+s24+$0x0] =	vst.idx.msk $0xffff, v17  }
0x1f5: {  	s14 =	simm.s32 $0x3;
	v18 =	vadd.s32 v6, v19;
	v17 =	vld [tilespmem:s10+$0xFFFFFF60]  }
0x1f6: {  	v19 =	vmov s14  }
0x1f7: {  	v19 =	vshrl.u32 v19, $0x3  }
0x1f8: {  	v19 =	vshll.u32 v19, v1  }
0x1f9: {  	v19 =	vbroadcast v19, $0x0  }
0x1fa: {  	[tilespmem:v18+s24+$0x0] =	vst.idx.msk $0xffff, v17  }
0x1fb: {  	v18 =	vadd.s32 v7, v19;
	v17 =	vld [tilespmem:s10+$0xFFFFFF70];
	_ =	sdelay $0x4  }
0x1fc: {  	[tilespmem:v18+s24+$0x0] =	vst.idx.msk $0xffff, v17  }
0x1fd: {  	s8 =	simm.s32 $0x4;
	v18 =	vadd.s32 v8, v19;
	v17 =	vld [tilespmem:s10+$0xFFFFFF80]  }
0x1fe: {  	v19 =	vmov s8  }
0x1ff: {  	v19 =	vshrl.u32 v19, $0x3  }
0x200: {  	v19 =	vshll.u32 v19, v1  }
0x201: {  	v19 =	vbroadcast v19, $0x0  }
0x202: {  	[tilespmem:v18+s24+$0x0] =	vst.idx.msk $0xffff, v17  }
0x203: {  	v18 =	vadd.s32 v9, v19;
	v17 =	vld [tilespmem:s10+$0xFFFFFF90];
	_ =	sdelay $0x4  }
0x204: {  	[tilespmem:v18+s24+$0x0] =	vst.idx.msk $0xffff, v17  }
0x205: {  	s14 =	simm.s32 $0x5;
	v18 =	vadd.s32 v10, v19;
	v17 =	vld [tilespmem:s10+$0xFFFFFFA0]  }
0x206: {  	v19 =	vmov s14  }
0x207: {  	v19 =	vshrl.u32 v19, $0x3  }
0x208: {  	v19 =	vshll.u32 v19, v1  }
0x209: {  	v19 =	vbroadcast v19, $0x0  }
0x20a: {  	[tilespmem:v18+s24+$0x0] =	vst.idx.msk $0xffff, v17  }
0x20b: {  	v18 =	vadd.s32 v11, v19;
	v17 =	vld [tilespmem:s10+$0xFFFFFFB0];
	_ =	sdelay $0x4  }
0x20c: {  	[tilespmem:v18+s24+$0x0] =	vst.idx.msk $0xffff, v17  }
0x20d: {  	s8 =	simm.s32 $0x6;
	v18 =	vadd.s32 v12, v19;
	v17 =	vld [tilespmem:s10+$0xFFFFFFC0]  }
0x20e: {  	v19 =	vmov s8  }
0x20f: {  	v19 =	vshrl.u32 v19, $0x3  }
0x210: {  	v19 =	vshll.u32 v19, v1  }
0x211: {  	v19 =	vbroadcast v19, $0x0  }
0x212: {  	[tilespmem:v18+s24+$0x0] =	vst.idx.msk $0xffff, v17  }
0x213: {  	v18 =	vadd.s32 v13, v19;
	v17 =	vld [tilespmem:s10+$0xFFFFFFD0];
	_ =	sdelay $0x4  }
0x214: {  	[tilespmem:v18+s24+$0x0] =	vst.idx.msk $0xffff, v17  }
0x215: {  	s14 =	simm.s32 $0x7;
	v18 =	vadd.s32 v14, v19;
	v17 =	vld [tilespmem:s10+$0xFFFFFFE0]  }
0x216: {  	v19 =	vmov s14  }
0x217: {  	v19 =	vshrl.u32 v19, $0x3  }
0x218: {  	v19 =	vshll.u32 v19, v1  }
0x219: {  	v19 =	vbroadcast v19, $0x0  }
0x21a: {  	[tilespmem:v18+s24+$0x0] =	vst.idx.msk $0xffff, v17  }
0x21b: {  	v18 =	vadd.s32 v15, v19;
	v17 =	vld [tilespmem:s10+$0xFFFFFFF0];
	_ =	sdelay $0x4  }
0x21c: {  	s19 =	sor.u32 $0x2, s19;
	[tilespmem:v18+s24+$0x0] =	vst.idx.msk $0xffff, v17  }
0x21d: {  	s0 =	simm.s32 $0x8;
	s8 =	simm.s32 $0x17;
	s14 =	simm.s32 $0xF;
	v18 =	vadd.s32 v16, v19;
	v17 =	vld [tilespmem:s10+$0x0]  }
.LBB2_11:
0x21e: {  	p1 =	sne.s32 s8, $0x7F;
	v19 =	vmov s0  }
0x21f: {  	v19 =	vshrl.u32 v19, $0x3  }
0x220: {  	v19 =	vshll.u32 v19, v1  }
0x221: {  	v19 =	vbroadcast v19, $0x0  }
0x222: {  	s10 =	sadd.s32 $0x100, s10;
	[tilespmem:v18+s24+$0x0] =	vst.idx.msk $0xffff, v17  }
0x223: {  	v17 =	vld [tilespmem:s10+$0xFFFFFF10];
	v18 =	vor.u32 v0, v19;
	_ =	sdelay $0x4  }
0x224: {  	[tilespmem:v18+s24+$0x0] =	vst.idx.msk $0xffff, v17  }
0x225: {  	s0 =	sadd.s32 $0xFFFFFFFA, s14;
	v18 =	vor.u32 v2, v19;
	v17 =	vld [tilespmem:s10+$0xFFFFFF20]  }
0x226: {  	v19 =	vmov s0  }
0x227: {  	v19 =	vshrl.u32 v19, $0x3  }
0x228: {  	v19 =	vshll.u32 v19, v1  }
0x229: {  	v19 =	vbroadcast v19, $0x0  }
0x22a: {  	[tilespmem:v18+s24+$0x0] =	vst.idx.msk $0xffff, v17  }
0x22b: {  	v18 =	vadd.s32 v3, v19;
	v17 =	vld [tilespmem:s10+$0xFFFFFF30];
	_ =	sdelay $0x4  }
0x22c: {  	[tilespmem:v18+s24+$0x0] =	vst.idx.msk $0xffff, v17  }
0x22d: {  	s0 =	sadd.s32 $0xFFFFFFFB, s14;
	v18 =	vadd.s32 v4, v19;
	v17 =	vld [tilespmem:s10+$0xFFFFFF40]  }
0x22e: {  	v19 =	vmov s0  }
0x22f: {  	v19 =	vshrl.u32 v19, $0x3  }
0x230: {  	v19 =	vshll.u32 v19, v1  }
0x231: {  	v19 =	vbroadcast v19, $0x0  }
0x232: {  	[tilespmem:v18+s24+$0x0] =	vst.idx.msk $0xffff, v17  }
0x233: {  	v18 =	vadd.s32 v5, v19;
	v17 =	vld [tilespmem:s10+$0xFFFFFF50];
	_ =	sdelay $0x4  }
0x234: {  	[tilespmem:v18+s24+$0x0] =	vst.idx.msk $0xffff, v17  }
0x235: {  	s0 =	sadd.s32 $0xFFFFFFFC, s14;
	v18 =	vadd.s32 v6, v19;
	v17 =	vld [tilespmem:s10+$0xFFFFFF60]  }
0x236: {  	v19 =	vmov s0  }
0x237: {  	v19 =	vshrl.u32 v19, $0x3  }
0x238: {  	v19 =	vshll.u32 v19, v1  }
0x239: {  	v19 =	vbroadcast v19, $0x0  }
0x23a: {  	[tilespmem:v18+s24+$0x0] =	vst.idx.msk $0xffff, v17  }
0x23b: {  	v18 =	vadd.s32 v7, v19;
	v17 =	vld [tilespmem:s10+$0xFFFFFF70];
	_ =	sdelay $0x4  }
0x23c: {  	[tilespmem:v18+s24+$0x0] =	vst.idx.msk $0xffff, v17  }
0x23d: {  	s0 =	sadd.s32 $0xFFFFFFFD, s14;
	v18 =	vadd.s32 v8, v19;
	v17 =	vld [tilespmem:s10+$0xFFFFFF80]  }
0x23e: {  	v19 =	vmov s0  }
0x23f: {  	v19 =	vshrl.u32 v19, $0x3  }
0x240: {  	v19 =	vshll.u32 v19, v1  }
0x241: {  	v19 =	vbroadcast v19, $0x0  }
0x242: {  	[tilespmem:v18+s24+$0x0] =	vst.idx.msk $0xffff, v17  }
0x243: {  	v18 =	vadd.s32 v9, v19;
	v17 =	vld [tilespmem:s10+$0xFFFFFF90];
	_ =	sdelay $0x4  }
0x244: {  	[tilespmem:v18+s24+$0x0] =	vst.idx.msk $0xffff, v17  }
0x245: {  	s0 =	sadd.s32 $0xFFFFFFFE, s14;
	v18 =	vadd.s32 v10, v19;
	v17 =	vld [tilespmem:s10+$0xFFFFFFA0]  }
0x246: {  	v19 =	vmov s0  }
0x247: {  	v19 =	vshrl.u32 v19, $0x3  }
0x248: {  	v19 =	vshll.u32 v19, v1  }
0x249: {  	v19 =	vbroadcast v19, $0x0  }
0x24a: {  	[tilespmem:v18+s24+$0x0] =	vst.idx.msk $0xffff, v17  }
0x24b: {  	v18 =	vadd.s32 v11, v19;
	v17 =	vld [tilespmem:s10+$0xFFFFFFB0];
	_ =	sdelay $0x4  }
0x24c: {  	[tilespmem:v18+s24+$0x0] =	vst.idx.msk $0xffff, v17  }
0x24d: {  	s0 =	sadd.s32 $0xFFFFFFFF, s14;
	v18 =	vadd.s32 v12, v19;
	v17 =	vld [tilespmem:s10+$0xFFFFFFC0]  }
0x24e: {  	v19 =	vmov s0  }
0x24f: {  	v19 =	vshrl.u32 v19, $0x3  }
0x250: {  	v19 =	vshll.u32 v19, v1  }
0x251: {  	v19 =	vbroadcast v19, $0x0  }
0x252: {  	[tilespmem:v18+s24+$0x0] =	vst.idx.msk $0xffff, v17  }
0x253: {  	v18 =	vadd.s32 v13, v19;
	v17 =	vld [tilespmem:s10+$0xFFFFFFD0];
	_ =	sdelay $0x4  }
0x254: {  	[tilespmem:v18+s24+$0x0] =	vst.idx.msk $0xffff, v17  }
0x255: {  	v18 =	vadd.s32 v14, v19;
	v17 =	vld [tilespmem:s10+$0xFFFFFFE0]  }
0x256: {  	v19 =	vmov s14;
	s14 =	smov.u32 s8  }
0x257: {  	v19 =	vshrl.u32 v19, $0x3  }
0x258: {  	v19 =	vshll.u32 v19, v1  }
0x259: {  	v19 =	vbroadcast v19, $0x0  }
0x25a: {  	[tilespmem:v18+s24+$0x0] =	vst.idx.msk $0xffff, v17  }
0x25b: {  	v18 =	vadd.s32 v15, v19;
	v17 =	vld [tilespmem:s10+$0xFFFFFFF0];
	_ =	sdelay $0x1  }
.Ltmp5:
0x25c: {  	(pc) =	sbr.rel @p1 .LBB2_11-.Ltmp5, $3  }
0x25d: {  	_ =	sdelay $0x1  }
0x25e: {  	[tilespmem:v18+s24+$0x0] =	vst.idx.msk $0xffff, v17  }
0x25f: {  	s8 =	sadd.s32 $0x8, s8;
	s0 =	sadd.s32 $0xFFFFFFF9, s14;
	v18 =	vadd.s32 v16, v19;
	v17 =	vld [tilespmem:s10+$0x0]  }
0x260: {  	v19 =	vmov s0  }
0x261: {  	v19 =	vshrl.u32 v19, $0x3  }
0x262: {  	v19 =	vshll.u32 v19, v1  }
0x263: {  	v19 =	vbroadcast v19, $0x0  }
0x264: {  	s8 =	sadd.s32 $0x100, s10;
	[tilespmem:v18+s24+$0x0] =	vst.idx.msk $0xffff, v17  }
0x265: {  	v17 =	vld [tilespmem:s8+$0xFFFFFF10];
	v18 =	vor.u32 v0, v19;
	_ =	sdelay $0x4  }
0x266: {  	[tilespmem:v18+s24+$0x0] =	vst.idx.msk $0xffff, v17  }
0x267: {  	s10 =	sadd.s32 $0xFFFFFFFA, s14;
	v18 =	vor.u32 v2, v19;
	v17 =	vld [tilespmem:s8+$0xFFFFFF20]  }
0x268: {  	v19 =	vmov s10  }
0x269: {  	v19 =	vshrl.u32 v19, $0x3  }
0x26a: {  	v19 =	vshll.u32 v19, v1  }
0x26b: {  	v19 =	vbroadcast v19, $0x0  }
0x26c: {  	[tilespmem:v18+s24+$0x0] =	vst.idx.msk $0xffff, v17  }
0x26d: {  	v18 =	vadd.s32 v3, v19;
	v17 =	vld [tilespmem:s8+$0xFFFFFF30];
	_ =	sdelay $0x4  }
0x26e: {  	[tilespmem:v18+s24+$0x0] =	vst.idx.msk $0xffff, v17  }
0x26f: {  	s10 =	sadd.s32 $0xFFFFFFFB, s14;
	v18 =	vadd.s32 v4, v19;
	v17 =	vld [tilespmem:s8+$0xFFFFFF40]  }
0x270: {  	v19 =	vmov s10  }
0x271: {  	v19 =	vshrl.u32 v19, $0x3  }
0x272: {  	v19 =	vshll.u32 v19, v1  }
0x273: {  	v19 =	vbroadcast v19, $0x0  }
0x274: {  	[tilespmem:v18+s24+$0x0] =	vst.idx.msk $0xffff, v17  }
0x275: {  	v18 =	vadd.s32 v5, v19;
	v17 =	vld [tilespmem:s8+$0xFFFFFF50];
	_ =	sdelay $0x4  }
0x276: {  	[tilespmem:v18+s24+$0x0] =	vst.idx.msk $0xffff, v17  }
0x277: {  	s10 =	sadd.s32 $0xFFFFFFFC, s14;
	v18 =	vadd.s32 v6, v19;
	v17 =	vld [tilespmem:s8+$0xFFFFFF60]  }
0x278: {  	v19 =	vmov s10  }
0x279: {  	v19 =	vshrl.u32 v19, $0x3  }
0x27a: {  	v19 =	vshll.u32 v19, v1  }
0x27b: {  	v19 =	vbroadcast v19, $0x0  }
0x27c: {  	[tilespmem:v18+s24+$0x0] =	vst.idx.msk $0xffff, v17  }
0x27d: {  	v18 =	vadd.s32 v7, v19;
	v17 =	vld [tilespmem:s8+$0xFFFFFF70];
	_ =	sdelay $0x4  }
0x27e: {  	[tilespmem:v18+s24+$0x0] =	vst.idx.msk $0xffff, v17  }
0x27f: {  	s10 =	sadd.s32 $0xFFFFFFFD, s14;
	v18 =	vadd.s32 v8, v19;
	v17 =	vld [tilespmem:s8+$0xFFFFFF80]  }
0x280: {  	v19 =	vmov s10  }
0x281: {  	v19 =	vshrl.u32 v19, $0x3  }
0x282: {  	v19 =	vshll.u32 v19, v1  }
0x283: {  	v19 =	vbroadcast v19, $0x0  }
0x284: {  	[tilespmem:v18+s24+$0x0] =	vst.idx.msk $0xffff, v17  }
0x285: {  	v18 =	vadd.s32 v9, v19;
	v17 =	vld [tilespmem:s8+$0xFFFFFF90];
	_ =	sdelay $0x4  }
0x286: {  	[tilespmem:v18+s24+$0x0] =	vst.idx.msk $0xffff, v17  }
0x287: {  	s10 =	sadd.s32 $0xFFFFFFFE, s14;
	v18 =	vadd.s32 v10, v19;
	v17 =	vld [tilespmem:s8+$0xFFFFFFA0]  }
0x288: {  	v19 =	vmov s10  }
0x289: {  	v19 =	vshrl.u32 v19, $0x3  }
0x28a: {  	v19 =	vshll.u32 v19, v1  }
0x28b: {  	v19 =	vbroadcast v19, $0x0  }
0x28c: {  	[tilespmem:v18+s24+$0x0] =	vst.idx.msk $0xffff, v17  }
0x28d: {  	v18 =	vadd.s32 v11, v19;
	v17 =	vld [tilespmem:s8+$0xFFFFFFB0];
	_ =	sdelay $0x4  }
0x28e: {  	[tilespmem:v18+s24+$0x0] =	vst.idx.msk $0xffff, v17  }
0x28f: {  	s10 =	sadd.s32 $0xFFFFFFFF, s14;
	v18 =	vadd.s32 v12, v19;
	v17 =	vld [tilespmem:s8+$0xFFFFFFC0]  }
0x290: {  	v19 =	vmov s10  }
0x291: {  	v19 =	vshrl.u32 v19, $0x3  }
0x292: {  	v19 =	vshll.u32 v19, v1  }
0x293: {  	v19 =	vbroadcast v19, $0x0  }
0x294: {  	[tilespmem:v18+s24+$0x0] =	vst.idx.msk $0xffff, v17  }
0x295: {  	v18 =	vadd.s32 v13, v19;
	v17 =	vld [tilespmem:s8+$0xFFFFFFD0];
	_ =	sdelay $0x4  }
0x296: {  	[tilespmem:v18+s24+$0x0] =	vst.idx.msk $0xffff, v17  }
0x297: {  	v18 =	vadd.s32 v14, v19;
	v17 =	vld [tilespmem:s8+$0xFFFFFFE0]  }
0x298: {  	v19 =	vmov s14  }
0x299: {  	v19 =	vshrl.u32 v19, $0x3  }
0x29a: {  	v19 =	vshll.u32 v19, v1  }
0x29b: {  	v19 =	vbroadcast v19, $0x0  }
0x29c: {  	[tilespmem:v18+s24+$0x0] =	vst.idx.msk $0xffff, v17  }
0x29d: {  	v18 =	vadd.s32 v15, v19;
	v17 =	vld [tilespmem:s8+$0xFFFFFFF0];
	_ =	sdelay $0x4  }
0x29e: {  	[tilespmem:v18+s24+$0x0] =	vst.idx.msk $0xffff, v17  }
0x29f: {  	v18 =	vadd.s32 v16, v19;
	v17 =	vld [tilespmem:s8+$0x0]  }
0x2a0: {  	s14 =	sadd.s32 s7, s19  }
0x2a1: {  	s19 =	sshll.u32 s14, $0x4  }
0x2a2: {  	s0 =	sshll.u32 s14, $0x9;
	s8 =	sand.u32 $0x60, s19  }
0x2a3: {  	s0 =	sand.u32 $0xFFFF000, s0;
	s8 =	sadd.s32 s3, s8  }
0x2a4: {  	s0 =	sadd.s32 s0, s8;
	[tilespmem:v18+s24+$0x0] =	vst.idx.msk $0xffff, v17  }
0x2a5: {  	[hbm4b:s0+s16] =	stream.strided.scatter [tilespmem:s24], [sflag:$0x5], $0x1000, s25, s16, $0x38;
	[tilespmem:$0x6200] =	vst v63  }
0x2a6: {  	s0 =	sadd.s32 @!p0 s9, s13  }
0x2a7: {  	s0 =	sshrl.u32 @!p0 s0, $0x3  }
0x2a8: {  	s8 =	simm.s32 @!p0 $0x0;
	s9 =	simm.s32 @!p0 $0x100;
	s0 =	sadd.s32 @!p0 s2, s0  }
0x2a9: {  	[tilespmem:s9], [sflag:$0x7] =	stream.linear.gather @!p0 [hbm4b:s0+s8], $0x80, $0x38;
	[tilespmem:$0x6200] =	vst v63  }
0x2aa: {  	s0 =	simm.s32 @!p0 $0x7  }
0x2ab: {  	_ =	swait.ge @!p0 [sflag:s0], $0x80  }
0x2ac: {  	[sflag:s0] =	ssyncset.done @!p0 $0x0  }
0x2ad: {  	s8 =	simm.s32 @!p0 $0x2200;
	[sflag:s0] =	ssyncadd.s32 @!p0 $0xFFFFFF80;
	s0 =	simm.s32 @!p0 $0x80  }
0x2ae: {  	[tilespmem:s8], [sflag:$0x3] =	stream.indirect.gather @!p0 [hbm4b:s6+s0], $0x20, s9, s0, $0xb8;
	[tilespmem:$0x6200] =	vst v63  }
0x2af: {  	s9 =	simm.s32 $0x0;
	_ =	swait.ge [sflag:s1], $0x1000  }
0x2b0: {  	v17 =	vmov s9;
	[sflag:s1] =	ssyncset.done $0x0  }
0x2b1: {  	v17 =	vshrl.u32 v17, $0x3;
	[sflag:s1] =	ssyncadd.s32 $0xFFFFF000  }
0x2b2: {  	v17 =	vshll.u32 v17, v1;
	_ =	swait.ge [sflag:s28], $0x1000  }
0x2b3: {  	v17 =	vbroadcast v17, $0x0;
	[sflag:s28] =	ssyncset.done $0x0  }
0x2b4: {  	s9 =	simm.s32 $0x32F0;
	[sflag:s28] =	ssyncadd.s32 $0xFFFFF000  }
0x2b5: {  	v19 =	vor.u32 v0, v17;
	v18 =	vld [tilespmem:s9+$0xFFFFFF10];
	_ =	sdelay $0x4  }
0x2b6: {  	[tilespmem:v19+s29+$0x0] =	vst.idx.msk $0xffff, v18  }
0x2b7: {  	s10 =	simm.s32 $0x1;
	v17 =	vor.u32 v2, v17;
	v18 =	vld [tilespmem:s9+$0xFFFFFF20]  }
0x2b8: {  	v19 =	vmov s10  }
0x2b9: {  	v19 =	vshrl.u32 v19, $0x3  }
0x2ba: {  	v19 =	vshll.u32 v19, v1  }
0x2bb: {  	v19 =	vbroadcast v19, $0x0  }
0x2bc: {  	[tilespmem:v17+s29+$0x0] =	vst.idx.msk $0xffff, v18  }
0x2bd: {  	v18 =	vadd.s32 v3, v19;
	v17 =	vld [tilespmem:s9+$0xFFFFFF30];
	_ =	sdelay $0x4  }
0x2be: {  	[tilespmem:v18+s29+$0x0] =	vst.idx.msk $0xffff, v17  }
0x2bf: {  	s14 =	simm.s32 $0x2;
	v18 =	vadd.s32 v4, v19;
	v17 =	vld [tilespmem:s9+$0xFFFFFF40]  }
0x2c0: {  	v19 =	vmov s14  }
0x2c1: {  	v19 =	vshrl.u32 v19, $0x3  }
0x2c2: {  	v19 =	vshll.u32 v19, v1  }
0x2c3: {  	v19 =	vbroadcast v19, $0x0  }
0x2c4: {  	[tilespmem:v18+s29+$0x0] =	vst.idx.msk $0xffff, v17  }
0x2c5: {  	v18 =	vadd.s32 v5, v19;
	v17 =	vld [tilespmem:s9+$0xFFFFFF50];
	_ =	sdelay $0x4  }
0x2c6: {  	[tilespmem:v18+s29+$0x0] =	vst.idx.msk $0xffff, v17  }
0x2c7: {  	s19 =	simm.s32 $0x3;
	v18 =	vadd.s32 v6, v19;
	v17 =	vld [tilespmem:s9+$0xFFFFFF60]  }
0x2c8: {  	v19 =	vmov s19  }
0x2c9: {  	v19 =	vshrl.u32 v19, $0x3  }
0x2ca: {  	v19 =	vshll.u32 v19, v1  }
0x2cb: {  	v19 =	vbroadcast v19, $0x0  }
0x2cc: {  	[tilespmem:v18+s29+$0x0] =	vst.idx.msk $0xffff, v17  }
0x2cd: {  	v18 =	vadd.s32 v7, v19;
	v17 =	vld [tilespmem:s9+$0xFFFFFF70];
	_ =	sdelay $0x4  }
0x2ce: {  	[tilespmem:v18+s29+$0x0] =	vst.idx.msk $0xffff, v17  }
0x2cf: {  	s8 =	simm.s32 $0x4;
	v18 =	vadd.s32 v8, v19;
	v17 =	vld [tilespmem:s9+$0xFFFFFF80]  }
0x2d0: {  	v19 =	vmov s8  }
0x2d1: {  	v19 =	vshrl.u32 v19, $0x3  }
0x2d2: {  	v19 =	vshll.u32 v19, v1  }
0x2d3: {  	v19 =	vbroadcast v19, $0x0  }
0x2d4: {  	[tilespmem:v18+s29+$0x0] =	vst.idx.msk $0xffff, v17  }
0x2d5: {  	v18 =	vadd.s32 v9, v19;
	v17 =	vld [tilespmem:s9+$0xFFFFFF90];
	_ =	sdelay $0x4  }
0x2d6: {  	[tilespmem:v18+s29+$0x0] =	vst.idx.msk $0xffff, v17  }
0x2d7: {  	s10 =	simm.s32 $0x5;
	v18 =	vadd.s32 v10, v19;
	v17 =	vld [tilespmem:s9+$0xFFFFFFA0]  }
0x2d8: {  	v19 =	vmov s10  }
0x2d9: {  	v19 =	vshrl.u32 v19, $0x3  }
0x2da: {  	v19 =	vshll.u32 v19, v1  }
0x2db: {  	v19 =	vbroadcast v19, $0x0  }
0x2dc: {  	[tilespmem:v18+s29+$0x0] =	vst.idx.msk $0xffff, v17  }
0x2dd: {  	v18 =	vadd.s32 v11, v19;
	v17 =	vld [tilespmem:s9+$0xFFFFFFB0];
	_ =	sdelay $0x4  }
0x2de: {  	[tilespmem:v18+s29+$0x0] =	vst.idx.msk $0xffff, v17  }
0x2df: {  	s14 =	simm.s32 $0x6;
	v18 =	vadd.s32 v12, v19;
	v17 =	vld [tilespmem:s9+$0xFFFFFFC0]  }
0x2e0: {  	v19 =	vmov s14  }
0x2e1: {  	v19 =	vshrl.u32 v19, $0x3  }
0x2e2: {  	v19 =	vshll.u32 v19, v1  }
0x2e3: {  	v19 =	vbroadcast v19, $0x0  }
0x2e4: {  	[tilespmem:v18+s29+$0x0] =	vst.idx.msk $0xffff, v17  }
0x2e5: {  	v18 =	vadd.s32 v13, v19;
	v17 =	vld [tilespmem:s9+$0xFFFFFFD0];
	_ =	sdelay $0x4  }
0x2e6: {  	[tilespmem:v18+s29+$0x0] =	vst.idx.msk $0xffff, v17  }
0x2e7: {  	s19 =	simm.s32 $0x7;
	v18 =	vadd.s32 v14, v19;
	v17 =	vld [tilespmem:s9+$0xFFFFFFE0]  }
0x2e8: {  	v19 =	vmov s19  }
0x2e9: {  	v19 =	vshrl.u32 v19, $0x3  }
0x2ea: {  	v19 =	vshll.u32 v19, v1  }
0x2eb: {  	v19 =	vbroadcast v19, $0x0  }
0x2ec: {  	[tilespmem:v18+s29+$0x0] =	vst.idx.msk $0xffff, v17  }
0x2ed: {  	v18 =	vadd.s32 v15, v19;
	v17 =	vld [tilespmem:s9+$0xFFFFFFF0];
	_ =	sdelay $0x4  }
0x2ee: {  	[tilespmem:v18+s29+$0x0] =	vst.idx.msk $0xffff, v17  }
0x2ef: {  	s0 =	simm.s32 $0x8;
	s8 =	simm.s32 $0x17;
	s10 =	simm.s32 $0xF;
	v18 =	vadd.s32 v16, v19;
	v17 =	vld [tilespmem:s9+$0x0]  }
.LBB2_13:
0x2f0: {  	p0 =	sne.s32 s8, $0x7F;
	v19 =	vmov s0  }
0x2f1: {  	v19 =	vshrl.u32 v19, $0x3  }
0x2f2: {  	v19 =	vshll.u32 v19, v1  }
0x2f3: {  	v19 =	vbroadcast v19, $0x0  }
0x2f4: {  	s9 =	sadd.s32 $0x100, s9;
	[tilespmem:v18+s29+$0x0] =	vst.idx.msk $0xffff, v17  }
0x2f5: {  	v17 =	vld [tilespmem:s9+$0xFFFFFF10];
	v18 =	vor.u32 v0, v19;
	_ =	sdelay $0x4  }
0x2f6: {  	[tilespmem:v18+s29+$0x0] =	vst.idx.msk $0xffff, v17  }
0x2f7: {  	s0 =	sadd.s32 $0xFFFFFFFA, s10;
	v18 =	vor.u32 v2, v19;
	v17 =	vld [tilespmem:s9+$0xFFFFFF20]  }
0x2f8: {  	v19 =	vmov s0  }
0x2f9: {  	v19 =	vshrl.u32 v19, $0x3  }
0x2fa: {  	v19 =	vshll.u32 v19, v1  }
0x2fb: {  	v19 =	vbroadcast v19, $0x0  }
0x2fc: {  	[tilespmem:v18+s29+$0x0] =	vst.idx.msk $0xffff, v17  }
0x2fd: {  	v18 =	vadd.s32 v3, v19;
	v17 =	vld [tilespmem:s9+$0xFFFFFF30];
	_ =	sdelay $0x4  }
0x2fe: {  	[tilespmem:v18+s29+$0x0] =	vst.idx.msk $0xffff, v17  }
0x2ff: {  	s0 =	sadd.s32 $0xFFFFFFFB, s10;
	v18 =	vadd.s32 v4, v19;
	v17 =	vld [tilespmem:s9+$0xFFFFFF40]  }
0x300: {  	v19 =	vmov s0  }
0x301: {  	v19 =	vshrl.u32 v19, $0x3  }
0x302: {  	v19 =	vshll.u32 v19, v1  }
0x303: {  	v19 =	vbroadcast v19, $0x0  }
0x304: {  	[tilespmem:v18+s29+$0x0] =	vst.idx.msk $0xffff, v17  }
0x305: {  	v18 =	vadd.s32 v5, v19;
	v17 =	vld [tilespmem:s9+$0xFFFFFF50];
	_ =	sdelay $0x4  }
0x306: {  	[tilespmem:v18+s29+$0x0] =	vst.idx.msk $0xffff, v17  }
0x307: {  	s0 =	sadd.s32 $0xFFFFFFFC, s10;
	v18 =	vadd.s32 v6, v19;
	v17 =	vld [tilespmem:s9+$0xFFFFFF60]  }
0x308: {  	v19 =	vmov s0  }
0x309: {  	v19 =	vshrl.u32 v19, $0x3  }
0x30a: {  	v19 =	vshll.u32 v19, v1  }
0x30b: {  	v19 =	vbroadcast v19, $0x0  }
0x30c: {  	[tilespmem:v18+s29+$0x0] =	vst.idx.msk $0xffff, v17  }
0x30d: {  	v18 =	vadd.s32 v7, v19;
	v17 =	vld [tilespmem:s9+$0xFFFFFF70];
	_ =	sdelay $0x4  }
0x30e: {  	[tilespmem:v18+s29+$0x0] =	vst.idx.msk $0xffff, v17  }
0x30f: {  	s0 =	sadd.s32 $0xFFFFFFFD, s10;
	v18 =	vadd.s32 v8, v19;
	v17 =	vld [tilespmem:s9+$0xFFFFFF80]  }
0x310: {  	v19 =	vmov s0  }
0x311: {  	v19 =	vshrl.u32 v19, $0x3  }
0x312: {  	v19 =	vshll.u32 v19, v1  }
0x313: {  	v19 =	vbroadcast v19, $0x0  }
0x314: {  	[tilespmem:v18+s29+$0x0] =	vst.idx.msk $0xffff, v17  }
0x315: {  	v18 =	vadd.s32 v9, v19;
	v17 =	vld [tilespmem:s9+$0xFFFFFF90];
	_ =	sdelay $0x4  }
0x316: {  	[tilespmem:v18+s29+$0x0] =	vst.idx.msk $0xffff, v17  }
0x317: {  	s0 =	sadd.s32 $0xFFFFFFFE, s10;
	v18 =	vadd.s32 v10, v19;
	v17 =	vld [tilespmem:s9+$0xFFFFFFA0]  }
0x318: {  	v19 =	vmov s0  }
0x319: {  	v19 =	vshrl.u32 v19, $0x3  }
0x31a: {  	v19 =	vshll.u32 v19, v1  }
0x31b: {  	v19 =	vbroadcast v19, $0x0  }
0x31c: {  	[tilespmem:v18+s29+$0x0] =	vst.idx.msk $0xffff, v17  }
0x31d: {  	v18 =	vadd.s32 v11, v19;
	v17 =	vld [tilespmem:s9+$0xFFFFFFB0];
	_ =	sdelay $0x4  }
0x31e: {  	[tilespmem:v18+s29+$0x0] =	vst.idx.msk $0xffff, v17  }
0x31f: {  	s0 =	sadd.s32 $0xFFFFFFFF, s10;
	v18 =	vadd.s32 v12, v19;
	v17 =	vld [tilespmem:s9+$0xFFFFFFC0]  }
0x320: {  	v19 =	vmov s0  }
0x321: {  	v19 =	vshrl.u32 v19, $0x3  }
0x322: {  	v19 =	vshll.u32 v19, v1  }
0x323: {  	v19 =	vbroadcast v19, $0x0  }
0x324: {  	[tilespmem:v18+s29+$0x0] =	vst.idx.msk $0xffff, v17  }
0x325: {  	v18 =	vadd.s32 v13, v19;
	v17 =	vld [tilespmem:s9+$0xFFFFFFD0];
	_ =	sdelay $0x4  }
0x326: {  	[tilespmem:v18+s29+$0x0] =	vst.idx.msk $0xffff, v17  }
0x327: {  	v18 =	vadd.s32 v14, v19;
	v17 =	vld [tilespmem:s9+$0xFFFFFFE0]  }
0x328: {  	v19 =	vmov s10;
	s10 =	smov.u32 s8  }
0x329: {  	v19 =	vshrl.u32 v19, $0x3  }
0x32a: {  	v19 =	vshll.u32 v19, v1  }
0x32b: {  	v19 =	vbroadcast v19, $0x0  }
0x32c: {  	[tilespmem:v18+s29+$0x0] =	vst.idx.msk $0xffff, v17  }
0x32d: {  	v18 =	vadd.s32 v15, v19;
	v17 =	vld [tilespmem:s9+$0xFFFFFFF0];
	_ =	sdelay $0x1  }
.Ltmp6:
0x32e: {  	(pc) =	sbr.rel @p0 .LBB2_13-.Ltmp6, $3  }
0x32f: {  	_ =	sdelay $0x1  }
0x330: {  	[tilespmem:v18+s29+$0x0] =	vst.idx.msk $0xffff, v17  }
0x331: {  	s8 =	sadd.s32 $0x8, s8;
	s0 =	sadd.s32 $0xFFFFFFF9, s10;
	v18 =	vadd.s32 v16, v19;
	v17 =	vld [tilespmem:s9+$0x0]  }
0x332: {  	v19 =	vmov s0  }
0x333: {  	v19 =	vshrl.u32 v19, $0x3  }
0x334: {  	v19 =	vshll.u32 v19, v1  }
0x335: {  	v19 =	vbroadcast v19, $0x0  }
0x336: {  	s8 =	sadd.s32 $0x100, s9;
	[tilespmem:v18+s29+$0x0] =	vst.idx.msk $0xffff, v17  }
0x337: {  	v17 =	vld [tilespmem:s8+$0xFFFFFF10];
	v18 =	vor.u32 v0, v19;
	_ =	sdelay $0x4  }
0x338: {  	[tilespmem:v18+s29+$0x0] =	vst.idx.msk $0xffff, v17  }
0x339: {  	s19 =	sadd.s32 $0xFFFFFFFA, s10;
	v18 =	vor.u32 v2, v19;
	v17 =	vld [tilespmem:s8+$0xFFFFFF20]  }
0x33a: {  	v19 =	vmov s19  }
0x33b: {  	v19 =	vshrl.u32 v19, $0x3  }
0x33c: {  	v19 =	vshll.u32 v19, v1  }
0x33d: {  	v19 =	vbroadcast v19, $0x0  }
0x33e: {  	[tilespmem:v18+s29+$0x0] =	vst.idx.msk $0xffff, v17  }
0x33f: {  	v18 =	vadd.s32 v3, v19;
	v17 =	vld [tilespmem:s8+$0xFFFFFF30];
	_ =	sdelay $0x4  }
0x340: {  	[tilespmem:v18+s29+$0x0] =	vst.idx.msk $0xffff, v17  }
0x341: {  	s9 =	sadd.s32 $0xFFFFFFFB, s10;
	v18 =	vadd.s32 v4, v19;
	v17 =	vld [tilespmem:s8+$0xFFFFFF40]  }
0x342: {  	v19 =	vmov s9  }
0x343: {  	v19 =	vshrl.u32 v19, $0x3  }
0x344: {  	v19 =	vshll.u32 v19, v1  }
0x345: {  	v19 =	vbroadcast v19, $0x0  }
0x346: {  	[tilespmem:v18+s29+$0x0] =	vst.idx.msk $0xffff, v17  }
0x347: {  	v18 =	vadd.s32 v5, v19;
	v17 =	vld [tilespmem:s8+$0xFFFFFF50];
	_ =	sdelay $0x4  }
0x348: {  	[tilespmem:v18+s29+$0x0] =	vst.idx.msk $0xffff, v17  }
0x349: {  	s14 =	sadd.s32 $0xFFFFFFFC, s10;
	v18 =	vadd.s32 v6, v19;
	v17 =	vld [tilespmem:s8+$0xFFFFFF60]  }
0x34a: {  	v19 =	vmov s14  }
0x34b: {  	v19 =	vshrl.u32 v19, $0x3  }
0x34c: {  	v19 =	vshll.u32 v19, v1  }
0x34d: {  	v19 =	vbroadcast v19, $0x0  }
0x34e: {  	[tilespmem:v18+s29+$0x0] =	vst.idx.msk $0xffff, v17  }
0x34f: {  	v18 =	vadd.s32 v7, v19;
	v17 =	vld [tilespmem:s8+$0xFFFFFF70];
	_ =	sdelay $0x4  }
0x350: {  	[tilespmem:v18+s29+$0x0] =	vst.idx.msk $0xffff, v17  }
0x351: {  	s19 =	sadd.s32 $0xFFFFFFFD, s10;
	v18 =	vadd.s32 v8, v19;
	v17 =	vld [tilespmem:s8+$0xFFFFFF80]  }
0x352: {  	v19 =	vmov s19  }
0x353: {  	v19 =	vshrl.u32 v19, $0x3  }
0x354: {  	v19 =	vshll.u32 v19, v1  }
0x355: {  	v19 =	vbroadcast v19, $0x0  }
0x356: {  	[tilespmem:v18+s29+$0x0] =	vst.idx.msk $0xffff, v17  }
0x357: {  	v18 =	vadd.s32 v9, v19;
	v17 =	vld [tilespmem:s8+$0xFFFFFF90];
	_ =	sdelay $0x4  }
0x358: {  	[tilespmem:v18+s29+$0x0] =	vst.idx.msk $0xffff, v17  }
0x359: {  	s9 =	sadd.s32 $0xFFFFFFFE, s10;
	v18 =	vadd.s32 v10, v19;
	v17 =	vld [tilespmem:s8+$0xFFFFFFA0]  }
0x35a: {  	v19 =	vmov s9  }
0x35b: {  	v19 =	vshrl.u32 v19, $0x3  }
0x35c: {  	v19 =	vshll.u32 v19, v1  }
0x35d: {  	v19 =	vbroadcast v19, $0x0  }
0x35e: {  	[tilespmem:v18+s29+$0x0] =	vst.idx.msk $0xffff, v17  }
0x35f: {  	v18 =	vadd.s32 v11, v19;
	v17 =	vld [tilespmem:s8+$0xFFFFFFB0];
	_ =	sdelay $0x4  }
0x360: {  	[tilespmem:v18+s29+$0x0] =	vst.idx.msk $0xffff, v17  }
0x361: {  	s14 =	sadd.s32 $0xFFFFFFFF, s10;
	v18 =	vadd.s32 v12, v19;
	v17 =	vld [tilespmem:s8+$0xFFFFFFC0]  }
0x362: {  	v19 =	vmov s14  }
0x363: {  	v19 =	vshrl.u32 v19, $0x3  }
0x364: {  	v19 =	vshll.u32 v19, v1  }
0x365: {  	v19 =	vbroadcast v19, $0x0  }
0x366: {  	[tilespmem:v18+s29+$0x0] =	vst.idx.msk $0xffff, v17  }
0x367: {  	v18 =	vadd.s32 v13, v19;
	v17 =	vld [tilespmem:s8+$0xFFFFFFD0];
	_ =	sdelay $0x4  }
0x368: {  	[tilespmem:v18+s29+$0x0] =	vst.idx.msk $0xffff, v17  }
0x369: {  	v18 =	vadd.s32 v14, v19;
	v17 =	vld [tilespmem:s8+$0xFFFFFFE0]  }
0x36a: {  	v19 =	vmov s10  }
0x36b: {  	v19 =	vshrl.u32 v19, $0x3  }
0x36c: {  	v19 =	vshll.u32 v19, v1  }
0x36d: {  	v19 =	vbroadcast v19, $0x0  }
0x36e: {  	[tilespmem:v18+s29+$0x0] =	vst.idx.msk $0xffff, v17  }
0x36f: {  	v18 =	vadd.s32 v15, v19;
	v17 =	vld [tilespmem:s8+$0xFFFFFFF0];
	_ =	sdelay $0x4  }
0x370: {  	[tilespmem:v18+s29+$0x0] =	vst.idx.msk $0xffff, v17  }
0x371: {  	s18 =	sadd.s32 $0x1, s18;
	v18 =	vadd.s32 v16, v19;
	v17 =	vld [tilespmem:s8+$0x0]  }
0x372: {  	p0 =	sne.s32 s18, $0x19;
	s19 =	sadd.s32 s7, s20  }
.Ltmp7:
0x373: {  	s20 =	sshll.u32 s19, $0x4;
	(pc) =	sbr.rel @p0 .LBB2_2-.Ltmp7, $4  }
0x374: {  	s0 =	sshll.u32 s19, $0x9;
	s8 =	sand.u32 $0x70, s20  }
0x375: {  	s0 =	sand.u32 $0xFFFF000, s0;
	s8 =	sadd.s32 s3, s8  }
0x376: {  	s0 =	sadd.s32 s0, s8;
	[tilespmem:v18+s29+$0x0] =	vst.idx.msk $0xffff, v17  }
0x377: {  	[hbm4b:s0+s16] =	stream.strided.scatter [tilespmem:s29], [sflag:$0x6], $0x1000, s25, s16, $0x38;
	[tilespmem:$0x6200] =	vst v63  }
0x378: {  	_ =	swait.ge [sflag:s31], $0x1000  }
0x379: {  	[sflag:s31] =	ssyncset.done $0x0  }
0x37a: {  	[sflag:s31] =	ssyncadd.s32 $0xFFFFF000  }
0x37b: {  	_ =	swait.ge [sflag:s28], $0x1000  }
0x37c: {  	s8 =	rddreg [dreg:$0x8]  }
0x37d: {  	s0 =	rddreg [dreg:$0x7];
	s8 =	sadd.s32 $0x1, s8  }
0x37e: {  	p0 =	sne.s32 s8, s0  }
.Ltmp8:
0x37f: {  	_ = 	snop;
	(pc) =	sbr.rel @p0 .LBB2_1-.Ltmp8, $3  }
0x380: {  	_ =	sdelay $0x1  }
0x381: {  	[sflag:s28] =	ssyncset.done $0x0  }
0x382: {  	[sflag:s28] =	ssyncadd.s32 $0xFFFFF000  }
0x383: {  	_ =	sfence.sel $0x180000  }
0x384: {  	[bflag:$0x0] =	sbarrier.arrive $0xFFFF  }
0x385: {  	_ =	strace $0x9000004A  }
0x386: {  	s0 =	stileid.u32;
	[bflag:$0x2] =	sbarrier.arrive $0xFFFF  }
0x387: {  	p0 =	sne.s32 s0, $0x0;
	s0 =	rddreg [dreg:$0x3]  }
0x388: {  	s0 =	sadd.s32 @!p0 $0x100000, s0  }
0x389: {  	[sflag:s0] =	ssyncadd.tile.s32 @!p0 $0x1;
	_ =	shalt  }
.Lfunc_end2:
_tile_overlayer_lowered:
.L_overlay_start_2:
0x38a: {  	(tag) =	ssettag $0x2  }
0x38b: {  	s0 =	rddreg [dreg:$0x0];
	s2 =	stileid.u32  }
0x38c: {  	s1 =	rddreg [dreg:$0x1];
	p0 =	sne.s32 s2, $0x0  }
0x38d: {  	s3 =	rddreg [dreg:$0x2];
	[bflag:$0x3] =	sbarrier.arrive $0xFFFF;
	s2 =	simm.s32 @!p0 $0x1C07  }
0x38e: {  	[timem:s3], [sflag:s2] =	dma.local @!p0 [hbm:s0], s1  }
0x38f: {  	s0 =	simm.s32 @!p0 $0x7  }
0x390: {  	_ =	swait.ge @!p0 [sflag:s0], s1  }
0x391: {  	s1 =	ssub.s32 @!p0 $0x0, s1;
	[sflag:s0] =	ssyncset.done @!p0 $0x0  }
0x392: {  	[sflag:s0] =	ssyncadd.s32 @!p0 s1  }
0x393: {  	[bflag:$0x3] =	sbarrier.arrive $0xFFFF  }
0x394: {  	_ =	shalt  }

// kernel: kernel.8.cloned.1.call-start
scs
__scs_entry_jumppad:
0x0: {  	(pc) =	sbr.rel $0x88, $3  }
0x1: {  	(tag) =	ssettag $0x0;
	lr =	simm.s32 $0x1  }
0x2: {  	[smem:$0x3F97] =	sst lr;
	_ =	strace $0xD0000000  }
0x3: {  	_ = 	snop  }
0x4: {  	_ = 	snop  }
0x5: {  	_ = 	snop  }
0x6: {  	_ = 	snop  }
0x7: {  	_ = 	snop  }
__scs_overlays_trampoline_lowered:
0x8: {  	[smem:$0x3FA6] =	sst s0  }
0x9: {  	[smem:$0x3FA7] =	sst s1  }
0xa: {  	[smem:$0x3FA8] =	sst s2  }
0xb: {  	[smem:$0x3FA9] =	sst s3  }
0xc: {  	[smem:$0x3FAA] =	sst s4  }
0xd: {  	[smem:$0x3FAB] =	sst s5  }
0xe: {  	[smem:$0x3FAC] =	sst s6  }
0xf: {  	[smem:$0x3FAD] =	sst s7  }
0x10: {  	[smem:$0x3FAE] =	sst s8  }
0x11: {  	[smem:$0x3FAF] =	sst s9;
	s0 =	simm.s32 @!p0 $0x0  }
0x12: {  	s1 =	sld [smem:$0x3F95];
	s0 =	simm.s32 @p0 $0x1  }
0x13: {  	[smem:$0x3FB0] =	sst s0;
	s0 =	simm.s32 @!p1 $0x0  }
0x14: {  	s2 =	sld [smem:$0x3F94];
	s0 =	simm.s32 @p1 $0x1  }
0x15: {  	[smem:$0x3FB1] =	sst s0;
	s0 =	simm.s32 @!p2 $0x0  }
0x16: {  	s3 =	sld [smem:$0x3FDB];
	s0 =	simm.s32 @p2 $0x1  }
0x17: {  	s4 =	simm.s32 $0x1BF5;
	[smem:$0x3FB3] =	sst s0  }
0x18: {  	s0 =	sld [smem:$0x3F96];
	_ =	swait.ge [sflag:s4], $0x0  }
0x19: {  	s7 =	sld [smem:$0x3F97]  }
0x1a: {  	s8 =	sadd.s32 $0xFFFFE003, lr  }
0x1b: {  	s9 =	sadd.s32 $0xFFFFFEF7, lr;
	s5 =	simm.s32 $0xFFFFFFFF;
	p2 =	slt.u32 s8, $0xFFFFF086  }
0x1c: {  	p1 =	slt.u32 s9, $0xF7A;
	s5 =	simm.s32 @!p2 $0x0  }
0x1d: {  	s5 =	simm.s32 @p1 $0x1;
	p0 =	seq.s32 s7, s2  }
0x1e: {  	s7 =	smul.u32 @!p0 $0xF7A, s2;
	p2 =	seq.s32 @!p0 s5, $0x0  }
0x1f: {  	s9 =	smul.u32 $0xF7A, s1;
	s8 =	simm.s32 @!p0 $0x1BF5;
	p2 =	por !p2, p0  }
0x20: {  	[sflag:s8] =	ssyncset.s32 @!p0 $0xFFFFF086;
	s6 =	sadd.s32 @!p0 s3, s7;
	s7 =	simm.s32 @!p0 $0x108  }
0x21: {  	s3 =	sadd.s32 s3, s9;
	s6 =	sadd.s32 @!p0 $0x88, s6;
	s7 =	simm.s32 @p2 $0x1082  }
0x22: {  	[simem:s7], [sflag:s8] =	dma.local @!p0 [hbm:s6], $0xF7A  }
0x23: {  	s9 =	sor.u32 $0xD0000000, s2;
	s6 =	simm.s32 $0x108;
	_ =	swait.ge @!p0 [sflag:s8], $0x0  }
0x24: {  	s3 =	sadd.s32 $0x88, s3;
	s6 =	simm.s32 @!p1 $0x1082;
	[sflag:s4] =	ssyncset.s32 $0xFFFFF086  }
0x25: {  	[simem:s6], [sflag:s4] =	dma.local [hbm:s3], $0xF7A  }
0x26: {  	[smem:$0x3F97] =	sst s1;
	(tag) =	ssettag s2;
	_ =	strace s9  }
0x27: {  	s1 =	sld [smem:$0x3FA7]  }
0x28: {  	s2 =	sld [smem:$0x3FA8]  }
0x29: {  	s4 =	sld [smem:$0x3FAA]  }
0x2a: {  	p0 =	seq.s32 s5, $0x0;
	s5 =	sld [smem:$0x3FAB]  }
0x2b: {  	s6 =	sld [smem:$0x3FAC]  }
0x2c: {  	s7 =	sld [smem:$0x3FAD]  }
0x2d: {  	s3 =	simm.s32 $0x108;
	s8 =	sld [smem:$0x3FAE]  }
0x2e: {  	s3 =	simm.s32 @!p0 $0x1082;
	s9 =	sld [smem:$0x3FAF]  }
0x2f: {  	lr =	sadd.s32 s0, s3;
	s0 =	sld [smem:$0x3FA6]  }
0x30: {  	s3 =	sld [smem:$0x3FA9]  }
0x31: {  	[smem:$0x3FB2] =	sst s10  }
0x32: {  	s10 =	sld [smem:$0x3FB0];
	_ =	sdelay $0x3  }
0x33: {  	p0 =	seq.s32 s10, $0x1;
	s10 =	sld [smem:$0x3FB2];
	_ =	sdelay $0x3  }
0x34: {  	[smem:$0x3FB2] =	sst s10  }
0x35: {  	s10 =	sld [smem:$0x3FB1];
	_ =	sdelay $0x3  }
0x36: {  	p1 =	seq.s32 s10, $0x1;
	s10 =	sld [smem:$0x3FB2];
	_ =	sdelay $0x3  }
0x37: {  	[smem:$0x3FB2] =	sst s10  }
0x38: {  	s10 =	sld [smem:$0x3FB3]  }
0x39: {  	_ = 	snop;
	(pc) =	sbr.ind lr, $3  }
0x3a: {  	_ = 	snop  }
0x3b: {  	_ = 	snop  }
0x3c: {  	p2 =	seq.s32 s10, $0x1;
	s10 =	sld [smem:$0x3FB2]  }
0x3d: {  	_ =	shalt  }
0x3e: {  	_ =	shalt  }
0x3f: {  	_ =	shalt  }
0x40: {  	_ =	shalt  }
0x41: {  	_ =	shalt  }
0x42: {  	_ =	shalt  }
0x43: {  	_ =	shalt  }
0x44: {  	_ =	shalt  }
0x45: {  	_ =	shalt  }
0x46: {  	_ =	shalt  }
0x47: {  	_ =	shalt  }
0x48: {  	_ =	shalt  }
0x49: {  	_ =	shalt  }
0x4a: {  	_ =	shalt  }
0x4b: {  	_ =	shalt  }
0x4c: {  	_ =	shalt  }
0x4d: {  	_ =	shalt  }
0x4e: {  	_ =	shalt  }
0x4f: {  	_ =	shalt  }
0x50: {  	_ =	shalt  }
0x51: {  	_ =	shalt  }
0x52: {  	_ =	shalt  }
0x53: {  	_ =	shalt  }
0x54: {  	_ =	shalt  }
0x55: {  	_ =	shalt  }
0x56: {  	_ =	shalt  }
0x57: {  	_ =	shalt  }
0x58: {  	_ =	shalt  }
0x59: {  	_ =	shalt  }
0x5a: {  	_ =	shalt  }
0x5b: {  	_ =	shalt  }
0x5c: {  	_ =	shalt  }
0x5d: {  	_ =	shalt  }
0x5e: {  	_ =	shalt  }
0x5f: {  	_ =	shalt  }
0x60: {  	_ =	shalt  }
0x61: {  	_ =	shalt  }
0x62: {  	_ =	shalt  }
0x63: {  	_ =	shalt  }
0x64: {  	_ =	shalt  }
0x65: {  	_ =	shalt  }
0x66: {  	_ =	shalt  }
0x67: {  	_ =	shalt  }
0x68: {  	_ =	shalt  }
0x69: {  	_ =	shalt  }
0x6a: {  	_ =	shalt  }
0x6b: {  	_ =	shalt  }
0x6c: {  	_ =	shalt  }
0x6d: {  	_ =	shalt  }
0x6e: {  	_ =	shalt  }
0x6f: {  	_ =	shalt  }
0x70: {  	_ =	shalt  }
0x71: {  	_ =	shalt  }
0x72: {  	_ =	shalt  }
0x73: {  	_ =	shalt  }
0x74: {  	_ =	shalt  }
0x75: {  	_ =	shalt  }
0x76: {  	_ =	shalt  }
0x77: {  	_ =	shalt  }
0x78: {  	_ =	shalt  }
0x79: {  	_ =	shalt  }
0x7a: {  	_ =	shalt  }
0x7b: {  	_ =	shalt  }
0x7c: {  	_ =	shalt  }
0x7d: {  	_ =	shalt  }
0x7e: {  	_ =	shalt  }
0x7f: {  	_ =	shalt  }
0x80: {  	_ =	shalt  }
0x81: {  	_ =	shalt  }
0x82: {  	_ =	shalt  }
0x83: {  	_ =	shalt  }
0x84: {  	_ =	shalt  }
0x85: {  	_ =	shalt  }
0x86: {  	_ =	shalt  }
0x87: {  	_ =	shalt  }
.Lfunc_end0:
.L_simem_size_0:
called_computation.1_lowered:
.L_overlay_start_0:
0x88: {  	s2 =	sld [smem:$0x3FD9]  }
0x89: {  	s3 =	sld [smem:$0x3FFE];
	_ =	sdelay $0x1  }
0x8a: {  	s1 =	srdreg.scid  }
0x8b: {  	s0 =	sand.u32 $0x1, s1  }
0x8c: {  	s14 =	sshll.u32 s0, $0xA;
	s2 =	sadd.s32 s3, s2  }
0x8d: {  	s2 =	sadd.s32 s2, s14  }
0x8e: {  	[smem:$0x3FBE] =	sst s2  }
0x8f: {  	_ = 	snop  }
0x90: {  	s2 =	sld [smem:$0x3FD0];
	_ =	sdelay $0x2  }
0x91: {  	s15 =	simm.s32 $0xB;
	s4 =	simm.s32 $0x10  }
0x92: {  	[smem:s4], [sflag:s15] =	dma.local [hbm:s2], $0x1  }
0x93: {  	_ =	swait.eq [sflag:s15], $0x1  }
0x94: {  	[sflag:s15] =	ssyncset.done $0x0  }
0x95: {  	[sflag:s15] =	ssyncadd.s32 $0xFFFFFFFF  }
0x96: {  	s16 =	sld [smem:$0x10];
	(tm) =	ssettm $0x1  }
0x97: {  	s17 =	sld [smem:$0x3FFB];
	_ =	sdelay $0x3  }
0x98: {  	_ =	strace s17  }
0x99: {  	s3 =	sld [smem:$0x3FFC];
	_ =	sdelay $0x3  }
0x9a: {  	_ =	strace s3  }
0x9b: {  	s3 =	sld [smem:$0x3FFD];
	_ =	sdelay $0x3  }
0x9c: {  	_ =	strace s3  }
0x9d: {  	_ =	strace $0x8FFFFFFF  }
0x9e: {  	s18 =	sld [smem:$0x3FDB];
	_ =	sdelay $0x1  }
0x9f: {  	s19 =	simm.s32 $_scs_section_size  }
0xa0: {  	s5 =	simm.s32 $_size__tile_overlayer_lowered;
	s6 =	simm.s32 $_tile_overlayer_lowered  }
0xa1: {  	s22 =	simm.s32 $0x1BFF;
	s21 =	sshll.u32 s6, $0x1;
	s3 =	sadd.s32 s19, s18  }
0xa2: {  	s7 =	simm.s32 $0x0;
	s20 =	sshll.u32 s5, $0x1;
	s5 =	sadd.s32 s21, s3  }
0xa3: {  	[timem:s7], [sflag:s22] =	dma.local [hbm:s5], s20  }
0xa4: {  	_ =	swait.ge [sflag:s22], s20  }
0xa5: {  	s4 =	ssub.s32 $0x0, s20;
	[sflag:s22] =	ssyncset.done $0x0  }
0xa6: {  	[sflag:s22] =	ssyncadd.s32 s4;
	_ =	sdelay $0x1  }
0xa7: {  	s23 =	simm.s32 $0x1B8B  }
0xa8: {  	_ =	swait.ge [sflag:s23], $0x1  }
0xa9: {  	[sflag:s23] =	ssyncset.done $0x0  }
0xaa: {  	s25 =	simm.s32 $0x1B8E;
	s24 =	sld [smem:$0x3FFE];
	[sflag:s23] =	ssyncadd.s32 $0xFFFFFFFF  }
0xab: {  	s26 =	simm.s32 $execute0_lowered;
	[smem:$0x3FD2] =	sst s25  }
0xac: {  	s5 =	sshll.u32 s26, $0x1;
	_ =	strace $0x80000046;
	[dreg:$0x1] =	wrdreg $0xFFFFFFFF  }
0xad: {  	s28 =	simm.s32 $_size_execute0_lowered;
	s3 =	sadd.s32 s3, s5;
	[dreg:$0x0] =	wrdreg $0x0  }
0xae: {  	s5 =	sshll.u32 s28, $0x1;
	[dreg:$0x2] =	wrdreg s3  }
0xaf: {  	[dreg:$0x3] =	wrdreg s5  }
0xb0: {  	[dreg:$0x4] =	wrdreg $0xC0  }
0xb1: {  	_ =	task [dreg:s7], $0x5FFFF  }
0xb2: {  	[dreg:$0x1] =	wrdreg $0xFFFFFFFF  }
0xb3: {  	[dreg:$0x0] =	wrdreg $0x60  }
0xb4: {  	[dreg:$0x2] =	wrdreg s24  }
0xb5: {  	[dreg:$0x3] =	wrdreg s16  }
0xb6: {  	[dreg:$0x4] =	wrdreg $0xA  }
0xb7: {  	_ =	task.clear_ibuf [dreg:s7], $0x5FFFF;
	_ =	strace $0x90000046  }
0xb8: {  	s29 =	simm.s32 $0xA;
	_ =	strace $0x80000048  }
0xb9: {  	_ =	swait.ge [sflag:s29], $0x1  }
0xba: {  	[sflag:s29] =	ssyncadd.s32 $0xFFFFFFFF  }
0xbb: {  	_ =	strace $0x90000048  }
0xbc: {  	_ =	sfence  }
0xbd: {  	s30 =	sld [smem:$0x0];
	_ =	sdelay $0x2  }
0xbe: {  	s31 =	sshll.u32 s1, $0xD;
	s1 =	sshrl.u32 s1, $0x2  }
0xbf: {  	s3 =	sand.u32 $0x4000, s31;
	s1 =	sadd.s32 s1, s30  }
0xc0: {  	s0 =	sor.u32 s3, s0;
	s1 =	sshll.u32 s1, $0x11  }
0xc1: {  	s0 =	sor.u32 s1, s0  }
0xc2: {  	s0 =	sadd.s32 $0x8F2B, s0  }
0xc3: {  	[sflag:s0] =	ssyncadd.remote.s32 $0x1  }
0xc4: {  	_ =	sfence.sel $0xFFFF  }
0xc5: {  	[dreg:$0x0] =	wrdreg $0xFFFFFFFF;
	(pc) =	sbr.abs _section_cstart, $3  }
0xc6: {  	[dreg:$0x1] =	wrdreg $0xFFFFFFFF  }
0xc7: {  	_ =	task.clear_ibuf [dreg:s7], $0x2FFFF;
	_ =	strace $0x9FFFFFFF  }
0xc8: {  	(tm) =	ssettm $0x7FFFFFFF  }
0xc9: {  	_ =	shalt  }
tec
execute0_lowered:
.L_overlay_start_1:
0x0: {  	(tag) =	ssettag $0x1  }
0x1: {  	s1 =	srdreg.scid  }
0x2: {  	s0 =	stileid.u32;
	s6 =	sand.u32 $0x1, s1  }
0x3: {  	s5 =	rddreg [dreg:$0x0];
	s30 =	sshll.u32 s0, $0x8;
	s2 =	sshll.u32 s6, $0x7  }
0x4: {  	s8 =	rddreg [dreg:$0x1];
	s9 =	sor.u32 s2, s30  }
0x5: {  	s1 =	rddreg [dreg:$0x2];
	s2 =	simm.s32 $0x0;
	s3 =	sshrl.u32 s9, $0x3  }
0x6: {  	s10 =	ssub.s32 $0x2, s6;
	[smem:$0x7FF] =	sst s2;
	s3 =	sadd.s32 s3, s5  }
0x7: {  	_ =	strace $0x80000047;
	s4 =	sadd.s32 $0x3400, s3;
	s3 =	simm.s32 $0x2  }
0x8: {  	[tilespmem:s2], [sflag:$0x2] =	stream.linear.gather [hbm4b:s4+s2], $0x80, $0x38;
	[tilespmem:$0x1080] =	vst v63  }
0x9: {  	s7 =	simm.s32 $0x1;
	s11 =	sshrl.u32 s10, $0x1;
	_ =	swait.ge [sflag:s3], $0x80  }
0xa: {  	s6 =	simm.s32 $0x80;
	s10 =	ssub.s32 s10, s11;
	[sflag:s3] =	ssyncset.done $0x0  }
0xb: {  	s5 =	sadd.s32 $0x61DC00, s5;
	s31 =	smax.u32 s10, $0x1;
	[sflag:s3] =	ssyncadd.s32 $0xFFFFFF80  }
0xc: {  	[tilespmem:s6], [sflag:$0x1] =	stream.indirect.gather [hbm4b:s5+s6], $0x20, s2, s6, $0xb8;
	[tilespmem:$0x1080] =	vst v63  }
0xd: {  	p0 =	sne.s32 s31, $0x1;
	_ =	swait.ge [sflag:s7], $0x1000  }
.Ltmp0:
0xe: {  	s9 =	sshll.u32 s9, $0x2;
	[sflag:s7] =	ssyncset.done $0x0;
	(pc) =	sbr.rel @!p0 .LBB2_2-.Ltmp0, $4  }
0xf: {  	s8 =	sadd.s32 s8, s9;
	[sflag:s7] =	ssyncadd.s32 $0xFFFFF000  }
0x10: {  	[hbm4b:s8+s2] =	stream.linear.scatter [tilespmem:s6], [sflag:$0x2], $0x1000, $0x38;
	[tilespmem:$0x1080] =	vst v63  }
0x11: {  	_ =	swait.ge [sflag:s3], $0x1000  }
0x12: {  	s9 =	sadd.s32 $0xFFFFFFFF, s31;
	[sflag:s3] =	ssyncset.done $0x0  }
.LBB2_1:
0x13: {  	p0 =	sne.s32 s9, $0x1;
	s9 =	sadd.s32 $0xFFFFFFFF, s9;
	[sflag:s3] =	ssyncadd.s32 $0xFFFFF000  }
0x14: {  	[tilespmem:s2], [sflag:$0x2] =	stream.linear.gather [hbm4b:s4+s2], $0x80, $0x38;
	[tilespmem:$0x1080] =	vst v63  }
0x15: {  	_ =	swait.ge [sflag:s3], $0x80  }
0x16: {  	[sflag:s3] =	ssyncset.done $0x0  }
0x17: {  	[sflag:s3] =	ssyncadd.s32 $0xFFFFFF80  }
0x18: {  	[tilespmem:s6], [sflag:$0x1] =	stream.indirect.gather [hbm4b:s5+s6], $0x20, s2, s6, $0xb8;
	[tilespmem:$0x1080] =	vst v63  }
0x19: {  	_ =	swait.ge [sflag:s7], $0x1000  }
.Ltmp1:
0x1a: {  	[sflag:s7] =	ssyncset.done $0x0;
	(pc) =	sbr.rel @p0 .LBB2_1-.Ltmp1, $4  }
0x1b: {  	[sflag:s7] =	ssyncadd.s32 $0xFFFFF000  }
0x1c: {  	[hbm4b:s8+s2] =	stream.linear.scatter [tilespmem:s6], [sflag:$0x2], $0x1000, $0x38;
	[tilespmem:$0x1080] =	vst v63  }
0x1d: {  	_ =	swait.ge [sflag:s3], $0x1000  }
0x1e: {  	[sflag:s3] =	ssyncset.done $0x0  }
.LBB2_2:
0x1f: {  	[sflag:s3] =	ssyncadd.s32 $0xFFFFF000  }
0x20: {  	_ =	sfence.sel $0x180000  }
0x21: {  	[bflag:$0x0] =	sbarrier.arrive $0xFFFF  }
0x22: {  	p0 =	sne.s32 s0, $0x0;
	_ =	strace $0x90000047  }
0x23: {  	s0 =	sadd.s32 @!p0 $0x100000, s1;
	[bflag:$0x2] =	sbarrier.arrive $0xFFFF  }
0x24: {  	[sflag:s0] =	ssyncadd.tile.s32 @!p0 $0x1;
	_ =	shalt  }
.Lfunc_end2:
_tile_overlayer_lowered:
.L_overlay_start_2:
0x25: {  	(tag) =	ssettag $0x2  }
0x26: {  	s0 =	rddreg [dreg:$0x0];
	s2 =	stileid.u32  }
0x27: {  	s1 =	rddreg [dreg:$0x1];
	p0 =	sne.s32 s2, $0x0  }
0x28: {  	s3 =	rddreg [dreg:$0x2];
	[bflag:$0x3] =	sbarrier.arrive $0xFFFF;
	s2 =	simm.s32 @!p0 $0x1C02  }
0x29: {  	[timem:s3], [sflag:s2] =	dma.local @!p0 [hbm:s0], s1  }
0x2a: {  	s0 =	simm.s32 @!p0 $0x2  }
0x2b: {  	_ =	swait.ge @!p0 [sflag:s0], s1  }
0x2c: {  	s1 =	ssub.s32 @!p0 $0x0, s1;
	[sflag:s0] =	ssyncset.done @!p0 $0x0  }
0x2d: {  	[sflag:s0] =	ssyncadd.s32 @!p0 s1  }
0x2e: {  	[bflag:$0x3] =	sbarrier.arrive $0xFFFF  }
0x2f: {  	_ =	shalt  }

</sc_bundles>
